<compile_context>
chip_gen: v7x
topology: tpu7x:2x2x1
jax: 0.10.2.dev20260603
libtpu: 0.0.44.dev20260713+nightly
codegen_flags: <defaults>
</compile_context>

<pallas_src>
import functools

import jax
import jax.numpy as jnp
from jax import lax
from jax.experimental import pallas as pl
from jax.experimental.pallas import tpu as pltpu
from jax.experimental.pallas import tpu_sc as plsc

NC = 2
NS = 16
NW = NC * NS



def _sc_segment_sum(src3, dst3, p, z_acc, z_deg, ones_b, with_deg):
    _, NCH, CH = src3.shape
    W = p.shape[1]
    n = z_acc.shape[0]
    NR = n // NS

    K = 8
    NB = NCH // K

    out_types = [jax.ShapeDtypeStruct((NC, n, W), jnp.float32)]
    scratch = [
        pltpu.VMEM((NCH, CH), jnp.int32),
        pltpu.VMEM((NCH, CH), jnp.int32),
        pltpu.VMEM((K, CH, W), jnp.float32),
        pltpu.VMEM_SHARED((n, W), jnp.float32),
        pltpu.SemaphoreType.DMA((K,)),
        pltpu.SemaphoreType.DMA((K,)),
    ]
    if with_deg:
        out_types.append(jax.ShapeDtypeStruct((NC, n, 32), jnp.float32))
        scratch += [
            pltpu.VMEM((CH, 32), jnp.float32),
            pltpu.VMEM_SHARED((n, 32), jnp.float32),
        ]

    def body(src_h, dst_h, p_h, zacc_h, zdeg_h, ones_h, agg_o, *rest):
        if with_deg:
            degp_o, src_v, dst_v, rows_v, acc_sh, gsem, ssem, ones_v, deg_sh = rest
        else:
            src_v, dst_v, rows_v, acc_sh, gsem, ssem = rest
        c = lax.axis_index("c")
        s = lax.axis_index("s")
        wid = s * NC + c
        r0 = s * NR

        pltpu.sync_copy(src_h.at[wid], src_v)
        pltpu.sync_copy(dst_h.at[wid], dst_v)
        pltpu.sync_copy(zacc_h.at[pl.ds(r0, NR)], acc_sh.at[pl.ds(r0, NR)])
        if with_deg:
            pltpu.sync_copy(ones_h, ones_v)
            pltpu.sync_copy(zdeg_h.at[pl.ds(r0, NR)], deg_sh.at[pl.ds(r0, NR)])
        plsc.subcore_barrier()

        def pipe(b, carry):
            gds = [pltpu.async_copy(p_h.at[src_v.at[b * K + k]],
                                    rows_v.at[k], gsem.at[k])
                   for k in range(K)]
            sds = []
            for k in range(K):
                gds[k].wait()
                j = b * K + k
                sds.append(pltpu.async_copy(rows_v.at[k],
                                            acc_sh.at[dst_v.at[j]],
                                            ssem.at[k], add=True))
                if with_deg:
                    sds.append(pltpu.async_copy(ones_v, deg_sh.at[dst_v.at[j]],
                                                ssem.at[k], add=True))
            for d in sds:
                d.wait()
            return carry

        lax.fori_loop(0, NB, pipe, 0)
        plsc.subcore_barrier()

        pltpu.sync_copy(acc_sh.at[pl.ds(r0, NR)], agg_o.at[c, pl.ds(r0, NR)])
        if with_deg:
            pltpu.sync_copy(deg_sh.at[pl.ds(r0, NR)],
                            degp_o.at[c, pl.ds(r0, NR)])

    f = pl.kernel(
        body,
        out_type=tuple(out_types) if with_deg else out_types[0],
        mesh=plsc.VectorSubcoreMesh(core_axis_name="c", subcore_axis_name="s",
                                    num_cores=NC, num_subcores=NS),
        scratch_types=tuple(scratch),
        compiler_params=pltpu.CompilerParams(use_tc_tiling_on_sc=False),
    )
    return f(src3, dst3, p, z_acc, z_deg, ones_b)



def _dot_t(a, w):
    return lax.dot_general(a, w, (((1,), (1,)), ((), ())),
                           preferred_element_type=jnp.float32)


def _unpack4(a):
    m = a.shape[0]
    parts = [a[:, 32 * j:32 * (j + 1)] for j in range(4)]
    return jnp.stack(parts, axis=1).reshape(4 * m, 32)


def _tc_project(x, Wl, Wr, bl, npad):
    n, d = x.shape
    h = Wl.shape[0]

    def body(x_ref, wl_ref, wr_ref, bl_ref, p_ref, r_ref):
        xb = x_ref[...]
        p_ref[:n, :h] = _dot_t(xb, wl_ref[...])
        r_ref[:n, :] = _dot_t(xb, wr_ref[...]) + bl_ref[...]

    return pl.pallas_call(
        body,
        out_shape=[jax.ShapeDtypeStruct((npad, 128), jnp.float32),
                   jax.ShapeDtypeStruct((npad, h), jnp.float32)],
    )(x, Wl, Wr, bl.reshape(1, h))


def _combine(agg_blk, deg_blk, r):
    a = agg_blk[0] + agg_blk[1]
    dg = deg_blk[0] + deg_blk[1]
    mean = _unpack4(a / jnp.maximum(dg, 1.0))
    out = mean + r
    nrm = jnp.sqrt(jnp.sum(out * out, axis=-1, keepdims=True))
    return out / jnp.maximum(nrm, 1e-12)


def _tc_layer2_in(aggpk, degpk, r1, Wl2p, Wr2p, bl2p, br=1280):
    npad, w = r1.shape

    def body(agg_ref, deg_ref, r1_ref, wl_ref, wr_ref, bl_ref,
             p2_ref, r2_ref):
        h = jnp.maximum(
            _combine(agg_ref[...], deg_ref[...], r1_ref[...]), 0.0)
        p2_ref[:, :w] = _dot_t(h, wl_ref[...])
        r2_ref[...] = _dot_t(h, wr_ref[...]) + bl_ref[...]

    return pl.pallas_call(
        body,
        grid=(npad // br,),
        in_specs=[
            pl.BlockSpec((NC, br // 4, 128), lambda i: (0, i, 0)),
            pl.BlockSpec((NC, br // 4, 128), lambda i: (0, i, 0)),
            pl.BlockSpec((br, w), lambda i: (i, 0)),
            pl.BlockSpec((w, w), lambda i: (0, 0)),
            pl.BlockSpec((w, w), lambda i: (0, 0)),
            pl.BlockSpec((1, w), lambda i: (0, 0)),
        ],
        out_specs=[
            pl.BlockSpec((br, 128), lambda i: (i, 0)),
            pl.BlockSpec((br, w), lambda i: (i, 0)),
        ],
        out_shape=[jax.ShapeDtypeStruct((npad, 128), jnp.float32),
                   jax.ShapeDtypeStruct((npad, w), jnp.float32)],
    )(aggpk, degpk, r1, Wl2p, Wr2p, bl2p)


def _tc_head(aggpk, degpk, r2, Wlinp, blin, br=1280):
    npad, w = r2.shape
    co = Wlinp.shape[0]

    def body(agg_ref, deg_ref, r2_ref, wl_ref, bl_ref, o_ref):
        h2 = _combine(agg_ref[...], deg_ref[...], r2_ref[...])
        logits = _dot_t(h2, wl_ref[...]) + bl_ref[...]
        m = jnp.max(logits, axis=-1, keepdims=True)
        e = jnp.exp(logits - m)
        o_ref[...] = e / jnp.sum(e, axis=-1, keepdims=True)

    return pl.pallas_call(
        body,
        grid=(npad // br,),
        in_specs=[
            pl.BlockSpec((NC, br // 4, 128), lambda i: (0, i, 0)),
            pl.BlockSpec((NC, br // 4, 128), lambda i: (0, i, 0)),
            pl.BlockSpec((br, w), lambda i: (i, 0)),
            pl.BlockSpec((co, w), lambda i: (0, 0)),
            pl.BlockSpec((1, co), lambda i: (0, 0)),
        ],
        out_specs=pl.BlockSpec((br, co), lambda i: (i, 0)),
        out_shape=jax.ShapeDtypeStruct((npad, co), jnp.float32),
    )(aggpk, degpk, r2, Wlinp, blin.reshape(1, co))



def kernel(x, edge_index, Wl1, bl1, Wr1, Wl2, bl2, Wr2, Wlin, blin):
    n, d = x.shape
    e = edge_index.shape[1]
    h1 = Wl1.shape[0]
    h2 = Wl2.shape[0]

    ec = e // NW
    ch = 125
    nch = ec // ch
    src3 = (edge_index[0] * 4).reshape(NW, nch, ch)
    dst3 = edge_index[1].reshape(NW, nch, ch)

    npad = ((n + 1023) // 1024) * 1024
    z_acc = jnp.zeros((npad, h1), jnp.float32)
    z_deg = jnp.zeros((npad, 32), jnp.float32)
    ones_b = jnp.ones((ch, 32), jnp.float32)

    Wl2p = jnp.pad(Wl2, ((0, h1 - h2), (0, 0)))
    Wr2p = jnp.pad(Wr2, ((0, h1 - h2), (0, 0)))
    bl2p = jnp.pad(bl2, (0, h1 - h2)).reshape(1, h1)
    Wlinp = jnp.pad(Wlin, ((0, 0), (0, h1 - h2)))

    p1t, r1 = _tc_project(x, Wl1, Wr1, bl1, npad)
    aggp1, degp = _sc_segment_sum(src3, dst3, p1t.reshape(4 * npad, h1),
                                  z_acc, z_deg, ones_b, True)
    aggp1k = aggp1.reshape(NC, npad // 4, 128)
    degpk = degp.reshape(NC, npad // 4, 128)
    p2t, r2 = _tc_layer2_in(aggp1k, degpk, r1, Wl2p, Wr2p, bl2p)
    aggp2 = _sc_segment_sum(src3, dst3, p2t.reshape(4 * npad, h1),
                            z_acc, z_deg, ones_b, False)
    out = _tc_head(aggp2.reshape(NC, npad // 4, 128), degpk, r2, Wlinp, blin)
    return out[:n]

# --- scband reference (transcript-rebuilt; emitter-appended) ---
"""Pipeline reference for scband-gcn-22093311771207 (READ-ONLY COPY).

The authoritative reference and input builder live on the scoring server;
editing this copy changes nothing except your own understanding.
"""

import jax, jax.numpy as jnp
import numpy as np

N = 10000
E = 320000
D_IN = 128
H1 = 32
H2 = 20
C_OUT = 40


def setup_inputs(seed: int = 0) -> dict:
    key = jax.random.key(seed)
    ks = jax.random.split(key, 12)
    x = jax.random.normal(ks[0], (N, D_IN), dtype=jnp.float32)
    edge_index = jax.random.randint(ks[1], (2, E), 0, N, dtype=jnp.int32)
    # SAGEConv1 params: lin_l (aggregated neighbors, with bias), lin_r (root, no bias)
    Wl1 = jax.random.normal(ks[2], (H1, D_IN), dtype=jnp.float32) * (1.0 / np.sqrt(D_IN))
    bl1 = jnp.zeros((H1,), dtype=jnp.float32)
    Wr1 = jax.random.normal(ks[3], (H1, D_IN), dtype=jnp.float32) * (1.0 / np.sqrt(D_IN))
    # SAGEConv2 params
    Wl2 = jax.random.normal(ks[4], (H2, H1), dtype=jnp.float32) * (1.0 / np.sqrt(H1))
    bl2 = jnp.zeros((H2,), dtype=jnp.float32)
    Wr2 = jax.random.normal(ks[5], (H2, H1), dtype=jnp.float32) * (1.0 / np.sqrt(H1))
    # final linear
    Wlin = jax.random.normal(ks[6], (C_OUT, H2), dtype=jnp.float32) * (1.0 / np.sqrt(H2))
    blin = jnp.zeros((C_OUT,), dtype=jnp.float32)
    return {"x": x, "edge_index": edge_index, "Wl1": Wl1, "bl1": bl1, "Wr1": Wr1,
            "Wl2": Wl2, "bl2": bl2, "Wr2": Wr2, "Wlin": Wlin, "blin": blin}


def _sage_conv(x, edge_index, Wl, bl, Wr):
    # PyG SAGEConv with mean aggregation and normalize=True
    src = edge_index[0]
    dst = edge_index[1]
    msgs = jnp.take(x, src, axis=0)                                   # gather
    agg = jax.ops.segment_sum(msgs, dst, num_segments=N)              # scatter-add
    deg = jax.ops.segment_sum(jnp.ones((edge_index.shape[1],), x.dtype), dst, num_segments=N)
    mean = agg / jnp.clip(deg, 1.0)[:, None]
    out = mean @ Wl.T + bl + x @ Wr.T
    # F.normalize(out, p=2, dim=-1)
    norm = jnp.linalg.norm(out, axis=-1, keepdims=True)
    return out / jnp.maximum(norm, 1e-12)


def reference(x, edge_index, Wl1, bl1, Wr1, Wl2, bl2, Wr2, Wlin, blin):
    h = _sage_conv(x, edge_index, Wl1, bl1, Wr1)
    h = jax.nn.relu(h)
    # dropout(p=0.5) is identity in eval mode
    h = _sage_conv(h, edge_index, Wl2, bl2, Wr2)
    h = h @ Wlin.T + blin
    return jax.nn.softmax(h, axis=1)

if __name__ == "__main__":
    import jax
    _d = setup_inputs()
    print(jax.jit(kernel)(*tuple(_d.values())))

</pallas_src>

<mosaic_0001>
#map = affine_map<(d0, d1) -> (0, 0, 0)>
#map1 = affine_map<(d0, d1) -> (0, 0)>
module attributes {stable_mosaic.version = 14 : i64} {
  func.func @body(%arg0: i32, %arg1: i32, %arg2: memref<32x80x125xi32, #tpu.memory_space<hbm>>, %arg3: memref<32x80x125xi32, #tpu.memory_space<hbm>>, %arg4: memref<40960x32xf32, #tpu.memory_space<hbm>>, %arg5: memref<10240x32xf32, #tpu.memory_space<hbm>>, %arg6: memref<10240x32xf32, #tpu.memory_space<hbm>>, %arg7: memref<125x32xf32, #tpu.memory_space<hbm>>, %arg8: memref<2x10240x32xf32, #tpu.memory_space<hbm>>, %arg9: memref<2x10240x32xf32, #tpu.memory_space<hbm>>, %arg10: memref<80x125xi32, #tpu.memory_space<vmem>>, %arg11: memref<80x125xi32, #tpu.memory_space<vmem>>, %arg12: memref<8x125x32xf32, #tpu.memory_space<vmem>>, %arg13: memref<10240x32xf32, #tpu.memory_space<vmem_shared>>, %arg14: memref<8x!tpu.dma_semaphore, #tpu.memory_space<semaphore_mem>>, %arg15: memref<8x!tpu.dma_semaphore, #tpu.memory_space<semaphore_mem>>, %arg16: memref<125x32xf32, #tpu.memory_space<vmem>>, %arg17: memref<10240x32xf32, #tpu.memory_space<vmem_shared>>) attributes {dimension_semantics = [#tpu.dimension_semantics<core_parallel>, #tpu.dimension_semantics<subcore_parallel>], iteration_bounds = array<i64: 2, 16>, scalar_prefetch = 0 : i64, scratch_operands = 8 : i64, tpu.core_type = #tpu.core_type<sc_vector_subcore>, window_params = [{transform_indices = #map}, {transform_indices = #map}, {transform_indices = #map1}, {transform_indices = #map1}, {transform_indices = #map1}, {transform_indices = #map1}, {transform_indices = #map}, {transform_indices = #map}]} {
    %mul3A = arith.constant 2 : i32
    %mul3A_0 = arith.muli %arg1, %mul3A : i32
    %add3A = arith.addi %mul3A_0, %arg0 : i32
    %mul3A_1 = arith.constant 640 : i32
    %mul3A_2 = arith.muli %arg1, %mul3A_1 : i32
    "tpu.region"() ({
      %run_scoped3A = tpu.sem_alloc : memref<!tpu.dma_semaphore, #tpu.memory_space<semaphore_mem>>
      %dma_start3A = arith.constant 0 : i32
      %dma_start3A_9 = arith.constant 0 : i32
      %dma_start3A_10 = tpu.memref_slice %arg2[%add3A, %dma_start3A, %dma_start3A_9] : memref<32x80x125xi32, #tpu.memory_space<hbm>> -> memref<1x80x125xi32, #tpu.memory_space<hbm>>
      %dma_start3A_11 = tpu.memref_squeeze %dma_start3A_10 : memref<1x80x125xi32, #tpu.memory_space<hbm>> -> memref<80x125xi32, #tpu.memory_space<hbm>>
      %dma_start3A_12 = arith.constant 0 : i32
      %dma_start3A_13 = arith.constant 0 : i32
      %dma_start3A_14 = tpu.memref_slice %arg2[%add3A, %dma_start3A_12, %dma_start3A_13] : memref<32x80x125xi32, #tpu.memory_space<hbm>> -> memref<1x80x125xi32, #tpu.memory_space<hbm>>
      %dma_start3A_15 = tpu.memref_squeeze %dma_start3A_14 : memref<1x80x125xi32, #tpu.memory_space<hbm>> -> memref<80x125xi32, #tpu.memory_space<hbm>>
      tpu.enqueue_dma source(%dma_start3A_15 : memref<80x125xi32, #tpu.memory_space<hbm>>) target(%arg10 : memref<80x125xi32, #tpu.memory_space<vmem>>) target_semaphore(%run_scoped3A : memref<!tpu.dma_semaphore, #tpu.memory_space<semaphore_mem>>)
      %dma_wait3A = arith.constant 0 : i32
      %dma_wait3A_16 = arith.constant 0 : i32
      %dma_wait3A_17 = tpu.memref_slice %arg2[%add3A, %dma_wait3A, %dma_wait3A_16] : memref<32x80x125xi32, #tpu.memory_space<hbm>> -> memref<1x80x125xi32, #tpu.memory_space<hbm>>
      %dma_wait3A_18 = tpu.memref_squeeze %dma_wait3A_17 : memref<1x80x125xi32, #tpu.memory_space<hbm>> -> memref<80x125xi32, #tpu.memory_space<hbm>>
      %dma_wait3A_19 = arith.constant 0 : i32
      %dma_wait3A_20 = arith.constant 0 : i32
      %dma_wait3A_21 = tpu.memref_slice %arg2[%add3A, %dma_wait3A_19, %dma_wait3A_20] : memref<32x80x125xi32, #tpu.memory_space<hbm>> -> memref<1x80x125xi32, #tpu.memory_space<hbm>>
      %dma_wait3A_22 = tpu.memref_squeeze %dma_wait3A_21 : memref<1x80x125xi32, #tpu.memory_space<hbm>> -> memref<80x125xi32, #tpu.memory_space<hbm>>
      tpu.wait_dma2 semaphore(%run_scoped3A : memref<!tpu.dma_semaphore, #tpu.memory_space<semaphore_mem>>) src(%dma_wait3A_22 : memref<80x125xi32, #tpu.memory_space<hbm>>) dst(%arg10 : memref<80x125xi32, #tpu.memory_space<vmem>>)
      tpu.yield
    }) : () -> ()
    "tpu.region"() ({
      %run_scoped3A = tpu.sem_alloc : memref<!tpu.dma_semaphore, #tpu.memory_space<semaphore_mem>>
      %dma_start3A = arith.constant 0 : i32
      %dma_start3A_9 = arith.constant 0 : i32
      %dma_start3A_10 = tpu.memref_slice %arg3[%add3A, %dma_start3A, %dma_start3A_9] : memref<32x80x125xi32, #tpu.memory_space<hbm>> -> memref<1x80x125xi32, #tpu.memory_space<hbm>>
      %dma_start3A_11 = tpu.memref_squeeze %dma_start3A_10 : memref<1x80x125xi32, #tpu.memory_space<hbm>> -> memref<80x125xi32, #tpu.memory_space<hbm>>
      %dma_start3A_12 = arith.constant 0 : i32
      %dma_start3A_13 = arith.constant 0 : i32
      %dma_start3A_14 = tpu.memref_slice %arg3[%add3A, %dma_start3A_12, %dma_start3A_13] : memref<32x80x125xi32, #tpu.memory_space<hbm>> -> memref<1x80x125xi32, #tpu.memory_space<hbm>>
      %dma_start3A_15 = tpu.memref_squeeze %dma_start3A_14 : memref<1x80x125xi32, #tpu.memory_space<hbm>> -> memref<80x125xi32, #tpu.memory_space<hbm>>
      tpu.enqueue_dma source(%dma_start3A_15 : memref<80x125xi32, #tpu.memory_space<hbm>>) target(%arg11 : memref<80x125xi32, #tpu.memory_space<vmem>>) target_semaphore(%run_scoped3A : memref<!tpu.dma_semaphore, #tpu.memory_space<semaphore_mem>>)
      %dma_wait3A = arith.constant 0 : i32
      %dma_wait3A_16 = arith.constant 0 : i32
      %dma_wait3A_17 = tpu.memref_slice %arg3[%add3A, %dma_wait3A, %dma_wait3A_16] : memref<32x80x125xi32, #tpu.memory_space<hbm>> -> memref<1x80x125xi32, #tpu.memory_space<hbm>>
      %dma_wait3A_18 = tpu.memref_squeeze %dma_wait3A_17 : memref<1x80x125xi32, #tpu.memory_space<hbm>> -> memref<80x125xi32, #tpu.memory_space<hbm>>
      %dma_wait3A_19 = arith.constant 0 : i32
      %dma_wait3A_20 = arith.constant 0 : i32
      %dma_wait3A_21 = tpu.memref_slice %arg3[%add3A, %dma_wait3A_19, %dma_wait3A_20] : memref<32x80x125xi32, #tpu.memory_space<hbm>> -> memref<1x80x125xi32, #tpu.memory_space<hbm>>
      %dma_wait3A_22 = tpu.memref_squeeze %dma_wait3A_21 : memref<1x80x125xi32, #tpu.memory_space<hbm>> -> memref<80x125xi32, #tpu.memory_space<hbm>>
      tpu.wait_dma2 semaphore(%run_scoped3A : memref<!tpu.dma_semaphore, #tpu.memory_space<semaphore_mem>>) src(%dma_wait3A_22 : memref<80x125xi32, #tpu.memory_space<hbm>>) dst(%arg11 : memref<80x125xi32, #tpu.memory_space<vmem>>)
      tpu.yield
    }) : () -> ()
    "tpu.region"() ({
      %run_scoped3A = tpu.sem_alloc : memref<!tpu.dma_semaphore, #tpu.memory_space<semaphore_mem>>
      %dma_start3A = arith.constant 0 : i32
      %dma_start3A_9 = tpu.memref_slice %arg13[%mul3A_2, %dma_start3A] : memref<10240x32xf32, #tpu.memory_space<vmem_shared>> -> memref<640x32xf32, #tpu.memory_space<vmem_shared>>
      %dma_start3A_10 = arith.constant 0 : i32
      %dma_start3A_11 = tpu.memref_slice %arg5[%mul3A_2, %dma_start3A_10] : memref<10240x32xf32, #tpu.memory_space<hbm>> -> memref<640x32xf32, #tpu.memory_space<hbm>>
      tpu.enqueue_dma source(%dma_start3A_11 : memref<640x32xf32, #tpu.memory_space<hbm>>) target(%dma_start3A_9 : memref<640x32xf32, #tpu.memory_space<vmem_shared>>) target_semaphore(%run_scoped3A : memref<!tpu.dma_semaphore, #tpu.memory_space<semaphore_mem>>)
      %dma_wait3A = arith.constant 0 : i32
      %dma_wait3A_12 = tpu.memref_slice %arg13[%mul3A_2, %dma_wait3A] : memref<10240x32xf32, #tpu.memory_space<vmem_shared>> -> memref<640x32xf32, #tpu.memory_space<vmem_shared>>
      %dma_wait3A_13 = arith.constant 0 : i32
      %dma_wait3A_14 = tpu.memref_slice %arg5[%mul3A_2, %dma_wait3A_13] : memref<10240x32xf32, #tpu.memory_space<hbm>> -> memref<640x32xf32, #tpu.memory_space<hbm>>
      tpu.wait_dma2 semaphore(%run_scoped3A : memref<!tpu.dma_semaphore, #tpu.memory_space<semaphore_mem>>) src(%dma_wait3A_14 : memref<640x32xf32, #tpu.memory_space<hbm>>) dst(%dma_wait3A_12 : memref<640x32xf32, #tpu.memory_space<vmem_shared>>)
      tpu.yield
    }) : () -> ()
    "tpu.region"() ({
      %run_scoped3A = tpu.sem_alloc : memref<!tpu.dma_semaphore, #tpu.memory_space<semaphore_mem>>
      tpu.enqueue_dma source(%arg7 : memref<125x32xf32, #tpu.memory_space<hbm>>) target(%arg16 : memref<125x32xf32, #tpu.memory_space<vmem>>) target_semaphore(%run_scoped3A : memref<!tpu.dma_semaphore, #tpu.memory_space<semaphore_mem>>)
      tpu.wait_dma2 semaphore(%run_scoped3A : memref<!tpu.dma_semaphore, #tpu.memory_space<semaphore_mem>>) src(%arg7 : memref<125x32xf32, #tpu.memory_space<hbm>>) dst(%arg16 : memref<125x32xf32, #tpu.memory_space<vmem>>)
      tpu.yield
    }) : () -> ()
    "tpu.region"() ({
      %run_scoped3A = tpu.sem_alloc : memref<!tpu.dma_semaphore, #tpu.memory_space<semaphore_mem>>
      %dma_start3A = arith.constant 0 : i32
      %dma_start3A_9 = tpu.memref_slice %arg17[%mul3A_2, %dma_start3A] : memref<10240x32xf32, #tpu.memory_space<vmem_shared>> -> memref<640x32xf32, #tpu.memory_space<vmem_shared>>
      %dma_start3A_10 = arith.constant 0 : i32
      %dma_start3A_11 = tpu.memref_slice %arg6[%mul3A_2, %dma_start3A_10] : memref<10240x32xf32, #tpu.memory_space<hbm>> -> memref<640x32xf32, #tpu.memory_space<hbm>>
      tpu.enqueue_dma source(%dma_start3A_11 : memref<640x32xf32, #tpu.memory_space<hbm>>) target(%dma_start3A_9 : memref<640x32xf32, #tpu.memory_space<vmem_shared>>) target_semaphore(%run_scoped3A : memref<!tpu.dma_semaphore, #tpu.memory_space<semaphore_mem>>)
      %dma_wait3A = arith.constant 0 : i32
      %dma_wait3A_12 = tpu.memref_slice %arg17[%mul3A_2, %dma_wait3A] : memref<10240x32xf32, #tpu.memory_space<vmem_shared>> -> memref<640x32xf32, #tpu.memory_space<vmem_shared>>
      %dma_wait3A_13 = arith.constant 0 : i32
      %dma_wait3A_14 = tpu.memref_slice %arg6[%mul3A_2, %dma_wait3A_13] : memref<10240x32xf32, #tpu.memory_space<hbm>> -> memref<640x32xf32, #tpu.memory_space<hbm>>
      tpu.wait_dma2 semaphore(%run_scoped3A : memref<!tpu.dma_semaphore, #tpu.memory_space<semaphore_mem>>) src(%dma_wait3A_14 : memref<640x32xf32, #tpu.memory_space<hbm>>) dst(%dma_wait3A_12 : memref<640x32xf32, #tpu.memory_space<vmem_shared>>)
      tpu.yield
    }) : () -> ()
    %barrier3A = arith.constant 0 : index
    tpu.barrier barrier_id(%barrier3A)
    %scan3A = arith.constant 0 : i32
    %scan3A_3 = arith.constant 0 : i32
    %scan3A_4 = arith.constant 10 : i32
    %scan3A_5 = arith.addi %scan3A_3, %scan3A_4 : i32
    %scan3A_6 = arith.constant 1 : i32
    scf.for %scan3A_9 = %scan3A_3 to %scan3A_5 step %scan3A_6  : i32 {
      %mul3A_10 = arith.constant 8 : i32
      %mul3A_11 = arith.muli %scan3A_9, %mul3A_10 : i32
      %add3A_12 = arith.constant 0 : i32
      %add3A_13 = arith.addi %mul3A_11, %add3A_12 : i32
      %dma_start3A = arith.constant 0 : i32
      %dma_start3A_14 = arith.constant 0 : i32
      %dma_start3A_15 = arith.constant 0 : i32
      %dma_start3A_16 = arith.constant 0 : i32
      %dma_start3A_17 = tpu.memref_slice %arg12[%dma_start3A, %dma_start3A_15, %dma_start3A_16] : memref<8x125x32xf32, #tpu.memory_space<vmem>> -> memref<1x125x32xf32, #tpu.memory_space<vmem>>
      %dma_start3A_18 = tpu.memref_squeeze %dma_start3A_17 : memref<1x125x32xf32, #tpu.memory_space<vmem>> -> memref<125x32xf32, #tpu.memory_space<vmem>>
      %dma_start3A_19 = arith.constant 0 : i32
      %dma_start3A_20 = tpu.memref_slice %arg10[%add3A_13, %dma_start3A_19] : memref<80x125xi32, #tpu.memory_space<vmem>> -> memref<1x125xi32, #tpu.memory_space<vmem>>
      %dma_start3A_21 = tpu.memref_squeeze %dma_start3A_20 : memref<1x125xi32, #tpu.memory_space<vmem>> -> memref<125xi32, #tpu.memory_space<vmem>>
      %dma_start3A_22 = arith.constant 0 : i32
      %dma_start3A_23 = arith.constant 0 : i32
      %dma_start3A_24 = tpu.memref_slice %arg4[%dma_start3A_22, %dma_start3A_23] : memref<40960x32xf32, #tpu.memory_space<hbm>> -> memref<40960x32xf32, #tpu.memory_space<hbm>>
      %dma_start3A_25 = tpu.memref_slice %arg14[%dma_start3A_14] : memref<8x!tpu.dma_semaphore, #tpu.memory_space<semaphore_mem>> -> memref<1x!tpu.dma_semaphore, #tpu.memory_space<semaphore_mem>>
      %dma_start3A_26 = tpu.memref_squeeze %dma_start3A_25 : memref<1x!tpu.dma_semaphore, #tpu.memory_space<semaphore_mem>> -> memref<!tpu.dma_semaphore, #tpu.memory_space<semaphore_mem>>
      tpu.enqueue_indirect_dma source(%dma_start3A_24 : memref<40960x32xf32, #tpu.memory_space<hbm>>) target(%dma_start3A_18 : memref<125x32xf32, #tpu.memory_space<vmem>>) offsets(%dma_start3A_21 : memref<125xi32, #tpu.memory_space<vmem>>) semaphore(%dma_start3A_26 : memref<!tpu.dma_semaphore, #tpu.memory_space<semaphore_mem>>)
      %mul3A_27 = arith.constant 8 : i32
      %mul3A_28 = arith.muli %scan3A_9, %mul3A_27 : i32
      %add3A_29 = arith.constant 1 : i32
      %add3A_30 = arith.addi %mul3A_28, %add3A_29 : i32
      %dma_start3A_31 = arith.constant 1 : i32
      %dma_start3A_32 = arith.constant 1 : i32
      %dma_start3A_33 = arith.constant 0 : i32
      %dma_start3A_34 = arith.constant 0 : i32
      %dma_start3A_35 = tpu.memref_slice %arg12[%dma_start3A_31, %dma_start3A_33, %dma_start3A_34] : memref<8x125x32xf32, #tpu.memory_space<vmem>> -> memref<1x125x32xf32, #tpu.memory_space<vmem>>
      %dma_start3A_36 = tpu.memref_squeeze %dma_start3A_35 : memref<1x125x32xf32, #tpu.memory_space<vmem>> -> memref<125x32xf32, #tpu.memory_space<vmem>>
      %dma_start3A_37 = arith.constant 0 : i32
      %dma_start3A_38 = tpu.memref_slice %arg10[%add3A_30, %dma_start3A_37] : memref<80x125xi32, #tpu.memory_space<vmem>> -> memref<1x125xi32, #tpu.memory_space<vmem>>
      %dma_start3A_39 = tpu.memref_squeeze %dma_start3A_38 : memref<1x125xi32, #tpu.memory_space<vmem>> -> memref<125xi32, #tpu.memory_space<vmem>>
      %dma_start3A_40 = arith.constant 0 : i32
      %dma_start3A_41 = arith.constant 0 : i32
      %dma_start3A_42 = tpu.memref_slice %arg4[%dma_start3A_40, %dma_start3A_41] : memref<40960x32xf32, #tpu.memory_space<hbm>> -> memref<40960x32xf32, #tpu.memory_space<hbm>>
      %dma_start3A_43 = tpu.memref_slice %arg14[%dma_start3A_32] : memref<8x!tpu.dma_semaphore, #tpu.memory_space<semaphore_mem>> -> memref<1x!tpu.dma_semaphore, #tpu.memory_space<semaphore_mem>>
      %dma_start3A_44 = tpu.memref_squeeze %dma_start3A_43 : memref<1x!tpu.dma_semaphore, #tpu.memory_space<semaphore_mem>> -> memref<!tpu.dma_semaphore, #tpu.memory_space<semaphore_mem>>
      tpu.enqueue_indirect_dma source(%dma_start3A_42 : memref<40960x32xf32, #tpu.memory_space<hbm>>) target(%dma_start3A_36 : memref<125x32xf32, #tpu.memory_space<vmem>>) offsets(%dma_start3A_39 : memref<125xi32, #tpu.memory_space<vmem>>) semaphore(%dma_start3A_44 : memref<!tpu.dma_semaphore, #tpu.memory_space<semaphore_mem>>)
      %mul3A_45 = arith.constant 8 : i32
      %mul3A_46 = arith.muli %scan3A_9, %mul3A_45 : i32
      %add3A_47 = arith.constant 2 : i32
      %add3A_48 = arith.addi %mul3A_46, %add3A_47 : i32
      %dma_start3A_49 = arith.constant 2 : i32
      %dma_start3A_50 = arith.constant 2 : i32
      %dma_start3A_51 = arith.constant 0 : i32
      %dma_start3A_52 = arith.constant 0 : i32
      %dma_start3A_53 = tpu.memref_slice %arg12[%dma_start3A_49, %dma_start3A_51, %dma_start3A_52] : memref<8x125x32xf32, #tpu.memory_space<vmem>> -> memref<1x125x32xf32, #tpu.memory_space<vmem>>
      %dma_start3A_54 = tpu.memref_squeeze %dma_start3A_53 : memref<1x125x32xf32, #tpu.memory_space<vmem>> -> memref<125x32xf32, #tpu.memory_space<vmem>>
      %dma_start3A_55 = arith.constant 0 : i32
      %dma_start3A_56 = tpu.memref_slice %arg10[%add3A_48, %dma_start3A_55] : memref<80x125xi32, #tpu.memory_space<vmem>> -> memref<1x125xi32, #tpu.memory_space<vmem>>
      %dma_start3A_57 = tpu.memref_squeeze %dma_start3A_56 : memref<1x125xi32, #tpu.memory_space<vmem>> -> memref<125xi32, #tpu.memory_space<vmem>>
      %dma_start3A_58 = arith.constant 0 : i32
      %dma_start3A_59 = arith.constant 0 : i32
      %dma_start3A_60 = tpu.memref_slice %arg4[%dma_start3A_58, %dma_start3A_59] : memref<40960x32xf32, #tpu.memory_space<hbm>> -> memref<40960x32xf32, #tpu.memory_space<hbm>>
      %dma_start3A_61 = tpu.memref_slice %arg14[%dma_start3A_50] : memref<8x!tpu.dma_semaphore, #tpu.memory_space<semaphore_mem>> -> memref<1x!tpu.dma_semaphore, #tpu.memory_space<semaphore_mem>>
      %dma_start3A_62 = tpu.memref_squeeze %dma_start3A_61 : memref<1x!tpu.dma_semaphore, #tpu.memory_space<semaphore_mem>> -> memref<!tpu.dma_semaphore, #tpu.memory_space<semaphore_mem>>
      tpu.enqueue_indirect_dma source(%dma_start3A_60 : memref<40960x32xf32, #tpu.memory_space<hbm>>) target(%dma_start3A_54 : memref<125x32xf32, #tpu.memory_space<vmem>>) offsets(%dma_start3A_57 : memref<125xi32, #tpu.memory_space<vmem>>) semaphore(%dma_start3A_62 : memref<!tpu.dma_semaphore, #tpu.memory_space<semaphore_mem>>)
      %mul3A_63 = arith.constant 8 : i32
      %mul3A_64 = arith.muli %scan3A_9, %mul3A_63 : i32
      %add3A_65 = arith.constant 3 : i32
      %add3A_66 = arith.addi %mul3A_64, %add3A_65 : i32
      %dma_start3A_67 = arith.constant 3 : i32
      %dma_start3A_68 = arith.constant 3 : i32
      %dma_start3A_69 = arith.constant 0 : i32
      %dma_start3A_70 = arith.constant 0 : i32
      %dma_start3A_71 = tpu.memref_slice %arg12[%dma_start3A_67, %dma_start3A_69, %dma_start3A_70] : memref<8x125x32xf32, #tpu.memory_space<vmem>> -> memref<1x125x32xf32, #tpu.memory_space<vmem>>
      %dma_start3A_72 = tpu.memref_squeeze %dma_start3A_71 : memref<1x125x32xf32, #tpu.memory_space<vmem>> -> memref<125x32xf32, #tpu.memory_space<vmem>>
      %dma_start3A_73 = arith.constant 0 : i32
      %dma_start3A_74 = tpu.memref_slice %arg10[%add3A_66, %dma_start3A_73] : memref<80x125xi32, #tpu.memory_space<vmem>> -> memref<1x125xi32, #tpu.memory_space<vmem>>
      %dma_start3A_75 = tpu.memref_squeeze %dma_start3A_74 : memref<1x125xi32, #tpu.memory_space<vmem>> -> memref<125xi32, #tpu.memory_space<vmem>>
      %dma_start3A_76 = arith.constant 0 : i32
      %dma_start3A_77 = arith.constant 0 : i32
      %dma_start3A_78 = tpu.memref_slice %arg4[%dma_start3A_76, %dma_start3A_77] : memref<40960x32xf32, #tpu.memory_space<hbm>> -> memref<40960x32xf32, #tpu.memory_space<hbm>>
      %dma_start3A_79 = tpu.memref_slice %arg14[%dma_start3A_68] : memref<8x!tpu.dma_semaphore, #tpu.memory_space<semaphore_mem>> -> memref<1x!tpu.dma_semaphore, #tpu.memory_space<semaphore_mem>>
      %dma_start3A_80 = tpu.memref_squeeze %dma_start3A_79 : memref<1x!tpu.dma_semaphore, #tpu.memory_space<semaphore_mem>> -> memref<!tpu.dma_semaphore, #tpu.memory_space<semaphore_mem>>
      tpu.enqueue_indirect_dma source(%dma_start3A_78 : memref<40960x32xf32, #tpu.memory_space<hbm>>) target(%dma_start3A_72 : memref<125x32xf32, #tpu.memory_space<vmem>>) offsets(%dma_start3A_75 : memref<125xi32, #tpu.memory_space<vmem>>) semaphore(%dma_start3A_80 : memref<!tpu.dma_semaphore, #tpu.memory_space<semaphore_mem>>)
      %mul3A_81 = arith.constant 8 : i32
      %mul3A_82 = arith.muli %scan3A_9, %mul3A_81 : i32
      %add3A_83 = arith.constant 4 : i32
      %add3A_84 = arith.addi %mul3A_82, %add3A_83 : i32
      %dma_start3A_85 = arith.constant 4 : i32
      %dma_start3A_86 = arith.constant 4 : i32
      %dma_start3A_87 = arith.constant 0 : i32
      %dma_start3A_88 = arith.constant 0 : i32
      %dma_start3A_89 = tpu.memref_slice %arg12[%dma_start3A_85, %dma_start3A_87, %dma_start3A_88] : memref<8x125x32xf32, #tpu.memory_space<vmem>> -> memref<1x125x32xf32, #tpu.memory_space<vmem>>
      %dma_start3A_90 = tpu.memref_squeeze %dma_start3A_89 : memref<1x125x32xf32, #tpu.memory_space<vmem>> -> memref<125x32xf32, #tpu.memory_space<vmem>>
      %dma_start3A_91 = arith.constant 0 : i32
      %dma_start3A_92 = tpu.memref_slice %arg10[%add3A_84, %dma_start3A_91] : memref<80x125xi32, #tpu.memory_space<vmem>> -> memref<1x125xi32, #tpu.memory_space<vmem>>
      %dma_start3A_93 = tpu.memref_squeeze %dma_start3A_92 : memref<1x125xi32, #tpu.memory_space<vmem>> -> memref<125xi32, #tpu.memory_space<vmem>>
      %dma_start3A_94 = arith.constant 0 : i32
      %dma_start3A_95 = arith.constant 0 : i32
      %dma_start3A_96 = tpu.memref_slice %arg4[%dma_start3A_94, %dma_start3A_95] : memref<40960x32xf32, #tpu.memory_space<hbm>> -> memref<40960x32xf32, #tpu.memory_space<hbm>>
      %dma_start3A_97 = tpu.memref_slice %arg14[%dma_start3A_86] : memref<8x!tpu.dma_semaphore, #tpu.memory_space<semaphore_mem>> -> memref<1x!tpu.dma_semaphore, #tpu.memory_space<semaphore_mem>>
      %dma_start3A_98 = tpu.memref_squeeze %dma_start3A_97 : memref<1x!tpu.dma_semaphore, #tpu.memory_space<semaphore_mem>> -> memref<!tpu.dma_semaphore, #tpu.memory_space<semaphore_mem>>
      tpu.enqueue_indirect_dma source(%dma_start3A_96 : memref<40960x32xf32, #tpu.memory_space<hbm>>) target(%dma_start3A_90 : memref<125x32xf32, #tpu.memory_space<vmem>>) offsets(%dma_start3A_93 : memref<125xi32, #tpu.memory_space<vmem>>) semaphore(%dma_start3A_98 : memref<!tpu.dma_semaphore, #tpu.memory_space<semaphore_mem>>)
      %mul3A_99 = arith.constant 8 : i32
      %mul3A_100 = arith.muli %scan3A_9, %mul3A_99 : i32
      %add3A_101 = arith.constant 5 : i32
      %add3A_102 = arith.addi %mul3A_100, %add3A_101 : i32
      %dma_start3A_103 = arith.constant 5 : i32
      %dma_start3A_104 = arith.constant 5 : i32
      %dma_start3A_105 = arith.constant 0 : i32
      %dma_start3A_106 = arith.constant 0 : i32
      %dma_start3A_107 = tpu.memref_slice %arg12[%dma_start3A_103, %dma_start3A_105, %dma_start3A_106] : memref<8x125x32xf32, #tpu.memory_space<vmem>> -> memref<1x125x32xf32, #tpu.memory_space<vmem>>
      %dma_start3A_108 = tpu.memref_squeeze %dma_start3A_107 : memref<1x125x32xf32, #tpu.memory_space<vmem>> -> memref<125x32xf32, #tpu.memory_space<vmem>>
      %dma_start3A_109 = arith.constant 0 : i32
      %dma_start3A_110 = tpu.memref_slice %arg10[%add3A_102, %dma_start3A_109] : memref<80x125xi32, #tpu.memory_space<vmem>> -> memref<1x125xi32, #tpu.memory_space<vmem>>
      %dma_start3A_111 = tpu.memref_squeeze %dma_start3A_110 : memref<1x125xi32, #tpu.memory_space<vmem>> -> memref<125xi32, #tpu.memory_space<vmem>>
      %dma_start3A_112 = arith.constant 0 : i32
      %dma_start3A_113 = arith.constant 0 : i32
      %dma_start3A_114 = tpu.memref_slice %arg4[%dma_start3A_112, %dma_start3A_113] : memref<40960x32xf32, #tpu.memory_space<hbm>> -> memref<40960x32xf32, #tpu.memory_space<hbm>>
      %dma_start3A_115 = tpu.memref_slice %arg14[%dma_start3A_104] : memref<8x!tpu.dma_semaphore, #tpu.memory_space<semaphore_mem>> -> memref<1x!tpu.dma_semaphore, #tpu.memory_space<semaphore_mem>>
      %dma_start3A_116 = tpu.memref_squeeze %dma_start3A_115 : memref<1x!tpu.dma_semaphore, #tpu.memory_space<semaphore_mem>> -> memref<!tpu.dma_semaphore, #tpu.memory_space<semaphore_mem>>
      tpu.enqueue_indirect_dma source(%dma_start3A_114 : memref<40960x32xf32, #tpu.memory_space<hbm>>) target(%dma_start3A_108 : memref<125x32xf32, #tpu.memory_space<vmem>>) offsets(%dma_start3A_111 : memref<125xi32, #tpu.memory_space<vmem>>) semaphore(%dma_start3A_116 : memref<!tpu.dma_semaphore, #tpu.memory_space<semaphore_mem>>)
      %mul3A_117 = arith.constant 8 : i32
      %mul3A_118 = arith.muli %scan3A_9, %mul3A_117 : i32
      %add3A_119 = arith.constant 6 : i32
      %add3A_120 = arith.addi %mul3A_118, %add3A_119 : i32
      %dma_start3A_121 = arith.constant 6 : i32
      %dma_start3A_122 = arith.constant 6 : i32
      %dma_start3A_123 = arith.constant 0 : i32
      %dma_start3A_124 = arith.constant 0 : i32
      %dma_start3A_125 = tpu.memref_slice %arg12[%dma_start3A_121, %dma_start3A_123, %dma_start3A_124] : memref<8x125x32xf32, #tpu.memory_space<vmem>> -> memref<1x125x32xf32, #tpu.memory_space<vmem>>
      %dma_start3A_126 = tpu.memref_squeeze %dma_start3A_125 : memref<1x125x32xf32, #tpu.memory_space<vmem>> -> memref<125x32xf32, #tpu.memory_space<vmem>>
      %dma_start3A_127 = arith.constant 0 : i32
      %dma_start3A_128 = tpu.memref_slice %arg10[%add3A_120, %dma_start3A_127] : memref<80x125xi32, #tpu.memory_space<vmem>> -> memref<1x125xi32, #tpu.memory_space<vmem>>
      %dma_start3A_129 = tpu.memref_squeeze %dma_start3A_128 : memref<1x125xi32, #tpu.memory_space<vmem>> -> memref<125xi32, #tpu.memory_space<vmem>>
      %dma_start3A_130 = arith.constant 0 : i32
      %dma_start3A_131 = arith.constant 0 : i32
      %dma_start3A_132 = tpu.memref_slice %arg4[%dma_start3A_130, %dma_start3A_131] : memref<40960x32xf32, #tpu.memory_space<hbm>> -> memref<40960x32xf32, #tpu.memory_space<hbm>>
      %dma_start3A_133 = tpu.memref_slice %arg14[%dma_start3A_122] : memref<8x!tpu.dma_semaphore, #tpu.memory_space<semaphore_mem>> -> memref<1x!tpu.dma_semaphore, #tpu.memory_space<semaphore_mem>>
      %dma_start3A_134 = tpu.memref_squeeze %dma_start3A_133 : memref<1x!tpu.dma_semaphore, #tpu.memory_space<semaphore_mem>> -> memref<!tpu.dma_semaphore, #tpu.memory_space<semaphore_mem>>
      tpu.enqueue_indirect_dma source(%dma_start3A_132 : memref<40960x32xf32, #tpu.memory_space<hbm>>) target(%dma_start3A_126 : memref<125x32xf32, #tpu.memory_space<vmem>>) offsets(%dma_start3A_129 : memref<125xi32, #tpu.memory_space<vmem>>) semaphore(%dma_start3A_134 : memref<!tpu.dma_semaphore, #tpu.memory_space<semaphore_mem>>)
      %mul3A_135 = arith.constant 8 : i32
      %mul3A_136 = arith.muli %scan3A_9, %mul3A_135 : i32
      %add3A_137 = arith.constant 7 : i32
      %add3A_138 = arith.addi %mul3A_136, %add3A_137 : i32
      %dma_start3A_139 = arith.constant 7 : i32
      %dma_start3A_140 = arith.constant 7 : i32
      %dma_start3A_141 = arith.constant 0 : i32
      %dma_start3A_142 = arith.constant 0 : i32
      %dma_start3A_143 = tpu.memref_slice %arg12[%dma_start3A_139, %dma_start3A_141, %dma_start3A_142] : memref<8x125x32xf32, #tpu.memory_space<vmem>> -> memref<1x125x32xf32, #tpu.memory_space<vmem>>
      %dma_start3A_144 = tpu.memref_squeeze %dma_start3A_143 : memref<1x125x32xf32, #tpu.memory_space<vmem>> -> memref<125x32xf32, #tpu.memory_space<vmem>>
      %dma_start3A_145 = arith.constant 0 : i32
      %dma_start3A_146 = tpu.memref_slice %arg10[%add3A_138, %dma_start3A_145] : memref<80x125xi32, #tpu.memory_space<vmem>> -> memref<1x125xi32, #tpu.memory_space<vmem>>
      %dma_start3A_147 = tpu.memref_squeeze %dma_start3A_146 : memref<1x125xi32, #tpu.memory_space<vmem>> -> memref<125xi32, #tpu.memory_space<vmem>>
      %dma_start3A_148 = arith.constant 0 : i32
      %dma_start3A_149 = arith.constant 0 : i32
      %dma_start3A_150 = tpu.memref_slice %arg4[%dma_start3A_148, %dma_start3A_149] : memref<40960x32xf32, #tpu.memory_space<hbm>> -> memref<40960x32xf32, #tpu.memory_space<hbm>>
      %dma_start3A_151 = tpu.memref_slice %arg14[%dma_start3A_140] : memref<8x!tpu.dma_semaphore, #tpu.memory_space<semaphore_mem>> -> memref<1x!tpu.dma_semaphore, #tpu.memory_space<semaphore_mem>>
      %dma_start3A_152 = tpu.memref_squeeze %dma_start3A_151 : memref<1x!tpu.dma_semaphore, #tpu.memory_space<semaphore_mem>> -> memref<!tpu.dma_semaphore, #tpu.memory_space<semaphore_mem>>
      tpu.enqueue_indirect_dma source(%dma_start3A_150 : memref<40960x32xf32, #tpu.memory_space<hbm>>) target(%dma_start3A_144 : memref<125x32xf32, #tpu.memory_space<vmem>>) offsets(%dma_start3A_147 : memref<125xi32, #tpu.memory_space<vmem>>) semaphore(%dma_start3A_152 : memref<!tpu.dma_semaphore, #tpu.memory_space<semaphore_mem>>)
      %dma_wait3A = arith.constant 0 : i32
      %dma_wait3A_153 = arith.constant 0 : i32
      %dma_wait3A_154 = arith.constant 0 : i32
      %dma_wait3A_155 = arith.constant 0 : i32
      %dma_wait3A_156 = tpu.memref_slice %arg12[%dma_wait3A, %dma_wait3A_154, %dma_wait3A_155] : memref<8x125x32xf32, #tpu.memory_space<vmem>> -> memref<1x125x32xf32, #tpu.memory_space<vmem>>
      %dma_wait3A_157 = tpu.memref_squeeze %dma_wait3A_156 : memref<1x125x32xf32, #tpu.memory_space<vmem>> -> memref<125x32xf32, #tpu.memory_space<vmem>>
      %dma_wait3A_158 = arith.constant 0 : i32
      %dma_wait3A_159 = tpu.memref_slice %arg10[%add3A_13, %dma_wait3A_158] : memref<80x125xi32, #tpu.memory_space<vmem>> -> memref<1x125xi32, #tpu.memory_space<vmem>>
      %dma_wait3A_160 = tpu.memref_squeeze %dma_wait3A_159 : memref<1x125xi32, #tpu.memory_space<vmem>> -> memref<125xi32, #tpu.memory_space<vmem>>
      %dma_wait3A_161 = arith.constant 0 : i32
      %dma_wait3A_162 = arith.constant 0 : i32
      %dma_wait3A_163 = tpu.memref_slice %arg4[%dma_wait3A_161, %dma_wait3A_162] : memref<40960x32xf32, #tpu.memory_space<hbm>> -> memref<40960x32xf32, #tpu.memory_space<hbm>>
      %dma_wait3A_164 = tpu.memref_slice %arg14[%dma_wait3A_153] : memref<8x!tpu.dma_semaphore, #tpu.memory_space<semaphore_mem>> -> memref<1x!tpu.dma_semaphore, #tpu.memory_space<semaphore_mem>>
      %dma_wait3A_165 = tpu.memref_squeeze %dma_wait3A_164 : memref<1x!tpu.dma_semaphore, #tpu.memory_space<semaphore_mem>> -> memref<!tpu.dma_semaphore, #tpu.memory_space<semaphore_mem>>
      tpu.wait_indirect_dma semaphore(%dma_wait3A_165 : memref<!tpu.dma_semaphore, #tpu.memory_space<semaphore_mem>>) src(%dma_wait3A_163 : memref<40960x32xf32, #tpu.memory_space<hbm>>) dst(%dma_wait3A_157 : memref<125x32xf32, #tpu.memory_space<vmem>>)
      %mul3A_166 = arith.constant 8 : i32
      %mul3A_167 = arith.muli %scan3A_9, %mul3A_166 : i32
      %add3A_168 = arith.constant 0 : i32
      %add3A_169 = arith.addi %mul3A_167, %add3A_168 : i32
      %dma_start3A_170 = arith.constant 0 : i32
      %dma_start3A_171 = arith.constant 0 : i32
      %dma_start3A_172 = arith.constant 0 : i32
      %dma_start3A_173 = arith.constant 0 : i32
      %dma_start3A_174 = tpu.memref_slice %arg12[%dma_start3A_170, %dma_start3A_172, %dma_start3A_173] : memref<8x125x32xf32, #tpu.memory_space<vmem>> -> memref<1x125x32xf32, #tpu.memory_space<vmem>>
      %dma_start3A_175 = tpu.memref_squeeze %dma_start3A_174 : memref<1x125x32xf32, #tpu.memory_space<vmem>> -> memref<125x32xf32, #tpu.memory_space<vmem>>
      %dma_start3A_176 = arith.constant 0 : i32
      %dma_start3A_177 = tpu.memref_slice %arg11[%add3A_169, %dma_start3A_176] : memref<80x125xi32, #tpu.memory_space<vmem>> -> memref<1x125xi32, #tpu.memory_space<vmem>>
      %dma_start3A_178 = tpu.memref_squeeze %dma_start3A_177 : memref<1x125xi32, #tpu.memory_space<vmem>> -> memref<125xi32, #tpu.memory_space<vmem>>
      %dma_start3A_179 = arith.constant 0 : i32
      %dma_start3A_180 = arith.constant 0 : i32
      %dma_start3A_181 = tpu.memref_slice %arg13[%dma_start3A_179, %dma_start3A_180] : memref<10240x32xf32, #tpu.memory_space<vmem_shared>> -> memref<10240x32xf32, #tpu.memory_space<vmem_shared>>
      %dma_start3A_182 = tpu.memref_slice %arg15[%dma_start3A_171] : memref<8x!tpu.dma_semaphore, #tpu.memory_space<semaphore_mem>> -> memref<1x!tpu.dma_semaphore, #tpu.memory_space<semaphore_mem>>
      %dma_start3A_183 = tpu.memref_squeeze %dma_start3A_182 : memref<1x!tpu.dma_semaphore, #tpu.memory_space<semaphore_mem>> -> memref<!tpu.dma_semaphore, #tpu.memory_space<semaphore_mem>>
      tpu.enqueue_indirect_dma source(%dma_start3A_175 : memref<125x32xf32, #tpu.memory_space<vmem>>) target(%dma_start3A_181 : memref<10240x32xf32, #tpu.memory_space<vmem_shared>>) offsets(%dma_start3A_178 : memref<125xi32, #tpu.memory_space<vmem>>) semaphore(%dma_start3A_183 : memref<!tpu.dma_semaphore, #tpu.memory_space<semaphore_mem>>) {add = true}
      %dma_start3A_184 = arith.constant 0 : i32
      %dma_start3A_185 = arith.constant 0 : i32
      %dma_start3A_186 = tpu.memref_slice %arg11[%add3A_169, %dma_start3A_185] : memref<80x125xi32, #tpu.memory_space<vmem>> -> memref<1x125xi32, #tpu.memory_space<vmem>>
      %dma_start3A_187 = tpu.memref_squeeze %dma_start3A_186 : memref<1x125xi32, #tpu.memory_space<vmem>> -> memref<125xi32, #tpu.memory_space<vmem>>
      %dma_start3A_188 = arith.constant 0 : i32
      %dma_start3A_189 = arith.constant 0 : i32
      %dma_start3A_190 = tpu.memref_slice %arg17[%dma_start3A_188, %dma_start3A_189] : memref<10240x32xf32, #tpu.memory_space<vmem_shared>> -> memref<10240x32xf32, #tpu.memory_space<vmem_shared>>
      %dma_start3A_191 = tpu.memref_slice %arg15[%dma_start3A_184] : memref<8x!tpu.dma_semaphore, #tpu.memory_space<semaphore_mem>> -> memref<1x!tpu.dma_semaphore, #tpu.memory_space<semaphore_mem>>
      %dma_start3A_192 = tpu.memref_squeeze %dma_start3A_191 : memref<1x!tpu.dma_semaphore, #tpu.memory_space<semaphore_mem>> -> memref<!tpu.dma_semaphore, #tpu.memory_space<semaphore_mem>>
      tpu.enqueue_indirect_dma source(%arg16 : memref<125x32xf32, #tpu.memory_space<vmem>>) target(%dma_start3A_190 : memref<10240x32xf32, #tpu.memory_space<vmem_shared>>) offsets(%dma_start3A_187 : memref<125xi32, #tpu.memory_space<vmem>>) semaphore(%dma_start3A_192 : memref<!tpu.dma_semaphore, #tpu.memory_space<semaphore_mem>>) {add = true}
      %dma_wait3A_193 = arith.constant 1 : i32
      %dma_wait3A_194 = arith.constant 1 : i32
      %dma_wait3A_195 = arith.constant 0 : i32
      %dma_wait3A_196 = arith.constant 0 : i32
      %dma_wait3A_197 = tpu.memref_slice %arg12[%dma_wait3A_193, %dma_wait3A_195, %dma_wait3A_196] : memref<8x125x32xf32, #tpu.memory_space<vmem>> -> memref<1x125x32xf32, #tpu.memory_space<vmem>>
      %dma_wait3A_198 = tpu.memref_squeeze %dma_wait3A_197 : memref<1x125x32xf32, #tpu.memory_space<vmem>> -> memref<125x32xf32, #tpu.memory_space<vmem>>
      %dma_wait3A_199 = arith.constant 0 : i32
      %dma_wait3A_200 = tpu.memref_slice %arg10[%add3A_30, %dma_wait3A_199] : memref<80x125xi32, #tpu.memory_space<vmem>> -> memref<1x125xi32, #tpu.memory_space<vmem>>
      %dma_wait3A_201 = tpu.memref_squeeze %dma_wait3A_200 : memref<1x125xi32, #tpu.memory_space<vmem>> -> memref<125xi32, #tpu.memory_space<vmem>>
      %dma_wait3A_202 = arith.constant 0 : i32
      %dma_wait3A_203 = arith.constant 0 : i32
      %dma_wait3A_204 = tpu.memref_slice %arg4[%dma_wait3A_202, %dma_wait3A_203] : memref<40960x32xf32, #tpu.memory_space<hbm>> -> memref<40960x32xf32, #tpu.memory_space<hbm>>
      %dma_wait3A_205 = tpu.memref_slice %arg14[%dma_wait3A_194] : memref<8x!tpu.dma_semaphore, #tpu.memory_space<semaphore_mem>> -> memref<1x!tpu.dma_semaphore, #tpu.memory_space<semaphore_mem>>
      %dma_wait3A_206 = tpu.memref_squeeze %dma_wait3A_205 : memref<1x!tpu.dma_semaphore, #tpu.memory_space<semaphore_mem>> -> memref<!tpu.dma_semaphore, #tpu.memory_space<semaphore_mem>>
      tpu.wait_indirect_dma semaphore(%dma_wait3A_206 : memref<!tpu.dma_semaphore, #tpu.memory_space<semaphore_mem>>) src(%dma_wait3A_204 : memref<40960x32xf32, #tpu.memory_space<hbm>>) dst(%dma_wait3A_198 : memref<125x32xf32, #tpu.memory_space<vmem>>)
      %mul3A_207 = arith.constant 8 : i32
      %mul3A_208 = arith.muli %scan3A_9, %mul3A_207 : i32
      %add3A_209 = arith.constant 1 : i32
      %add3A_210 = arith.addi %mul3A_208, %add3A_209 : i32
      %dma_start3A_211 = arith.constant 1 : i32
      %dma_start3A_212 = arith.constant 1 : i32
      %dma_start3A_213 = arith.constant 0 : i32
      %dma_start3A_214 = arith.constant 0 : i32
      %dma_start3A_215 = tpu.memref_slice %arg12[%dma_start3A_211, %dma_start3A_213, %dma_start3A_214] : memref<8x125x32xf32, #tpu.memory_space<vmem>> -> memref<1x125x32xf32, #tpu.memory_space<vmem>>
      %dma_start3A_216 = tpu.memref_squeeze %dma_start3A_215 : memref<1x125x32xf32, #tpu.memory_space<vmem>> -> memref<125x32xf32, #tpu.memory_space<vmem>>
      %dma_start3A_217 = arith.constant 0 : i32
      %dma_start3A_218 = tpu.memref_slice %arg11[%add3A_210, %dma_start3A_217] : memref<80x125xi32, #tpu.memory_space<vmem>> -> memref<1x125xi32, #tpu.memory_space<vmem>>
      %dma_start3A_219 = tpu.memref_squeeze %dma_start3A_218 : memref<1x125xi32, #tpu.memory_space<vmem>> -> memref<125xi32, #tpu.memory_space<vmem>>
      %dma_start3A_220 = arith.constant 0 : i32
      %dma_start3A_221 = arith.constant 0 : i32
      %dma_start3A_222 = tpu.memref_slice %arg13[%dma_start3A_220, %dma_start3A_221] : memref<10240x32xf32, #tpu.memory_space<vmem_shared>> -> memref<10240x32xf32, #tpu.memory_space<vmem_shared>>
      %dma_start3A_223 = tpu.memref_slice %arg15[%dma_start3A_212] : memref<8x!tpu.dma_semaphore, #tpu.memory_space<semaphore_mem>> -> memref<1x!tpu.dma_semaphore, #tpu.memory_space<semaphore_mem>>
      %dma_start3A_224 = tpu.memref_squeeze %dma_start3A_223 : memref<1x!tpu.dma_semaphore, #tpu.memory_space<semaphore_mem>> -> memref<!tpu.dma_semaphore, #tpu.memory_space<semaphore_mem>>
      tpu.enqueue_indirect_dma source(%dma_start3A_216 : memref<125x32xf32, #tpu.memory_space<vmem>>) target(%dma_start3A_222 : memref<10240x32xf32, #tpu.memory_space<vmem_shared>>) offsets(%dma_start3A_219 : memref<125xi32, #tpu.memory_space<vmem>>) semaphore(%dma_start3A_224 : memref<!tpu.dma_semaphore, #tpu.memory_space<semaphore_mem>>) {add = true}
      %dma_start3A_225 = arith.constant 1 : i32
      %dma_start3A_226 = arith.constant 0 : i32
      %dma_start3A_227 = tpu.memref_slice %arg11[%add3A_210, %dma_start3A_226] : memref<80x125xi32, #tpu.memory_space<vmem>> -> memref<1x125xi32, #tpu.memory_space<vmem>>
      %dma_start3A_228 = tpu.memref_squeeze %dma_start3A_227 : memref<1x125xi32, #tpu.memory_space<vmem>> -> memref<125xi32, #tpu.memory_space<vmem>>
      %dma_start3A_229 = arith.constant 0 : i32
      %dma_start3A_230 = arith.constant 0 : i32
      %dma_start3A_231 = tpu.memref_slice %arg17[%dma_start3A_229, %dma_start3A_230] : memref<10240x32xf32, #tpu.memory_space<vmem_shared>> -> memref<10240x32xf32, #tpu.memory_space<vmem_shared>>
      %dma_start3A_232 = tpu.memref_slice %arg15[%dma_start3A_225] : memref<8x!tpu.dma_semaphore, #tpu.memory_space<semaphore_mem>> -> memref<1x!tpu.dma_semaphore, #tpu.memory_space<semaphore_mem>>
      %dma_start3A_233 = tpu.memref_squeeze %dma_start3A_232 : memref<1x!tpu.dma_semaphore, #tpu.memory_space<semaphore_mem>> -> memref<!tpu.dma_semaphore, #tpu.memory_space<semaphore_mem>>
      tpu.enqueue_indirect_dma source(%arg16 : memref<125x32xf32, #tpu.memory_space<vmem>>) target(%dma_start3A_231 : memref<10240x32xf32, #tpu.memory_space<vmem_shared>>) offsets(%dma_start3A_228 : memref<125xi32, #tpu.memory_space<vmem>>) semaphore(%dma_start3A_233 : memref<!tpu.dma_semaphore, #tpu.memory_space<semaphore_mem>>) {add = true}
      %dma_wait3A_234 = arith.constant 2 : i32
      %dma_wait3A_235 = arith.constant 2 : i32
      %dma_wait3A_236 = arith.constant 0 : i32
      %dma_wait3A_237 = arith.constant 0 : i32
      %dma_wait3A_238 = tpu.memref_slice %arg12[%dma_wait3A_234, %dma_wait3A_236, %dma_wait3A_237] : memref<8x125x32xf32, #tpu.memory_space<vmem>> -> memref<1x125x32xf32, #tpu.memory_space<vmem>>
      %dma_wait3A_239 = tpu.memref_squeeze %dma_wait3A_238 : memref<1x125x32xf32, #tpu.memory_space<vmem>> -> memref<125x32xf32, #tpu.memory_space<vmem>>
      %dma_wait3A_240 = arith.constant 0 : i32
      %dma_wait3A_241 = tpu.memref_slice %arg10[%add3A_48, %dma_wait3A_240] : memref<80x125xi32, #tpu.memory_space<vmem>> -> memref<1x125xi32, #tpu.memory_space<vmem>>
      %dma_wait3A_242 = tpu.memref_squeeze %dma_wait3A_241 : memref<1x125xi32, #tpu.memory_space<vmem>> -> memref<125xi32, #tpu.memory_space<vmem>>
      %dma_wait3A_243 = arith.constant 0 : i32
      %dma_wait3A_244 = arith.constant 0 : i32
      %dma_wait3A_245 = tpu.memref_slice %arg4[%dma_wait3A_243, %dma_wait3A_244] : memref<40960x32xf32, #tpu.memory_space<hbm>> -> memref<40960x32xf32, #tpu.memory_space<hbm>>
      %dma_wait3A_246 = tpu.memref_slice %arg14[%dma_wait3A_235] : memref<8x!tpu.dma_semaphore, #tpu.memory_space<semaphore_mem>> -> memref<1x!tpu.dma_semaphore, #tpu.memory_space<semaphore_mem>>
      %dma_wait3A_247 = tpu.memref_squeeze %dma_wait3A_246 : memref<1x!tpu.dma_semaphore, #tpu.memory_space<semaphore_mem>> -> memref<!tpu.dma_semaphore, #tpu.memory_space<semaphore_mem>>
      tpu.wait_indirect_dma semaphore(%dma_wait3A_247 : memref<!tpu.dma_semaphore, #tpu.memory_space<semaphore_mem>>) src(%dma_wait3A_245 : memref<40960x32xf32, #tpu.memory_space<hbm>>) dst(%dma_wait3A_239 : memref<125x32xf32, #tpu.memory_space<vmem>>)
      %mul3A_248 = arith.constant 8 : i32
      %mul3A_249 = arith.muli %scan3A_9, %mul3A_248 : i32
      %add3A_250 = arith.constant 2 : i32
      %add3A_251 = arith.addi %mul3A_249, %add3A_250 : i32
      %dma_start3A_252 = arith.constant 2 : i32
      %dma_start3A_253 = arith.constant 2 : i32
      %dma_start3A_254 = arith.constant 0 : i32
      %dma_start3A_255 = arith.constant 0 : i32
      %dma_start3A_256 = tpu.memref_slice %arg12[%dma_start3A_252, %dma_start3A_254, %dma_start3A_255] : memref<8x125x32xf32, #tpu.memory_space<vmem>> -> memref<1x125x32xf32, #tpu.memory_space<vmem>>
      %dma_start3A_257 = tpu.memref_squeeze %dma_start3A_256 : memref<1x125x32xf32, #tpu.memory_space<vmem>> -> memref<125x32xf32, #tpu.memory_space<vmem>>
      %dma_start3A_258 = arith.constant 0 : i32
      %dma_start3A_259 = tpu.memref_slice %arg11[%add3A_251, %dma_start3A_258] : memref<80x125xi32, #tpu.memory_space<vmem>> -> memref<1x125xi32, #tpu.memory_space<vmem>>
      %dma_start3A_260 = tpu.memref_squeeze %dma_start3A_259 : memref<1x125xi32, #tpu.memory_space<vmem>> -> memref<125xi32, #tpu.memory_space<vmem>>
      %dma_start3A_261 = arith.constant 0 : i32
      %dma_start3A_262 = arith.constant 0 : i32
      %dma_start3A_263 = tpu.memref_slice %arg13[%dma_start3A_261, %dma_start3A_262] : memref<10240x32xf32, #tpu.memory_space<vmem_shared>> -> memref<10240x32xf32, #tpu.memory_space<vmem_shared>>
      %dma_start3A_264 = tpu.memref_slice %arg15[%dma_start3A_253] : memref<8x!tpu.dma_semaphore, #tpu.memory_space<semaphore_mem>> -> memref<1x!tpu.dma_semaphore, #tpu.memory_space<semaphore_mem>>
      %dma_start3A_265 = tpu.memref_squeeze %dma_start3A_264 : memref<1x!tpu.dma_semaphore, #tpu.memory_space<semaphore_mem>> -> memref<!tpu.dma_semaphore, #tpu.memory_space<semaphore_mem>>
      tpu.enqueue_indirect_dma source(%dma_start3A_257 : memref<125x32xf32, #tpu.memory_space<vmem>>) target(%dma_start3A_263 : memref<10240x32xf32, #tpu.memory_space<vmem_shared>>) offsets(%dma_start3A_260 : memref<125xi32, #tpu.memory_space<vmem>>) semaphore(%dma_start3A_265 : memref<!tpu.dma_semaphore, #tpu.memory_space<semaphore_mem>>) {add = true}
      %dma_start3A_266 = arith.constant 2 : i32
      %dma_start3A_267 = arith.constant 0 : i32
      %dma_start3A_268 = tpu.memref_slice %arg11[%add3A_251, %dma_start3A_267] : memref<80x125xi32, #tpu.memory_space<vmem>> -> memref<1x125xi32, #tpu.memory_space<vmem>>
      %dma_start3A_269 = tpu.memref_squeeze %dma_start3A_268 : memref<1x125xi32, #tpu.memory_space<vmem>> -> memref<125xi32, #tpu.memory_space<vmem>>
      %dma_start3A_270 = arith.constant 0 : i32
      %dma_start3A_271 = arith.constant 0 : i32
      %dma_start3A_272 = tpu.memref_slice %arg17[%dma_start3A_270, %dma_start3A_271] : memref<10240x32xf32, #tpu.memory_space<vmem_shared>> -> memref<10240x32xf32, #tpu.memory_space<vmem_shared>>
      %dma_start3A_273 = tpu.memref_slice %arg15[%dma_start3A_266] : memref<8x!tpu.dma_semaphore, #tpu.memory_space<semaphore_mem>> -> memref<1x!tpu.dma_semaphore, #tpu.memory_space<semaphore_mem>>
      %dma_start3A_274 = tpu.memref_squeeze %dma_start3A_273 : memref<1x!tpu.dma_semaphore, #tpu.memory_space<semaphore_mem>> -> memref<!tpu.dma_semaphore, #tpu.memory_space<semaphore_mem>>
      tpu.enqueue_indirect_dma source(%arg16 : memref<125x32xf32, #tpu.memory_space<vmem>>) target(%dma_start3A_272 : memref<10240x32xf32, #tpu.memory_space<vmem_shared>>) offsets(%dma_start3A_269 : memref<125xi32, #tpu.memory_space<vmem>>) semaphore(%dma_start3A_274 : memref<!tpu.dma_semaphore, #tpu.memory_space<semaphore_mem>>) {add = true}
      %dma_wait3A_275 = arith.constant 3 : i32
      %dma_wait3A_276 = arith.constant 3 : i32
      %dma_wait3A_277 = arith.constant 0 : i32
      %dma_wait3A_278 = arith.constant 0 : i32
      %dma_wait3A_279 = tpu.memref_slice %arg12[%dma_wait3A_275, %dma_wait3A_277, %dma_wait3A_278] : memref<8x125x32xf32, #tpu.memory_space<vmem>> -> memref<1x125x32xf32, #tpu.memory_space<vmem>>
      %dma_wait3A_280 = tpu.memref_squeeze %dma_wait3A_279 : memref<1x125x32xf32, #tpu.memory_space<vmem>> -> memref<125x32xf32, #tpu.memory_space<vmem>>
      %dma_wait3A_281 = arith.constant 0 : i32
      %dma_wait3A_282 = tpu.memref_slice %arg10[%add3A_66, %dma_wait3A_281] : memref<80x125xi32, #tpu.memory_space<vmem>> -> memref<1x125xi32, #tpu.memory_space<vmem>>
      %dma_wait3A_283 = tpu.memref_squeeze %dma_wait3A_282 : memref<1x125xi32, #tpu.memory_space<vmem>> -> memref<125xi32, #tpu.memory_space<vmem>>
      %dma_wait3A_284 = arith.constant 0 : i32
      %dma_wait3A_285 = arith.constant 0 : i32
      %dma_wait3A_286 = tpu.memref_slice %arg4[%dma_wait3A_284, %dma_wait3A_285] : memref<40960x32xf32, #tpu.memory_space<hbm>> -> memref<40960x32xf32, #tpu.memory_space<hbm>>
      %dma_wait3A_287 = tpu.memref_slice %arg14[%dma_wait3A_276] : memref<8x!tpu.dma_semaphore, #tpu.memory_space<semaphore_mem>> -> memref<1x!tpu.dma_semaphore, #tpu.memory_space<semaphore_mem>>
      %dma_wait3A_288 = tpu.memref_squeeze %dma_wait3A_287 : memref<1x!tpu.dma_semaphore, #tpu.memory_space<semaphore_mem>> -> memref<!tpu.dma_semaphore, #tpu.memory_space<semaphore_mem>>
      tpu.wait_indirect_dma semaphore(%dma_wait3A_288 : memref<!tpu.dma_semaphore, #tpu.memory_space<semaphore_mem>>) src(%dma_wait3A_286 : memref<40960x32xf32, #tpu.memory_space<hbm>>) dst(%dma_wait3A_280 : memref<125x32xf32, #tpu.memory_space<vmem>>)
      %mul3A_289 = arith.constant 8 : i32
      %mul3A_290 = arith.muli %scan3A_9, %mul3A_289 : i32
      %add3A_291 = arith.constant 3 : i32
      %add3A_292 = arith.addi %mul3A_290, %add3A_291 : i32
      %dma_start3A_293 = arith.constant 3 : i32
      %dma_start3A_294 = arith.constant 3 : i32
      %dma_start3A_295 = arith.constant 0 : i32
      %dma_start3A_296 = arith.constant 0 : i32
      %dma_start3A_297 = tpu.memref_slice %arg12[%dma_start3A_293, %dma_start3A_295, %dma_start3A_296] : memref<8x125x32xf32, #tpu.memory_space<vmem>> -> memref<1x125x32xf32, #tpu.memory_space<vmem>>
      %dma_start3A_298 = tpu.memref_squeeze %dma_start3A_297 : memref<1x125x32xf32, #tpu.memory_space<vmem>> -> memref<125x32xf32, #tpu.memory_space<vmem>>
      %dma_start3A_299 = arith.constant 0 : i32
      %dma_start3A_300 = tpu.memref_slice %arg11[%add3A_292, %dma_start3A_299] : memref<80x125xi32, #tpu.memory_space<vmem>> -> memref<1x125xi32, #tpu.memory_space<vmem>>
      %dma_start3A_301 = tpu.memref_squeeze %dma_start3A_300 : memref<1x125xi32, #tpu.memory_space<vmem>> -> memref<125xi32, #tpu.memory_space<vmem>>
      %dma_start3A_302 = arith.constant 0 : i32
      %dma_start3A_303 = arith.constant 0 : i32
      %dma_start3A_304 = tpu.memref_slice %arg13[%dma_start3A_302, %dma_start3A_303] : memref<10240x32xf32, #tpu.memory_space<vmem_shared>> -> memref<10240x32xf32, #tpu.memory_space<vmem_shared>>
      %dma_start3A_305 = tpu.memref_slice %arg15[%dma_start3A_294] : memref<8x!tpu.dma_semaphore, #tpu.memory_space<semaphore_mem>> -> memref<1x!tpu.dma_semaphore, #tpu.memory_space<semaphore_mem>>
      %dma_start3A_306 = tpu.memref_squeeze %dma_start3A_305 : memref<1x!tpu.dma_semaphore, #tpu.memory_space<semaphore_mem>> -> memref<!tpu.dma_semaphore, #tpu.memory_space<semaphore_mem>>
      tpu.enqueue_indirect_dma source(%dma_start3A_298 : memref<125x32xf32, #tpu.memory_space<vmem>>) target(%dma_start3A_304 : memref<10240x32xf32, #tpu.memory_space<vmem_shared>>) offsets(%dma_start3A_301 : memref<125xi32, #tpu.memory_space<vmem>>) semaphore(%dma_start3A_306 : memref<!tpu.dma_semaphore, #tpu.memory_space<semaphore_mem>>) {add = true}
      %dma_start3A_307 = arith.constant 3 : i32
      %dma_start3A_308 = arith.constant 0 : i32
      %dma_start3A_309 = tpu.memref_slice %arg11[%add3A_292, %dma_start3A_308] : memref<80x125xi32, #tpu.memory_space<vmem>> -> memref<1x125xi32, #tpu.memory_space<vmem>>
      %dma_start3A_310 = tpu.memref_squeeze %dma_start3A_309 : memref<1x125xi32, #tpu.memory_space<vmem>> -> memref<125xi32, #tpu.memory_space<vmem>>
      %dma_start3A_311 = arith.constant 0 : i32
      %dma_start3A_312 = arith.constant 0 : i32
      %dma_start3A_313 = tpu.memref_slice %arg17[%dma_start3A_311, %dma_start3A_312] : memref<10240x32xf32, #tpu.memory_space<vmem_shared>> -> memref<10240x32xf32, #tpu.memory_space<vmem_shared>>
      %dma_start3A_314 = tpu.memref_slice %arg15[%dma_start3A_307] : memref<8x!tpu.dma_semaphore, #tpu.memory_space<semaphore_mem>> -> memref<1x!tpu.dma_semaphore, #tpu.memory_space<semaphore_mem>>
      %dma_start3A_315 = tpu.memref_squeeze %dma_start3A_314 : memref<1x!tpu.dma_semaphore, #tpu.memory_space<semaphore_mem>> -> memref<!tpu.dma_semaphore, #tpu.memory_space<semaphore_mem>>
      tpu.enqueue_indirect_dma source(%arg16 : memref<125x32xf32, #tpu.memory_space<vmem>>) target(%dma_start3A_313 : memref<10240x32xf32, #tpu.memory_space<vmem_shared>>) offsets(%dma_start3A_310 : memref<125xi32, #tpu.memory_space<vmem>>) semaphore(%dma_start3A_315 : memref<!tpu.dma_semaphore, #tpu.memory_space<semaphore_mem>>) {add = true}
      %dma_wait3A_316 = arith.constant 4 : i32
      %dma_wait3A_317 = arith.constant 4 : i32
      %dma_wait3A_318 = arith.constant 0 : i32
      %dma_wait3A_319 = arith.constant 0 : i32
      %dma_wait3A_320 = tpu.memref_slice %arg12[%dma_wait3A_316, %dma_wait3A_318, %dma_wait3A_319] : memref<8x125x32xf32, #tpu.memory_space<vmem>> -> memref<1x125x32xf32, #tpu.memory_space<vmem>>
      %dma_wait3A_321 = tpu.memref_squeeze %dma_wait3A_320 : memref<1x125x32xf32, #tpu.memory_space<vmem>> -> memref<125x32xf32, #tpu.memory_space<vmem>>
      %dma_wait3A_322 = arith.constant 0 : i32
      %dma_wait3A_323 = tpu.memref_slice %arg10[%add3A_84, %dma_wait3A_322] : memref<80x125xi32, #tpu.memory_space<vmem>> -> memref<1x125xi32, #tpu.memory_space<vmem>>
      %dma_wait3A_324 = tpu.memref_squeeze %dma_wait3A_323 : memref<1x125xi32, #tpu.memory_space<vmem>> -> memref<125xi32, #tpu.memory_space<vmem>>
      %dma_wait3A_325 = arith.constant 0 : i32
      %dma_wait3A_326 = arith.constant 0 : i32
      %dma_wait3A_327 = tpu.memref_slice %arg4[%dma_wait3A_325, %dma_wait3A_326] : memref<40960x32xf32, #tpu.memory_space<hbm>> -> memref<40960x32xf32, #tpu.memory_space<hbm>>
      %dma_wait3A_328 = tpu.memref_slice %arg14[%dma_wait3A_317] : memref<8x!tpu.dma_semaphore, #tpu.memory_space<semaphore_mem>> -> memref<1x!tpu.dma_semaphore, #tpu.memory_space<semaphore_mem>>
      %dma_wait3A_329 = tpu.memref_squeeze %dma_wait3A_328 : memref<1x!tpu.dma_semaphore, #tpu.memory_space<semaphore_mem>> -> memref<!tpu.dma_semaphore, #tpu.memory_space<semaphore_mem>>
      tpu.wait_indirect_dma semaphore(%dma_wait3A_329 : memref<!tpu.dma_semaphore, #tpu.memory_space<semaphore_mem>>) src(%dma_wait3A_327 : memref<40960x32xf32, #tpu.memory_space<hbm>>) dst(%dma_wait3A_321 : memref<125x32xf32, #tpu.memory_space<vmem>>)
      %mul3A_330 = arith.constant 8 : i32
      %mul3A_331 = arith.muli %scan3A_9, %mul3A_330 : i32
      %add3A_332 = arith.constant 4 : i32
      %add3A_333 = arith.addi %mul3A_331, %add3A_332 : i32
      %dma_start3A_334 = arith.constant 4 : i32
      %dma_start3A_335 = arith.constant 4 : i32
      %dma_start3A_336 = arith.constant 0 : i32
      %dma_start3A_337 = arith.constant 0 : i32
      %dma_start3A_338 = tpu.memref_slice %arg12[%dma_start3A_334, %dma_start3A_336, %dma_start3A_337] : memref<8x125x32xf32, #tpu.memory_space<vmem>> -> memref<1x125x32xf32, #tpu.memory_space<vmem>>
      %dma_start3A_339 = tpu.memref_squeeze %dma_start3A_338 : memref<1x125x32xf32, #tpu.memory_space<vmem>> -> memref<125x32xf32, #tpu.memory_space<vmem>>
      %dma_start3A_340 = arith.constant 0 : i32
      %dma_start3A_341 = tpu.memref_slice %arg11[%add3A_333, %dma_start3A_340] : memref<80x125xi32, #tpu.memory_space<vmem>> -> memref<1x125xi32, #tpu.memory_space<vmem>>
      %dma_start3A_342 = tpu.memref_squeeze %dma_start3A_341 : memref<1x125xi32, #tpu.memory_space<vmem>> -> memref<125xi32, #tpu.memory_space<vmem>>
      %dma_start3A_343 = arith.constant 0 : i32
      %dma_start3A_344 = arith.constant 0 : i32
      %dma_start3A_345 = tpu.memref_slice %arg13[%dma_start3A_343, %dma_start3A_344] : memref<10240x32xf32, #tpu.memory_space<vmem_shared>> -> memref<10240x32xf32, #tpu.memory_space<vmem_shared>>
      %dma_start3A_346 = tpu.memref_slice %arg15[%dma_start3A_335] : memref<8x!tpu.dma_semaphore, #tpu.memory_space<semaphore_mem>> -> memref<1x!tpu.dma_semaphore, #tpu.memory_space<semaphore_mem>>
      %dma_start3A_347 = tpu.memref_squeeze %dma_start3A_346 : memref<1x!tpu.dma_semaphore, #tpu.memory_space<semaphore_mem>> -> memref<!tpu.dma_semaphore, #tpu.memory_space<semaphore_mem>>
      tpu.enqueue_indirect_dma source(%dma_start3A_339 : memref<125x32xf32, #tpu.memory_space<vmem>>) target(%dma_start3A_345 : memref<10240x32xf32, #tpu.memory_space<vmem_shared>>) offsets(%dma_start3A_342 : memref<125xi32, #tpu.memory_space<vmem>>) semaphore(%dma_start3A_347 : memref<!tpu.dma_semaphore, #tpu.memory_space<semaphore_mem>>) {add = true}
      %dma_start3A_348 = arith.constant 4 : i32
      %dma_start3A_349 = arith.constant 0 : i32
      %dma_start3A_350 = tpu.memref_slice %arg11[%add3A_333, %dma_start3A_349] : memref<80x125xi32, #tpu.memory_space<vmem>> -> memref<1x125xi32, #tpu.memory_space<vmem>>
      %dma_start3A_351 = tpu.memref_squeeze %dma_start3A_350 : memref<1x125xi32, #tpu.memory_space<vmem>> -> memref<125xi32, #tpu.memory_space<vmem>>
      %dma_start3A_352 = arith.constant 0 : i32
      %dma_start3A_353 = arith.constant 0 : i32
      %dma_start3A_354 = tpu.memref_slice %arg17[%dma_start3A_352, %dma_start3A_353] : memref<10240x32xf32, #tpu.memory_space<vmem_shared>> -> memref<10240x32xf32, #tpu.memory_space<vmem_shared>>
      %dma_start3A_355 = tpu.memref_slice %arg15[%dma_start3A_348] : memref<8x!tpu.dma_semaphore, #tpu.memory_space<semaphore_mem>> -> memref<1x!tpu.dma_semaphore, #tpu.memory_space<semaphore_mem>>
      %dma_start3A_356 = tpu.memref_squeeze %dma_start3A_355 : memref<1x!tpu.dma_semaphore, #tpu.memory_space<semaphore_mem>> -> memref<!tpu.dma_semaphore, #tpu.memory_space<semaphore_mem>>
      tpu.enqueue_indirect_dma source(%arg16 : memref<125x32xf32, #tpu.memory_space<vmem>>) target(%dma_start3A_354 : memref<10240x32xf32, #tpu.memory_space<vmem_shared>>) offsets(%dma_start3A_351 : memref<125xi32, #tpu.memory_space<vmem>>) semaphore(%dma_start3A_356 : memref<!tpu.dma_semaphore, #tpu.memory_space<semaphore_mem>>) {add = true}
      %dma_wait3A_357 = arith.constant 5 : i32
      %dma_wait3A_358 = arith.constant 5 : i32
      %dma_wait3A_359 = arith.constant 0 : i32
      %dma_wait3A_360 = arith.constant 0 : i32
      %dma_wait3A_361 = tpu.memref_slice %arg12[%dma_wait3A_357, %dma_wait3A_359, %dma_wait3A_360] : memref<8x125x32xf32, #tpu.memory_space<vmem>> -> memref<1x125x32xf32, #tpu.memory_space<vmem>>
      %dma_wait3A_362 = tpu.memref_squeeze %dma_wait3A_361 : memref<1x125x32xf32, #tpu.memory_space<vmem>> -> memref<125x32xf32, #tpu.memory_space<vmem>>
      %dma_wait3A_363 = arith.constant 0 : i32
      %dma_wait3A_364 = tpu.memref_slice %arg10[%add3A_102, %dma_wait3A_363] : memref<80x125xi32, #tpu.memory_space<vmem>> -> memref<1x125xi32, #tpu.memory_space<vmem>>
      %dma_wait3A_365 = tpu.memref_squeeze %dma_wait3A_364 : memref<1x125xi32, #tpu.memory_space<vmem>> -> memref<125xi32, #tpu.memory_space<vmem>>
      %dma_wait3A_366 = arith.constant 0 : i32
      %dma_wait3A_367 = arith.constant 0 : i32
      %dma_wait3A_368 = tpu.memref_slice %arg4[%dma_wait3A_366, %dma_wait3A_367] : memref<40960x32xf32, #tpu.memory_space<hbm>> -> memref<40960x32xf32, #tpu.memory_space<hbm>>
      %dma_wait3A_369 = tpu.memref_slice %arg14[%dma_wait3A_358] : memref<8x!tpu.dma_semaphore, #tpu.memory_space<semaphore_mem>> -> memref<1x!tpu.dma_semaphore, #tpu.memory_space<semaphore_mem>>
      %dma_wait3A_370 = tpu.memref_squeeze %dma_wait3A_369 : memref<1x!tpu.dma_semaphore, #tpu.memory_space<semaphore_mem>> -> memref<!tpu.dma_semaphore, #tpu.memory_space<semaphore_mem>>
      tpu.wait_indirect_dma semaphore(%dma_wait3A_370 : memref<!tpu.dma_semaphore, #tpu.memory_space<semaphore_mem>>) src(%dma_wait3A_368 : memref<40960x32xf32, #tpu.memory_space<hbm>>) dst(%dma_wait3A_362 : memref<125x32xf32, #tpu.memory_space<vmem>>)
      %mul3A_371 = arith.constant 8 : i32
      %mul3A_372 = arith.muli %scan3A_9, %mul3A_371 : i32
      %add3A_373 = arith.constant 5 : i32
      %add3A_374 = arith.addi %mul3A_372, %add3A_373 : i32
      %dma_start3A_375 = arith.constant 5 : i32
      %dma_start3A_376 = arith.constant 5 : i32
      %dma_start3A_377 = arith.constant 0 : i32
      %dma_start3A_378 = arith.constant 0 : i32
      %dma_start3A_379 = tpu.memref_slice %arg12[%dma_start3A_375, %dma_start3A_377, %dma_start3A_378] : memref<8x125x32xf32, #tpu.memory_space<vmem>> -> memref<1x125x32xf32, #tpu.memory_space<vmem>>
      %dma_start3A_380 = tpu.memref_squeeze %dma_start3A_379 : memref<1x125x32xf32, #tpu.memory_space<vmem>> -> memref<125x32xf32, #tpu.memory_space<vmem>>
      %dma_start3A_381 = arith.constant 0 : i32
      %dma_start3A_382 = tpu.memref_slice %arg11[%add3A_374, %dma_start3A_381] : memref<80x125xi32, #tpu.memory_space<vmem>> -> memref<1x125xi32, #tpu.memory_space<vmem>>
      %dma_start3A_383 = tpu.memref_squeeze %dma_start3A_382 : memref<1x125xi32, #tpu.memory_space<vmem>> -> memref<125xi32, #tpu.memory_space<vmem>>
      %dma_start3A_384 = arith.constant 0 : i32
      %dma_start3A_385 = arith.constant 0 : i32
      %dma_start3A_386 = tpu.memref_slice %arg13[%dma_start3A_384, %dma_start3A_385] : memref<10240x32xf32, #tpu.memory_space<vmem_shared>> -> memref<10240x32xf32, #tpu.memory_space<vmem_shared>>
      %dma_start3A_387 = tpu.memref_slice %arg15[%dma_start3A_376] : memref<8x!tpu.dma_semaphore, #tpu.memory_space<semaphore_mem>> -> memref<1x!tpu.dma_semaphore, #tpu.memory_space<semaphore_mem>>
      %dma_start3A_388 = tpu.memref_squeeze %dma_start3A_387 : memref<1x!tpu.dma_semaphore, #tpu.memory_space<semaphore_mem>> -> memref<!tpu.dma_semaphore, #tpu.memory_space<semaphore_mem>>
      tpu.enqueue_indirect_dma source(%dma_start3A_380 : memref<125x32xf32, #tpu.memory_space<vmem>>) target(%dma_start3A_386 : memref<10240x32xf32, #tpu.memory_space<vmem_shared>>) offsets(%dma_start3A_383 : memref<125xi32, #tpu.memory_space<vmem>>) semaphore(%dma_start3A_388 : memref<!tpu.dma_semaphore, #tpu.memory_space<semaphore_mem>>) {add = true}
      %dma_start3A_389 = arith.constant 5 : i32
      %dma_start3A_390 = arith.constant 0 : i32
      %dma_start3A_391 = tpu.memref_slice %arg11[%add3A_374, %dma_start3A_390] : memref<80x125xi32, #tpu.memory_space<vmem>> -> memref<1x125xi32, #tpu.memory_space<vmem>>
      %dma_start3A_392 = tpu.memref_squeeze %dma_start3A_391 : memref<1x125xi32, #tpu.memory_space<vmem>> -> memref<125xi32, #tpu.memory_space<vmem>>
      %dma_start3A_393 = arith.constant 0 : i32
      %dma_start3A_394 = arith.constant 0 : i32
      %dma_start3A_395 = tpu.memref_slice %arg17[%dma_start3A_393, %dma_start3A_394] : memref<10240x32xf32, #tpu.memory_space<vmem_shared>> -> memref<10240x32xf32, #tpu.memory_space<vmem_shared>>
      %dma_start3A_396 = tpu.memref_slice %arg15[%dma_start3A_389] : memref<8x!tpu.dma_semaphore, #tpu.memory_space<semaphore_mem>> -> memref<1x!tpu.dma_semaphore, #tpu.memory_space<semaphore_mem>>
      %dma_start3A_397 = tpu.memref_squeeze %dma_start3A_396 : memref<1x!tpu.dma_semaphore, #tpu.memory_space<semaphore_mem>> -> memref<!tpu.dma_semaphore, #tpu.memory_space<semaphore_mem>>
      tpu.enqueue_indirect_dma source(%arg16 : memref<125x32xf32, #tpu.memory_space<vmem>>) target(%dma_start3A_395 : memref<10240x32xf32, #tpu.memory_space<vmem_shared>>) offsets(%dma_start3A_392 : memref<125xi32, #tpu.memory_space<vmem>>) semaphore(%dma_start3A_397 : memref<!tpu.dma_semaphore, #tpu.memory_space<semaphore_mem>>) {add = true}
      %dma_wait3A_398 = arith.constant 6 : i32
      %dma_wait3A_399 = arith.constant 6 : i32
      %dma_wait3A_400 = arith.constant 0 : i32
      %dma_wait3A_401 = arith.constant 0 : i32
      %dma_wait3A_402 = tpu.memref_slice %arg12[%dma_wait3A_398, %dma_wait3A_400, %dma_wait3A_401] : memref<8x125x32xf32, #tpu.memory_space<vmem>> -> memref<1x125x32xf32, #tpu.memory_space<vmem>>
      %dma_wait3A_403 = tpu.memref_squeeze %dma_wait3A_402 : memref<1x125x32xf32, #tpu.memory_space<vmem>> -> memref<125x32xf32, #tpu.memory_space<vmem>>
      %dma_wait3A_404 = arith.constant 0 : i32
      %dma_wait3A_405 = tpu.memref_slice %arg10[%add3A_120, %dma_wait3A_404] : memref<80x125xi32, #tpu.memory_space<vmem>> -> memref<1x125xi32, #tpu.memory_space<vmem>>
      %dma_wait3A_406 = tpu.memref_squeeze %dma_wait3A_405 : memref<1x125xi32, #tpu.memory_space<vmem>> -> memref<125xi32, #tpu.memory_space<vmem>>
      %dma_wait3A_407 = arith.constant 0 : i32
      %dma_wait3A_408 = arith.constant 0 : i32
      %dma_wait3A_409 = tpu.memref_slice %arg4[%dma_wait3A_407, %dma_wait3A_408] : memref<40960x32xf32, #tpu.memory_space<hbm>> -> memref<40960x32xf32, #tpu.memory_space<hbm>>
      %dma_wait3A_410 = tpu.memref_slice %arg14[%dma_wait3A_399] : memref<8x!tpu.dma_semaphore, #tpu.memory_space<semaphore_mem>> -> memref<1x!tpu.dma_semaphore, #tpu.memory_space<semaphore_mem>>
      %dma_wait3A_411 = tpu.memref_squeeze %dma_wait3A_410 : memref<1x!tpu.dma_semaphore, #tpu.memory_space<semaphore_mem>> -> memref<!tpu.dma_semaphore, #tpu.memory_space<semaphore_mem>>
      tpu.wait_indirect_dma semaphore(%dma_wait3A_411 : memref<!tpu.dma_semaphore, #tpu.memory_space<semaphore_mem>>) src(%dma_wait3A_409 : memref<40960x32xf32, #tpu.memory_space<hbm>>) dst(%dma_wait3A_403 : memref<125x32xf32, #tpu.memory_space<vmem>>)
      %mul3A_412 = arith.constant 8 : i32
      %mul3A_413 = arith.muli %scan3A_9, %mul3A_412 : i32
      %add3A_414 = arith.constant 6 : i32
      %add3A_415 = arith.addi %mul3A_413, %add3A_414 : i32
      %dma_start3A_416 = arith.constant 6 : i32
      %dma_start3A_417 = arith.constant 6 : i32
      %dma_start3A_418 = arith.constant 0 : i32
      %dma_start3A_419 = arith.constant 0 : i32
      %dma_start3A_420 = tpu.memref_slice %arg12[%dma_start3A_416, %dma_start3A_418, %dma_start3A_419] : memref<8x125x32xf32, #tpu.memory_space<vmem>> -> memref<1x125x32xf32, #tpu.memory_space<vmem>>
      %dma_start3A_421 = tpu.memref_squeeze %dma_start3A_420 : memref<1x125x32xf32, #tpu.memory_space<vmem>> -> memref<125x32xf32, #tpu.memory_space<vmem>>
      %dma_start3A_422 = arith.constant 0 : i32
      %dma_start3A_423 = tpu.memref_slice %arg11[%add3A_415, %dma_start3A_422] : memref<80x125xi32, #tpu.memory_space<vmem>> -> memref<1x125xi32, #tpu.memory_space<vmem>>
      %dma_start3A_424 = tpu.memref_squeeze %dma_start3A_423 : memref<1x125xi32, #tpu.memory_space<vmem>> -> memref<125xi32, #tpu.memory_space<vmem>>
      %dma_start3A_425 = arith.constant 0 : i32
      %dma_start3A_426 = arith.constant 0 : i32
      %dma_start3A_427 = tpu.memref_slice %arg13[%dma_start3A_425, %dma_start3A_426] : memref<10240x32xf32, #tpu.memory_space<vmem_shared>> -> memref<10240x32xf32, #tpu.memory_space<vmem_shared>>
      %dma_start3A_428 = tpu.memref_slice %arg15[%dma_start3A_417] : memref<8x!tpu.dma_semaphore, #tpu.memory_space<semaphore_mem>> -> memref<1x!tpu.dma_semaphore, #tpu.memory_space<semaphore_mem>>
      %dma_start3A_429 = tpu.memref_squeeze %dma_start3A_428 : memref<1x!tpu.dma_semaphore, #tpu.memory_space<semaphore_mem>> -> memref<!tpu.dma_semaphore, #tpu.memory_space<semaphore_mem>>
      tpu.enqueue_indirect_dma source(%dma_start3A_421 : memref<125x32xf32, #tpu.memory_space<vmem>>) target(%dma_start3A_427 : memref<10240x32xf32, #tpu.memory_space<vmem_shared>>) offsets(%dma_start3A_424 : memref<125xi32, #tpu.memory_space<vmem>>) semaphore(%dma_start3A_429 : memref<!tpu.dma_semaphore, #tpu.memory_space<semaphore_mem>>) {add = true}
      %dma_start3A_430 = arith.constant 6 : i32
      %dma_start3A_431 = arith.constant 0 : i32
      %dma_start3A_432 = tpu.memref_slice %arg11[%add3A_415, %dma_start3A_431] : memref<80x125xi32, #tpu.memory_space<vmem>> -> memref<1x125xi32, #tpu.memory_space<vmem>>
      %dma_start3A_433 = tpu.memref_squeeze %dma_start3A_432 : memref<1x125xi32, #tpu.memory_space<vmem>> -> memref<125xi32, #tpu.memory_space<vmem>>
      %dma_start3A_434 = arith.constant 0 : i32
      %dma_start3A_435 = arith.constant 0 : i32
      %dma_start3A_436 = tpu.memref_slice %arg17[%dma_start3A_434, %dma_start3A_435] : memref<10240x32xf32, #tpu.memory_space<vmem_shared>> -> memref<10240x32xf32, #tpu.memory_space<vmem_shared>>
      %dma_start3A_437 = tpu.memref_slice %arg15[%dma_start3A_430] : memref<8x!tpu.dma_semaphore, #tpu.memory_space<semaphore_mem>> -> memref<1x!tpu.dma_semaphore, #tpu.memory_space<semaphore_mem>>
      %dma_start3A_438 = tpu.memref_squeeze %dma_start3A_437 : memref<1x!tpu.dma_semaphore, #tpu.memory_space<semaphore_mem>> -> memref<!tpu.dma_semaphore, #tpu.memory_space<semaphore_mem>>
      tpu.enqueue_indirect_dma source(%arg16 : memref<125x32xf32, #tpu.memory_space<vmem>>) target(%dma_start3A_436 : memref<10240x32xf32, #tpu.memory_space<vmem_shared>>) offsets(%dma_start3A_433 : memref<125xi32, #tpu.memory_space<vmem>>) semaphore(%dma_start3A_438 : memref<!tpu.dma_semaphore, #tpu.memory_space<semaphore_mem>>) {add = true}
      %dma_wait3A_439 = arith.constant 7 : i32
      %dma_wait3A_440 = arith.constant 7 : i32
      %dma_wait3A_441 = arith.constant 0 : i32
      %dma_wait3A_442 = arith.constant 0 : i32
      %dma_wait3A_443 = tpu.memref_slice %arg12[%dma_wait3A_439, %dma_wait3A_441, %dma_wait3A_442] : memref<8x125x32xf32, #tpu.memory_space<vmem>> -> memref<1x125x32xf32, #tpu.memory_space<vmem>>
      %dma_wait3A_444 = tpu.memref_squeeze %dma_wait3A_443 : memref<1x125x32xf32, #tpu.memory_space<vmem>> -> memref<125x32xf32, #tpu.memory_space<vmem>>
      %dma_wait3A_445 = arith.constant 0 : i32
      %dma_wait3A_446 = tpu.memref_slice %arg10[%add3A_138, %dma_wait3A_445] : memref<80x125xi32, #tpu.memory_space<vmem>> -> memref<1x125xi32, #tpu.memory_space<vmem>>
      %dma_wait3A_447 = tpu.memref_squeeze %dma_wait3A_446 : memref<1x125xi32, #tpu.memory_space<vmem>> -> memref<125xi32, #tpu.memory_space<vmem>>
      %dma_wait3A_448 = arith.constant 0 : i32
      %dma_wait3A_449 = arith.constant 0 : i32
      %dma_wait3A_450 = tpu.memref_slice %arg4[%dma_wait3A_448, %dma_wait3A_449] : memref<40960x32xf32, #tpu.memory_space<hbm>> -> memref<40960x32xf32, #tpu.memory_space<hbm>>
      %dma_wait3A_451 = tpu.memref_slice %arg14[%dma_wait3A_440] : memref<8x!tpu.dma_semaphore, #tpu.memory_space<semaphore_mem>> -> memref<1x!tpu.dma_semaphore, #tpu.memory_space<semaphore_mem>>
      %dma_wait3A_452 = tpu.memref_squeeze %dma_wait3A_451 : memref<1x!tpu.dma_semaphore, #tpu.memory_space<semaphore_mem>> -> memref<!tpu.dma_semaphore, #tpu.memory_space<semaphore_mem>>
      tpu.wait_indirect_dma semaphore(%dma_wait3A_452 : memref<!tpu.dma_semaphore, #tpu.memory_space<semaphore_mem>>) src(%dma_wait3A_450 : memref<40960x32xf32, #tpu.memory_space<hbm>>) dst(%dma_wait3A_444 : memref<125x32xf32, #tpu.memory_space<vmem>>)
      %mul3A_453 = arith.constant 8 : i32
      %mul3A_454 = arith.muli %scan3A_9, %mul3A_453 : i32
      %add3A_455 = arith.constant 7 : i32
      %add3A_456 = arith.addi %mul3A_454, %add3A_455 : i32
      %dma_start3A_457 = arith.constant 7 : i32
      %dma_start3A_458 = arith.constant 7 : i32
      %dma_start3A_459 = arith.constant 0 : i32
      %dma_start3A_460 = arith.constant 0 : i32
      %dma_start3A_461 = tpu.memref_slice %arg12[%dma_start3A_457, %dma_start3A_459, %dma_start3A_460] : memref<8x125x32xf32, #tpu.memory_space<vmem>> -> memref<1x125x32xf32, #tpu.memory_space<vmem>>
      %dma_start3A_462 = tpu.memref_squeeze %dma_start3A_461 : memref<1x125x32xf32, #tpu.memory_space<vmem>> -> memref<125x32xf32, #tpu.memory_space<vmem>>
      %dma_start3A_463 = arith.constant 0 : i32
      %dma_start3A_464 = tpu.memref_slice %arg11[%add3A_456, %dma_start3A_463] : memref<80x125xi32, #tpu.memory_space<vmem>> -> memref<1x125xi32, #tpu.memory_space<vmem>>
      %dma_start3A_465 = tpu.memref_squeeze %dma_start3A_464 : memref<1x125xi32, #tpu.memory_space<vmem>> -> memref<125xi32, #tpu.memory_space<vmem>>
      %dma_start3A_466 = arith.constant 0 : i32
      %dma_start3A_467 = arith.constant 0 : i32
      %dma_start3A_468 = tpu.memref_slice %arg13[%dma_start3A_466, %dma_start3A_467] : memref<10240x32xf32, #tpu.memory_space<vmem_shared>> -> memref<10240x32xf32, #tpu.memory_space<vmem_shared>>
      %dma_start3A_469 = tpu.memref_slice %arg15[%dma_start3A_458] : memref<8x!tpu.dma_semaphore, #tpu.memory_space<semaphore_mem>> -> memref<1x!tpu.dma_semaphore, #tpu.memory_space<semaphore_mem>>
      %dma_start3A_470 = tpu.memref_squeeze %dma_start3A_469 : memref<1x!tpu.dma_semaphore, #tpu.memory_space<semaphore_mem>> -> memref<!tpu.dma_semaphore, #tpu.memory_space<semaphore_mem>>
      tpu.enqueue_indirect_dma source(%dma_start3A_462 : memref<125x32xf32, #tpu.memory_space<vmem>>) target(%dma_start3A_468 : memref<10240x32xf32, #tpu.memory_space<vmem_shared>>) offsets(%dma_start3A_465 : memref<125xi32, #tpu.memory_space<vmem>>) semaphore(%dma_start3A_470 : memref<!tpu.dma_semaphore, #tpu.memory_space<semaphore_mem>>) {add = true}
      %dma_start3A_471 = arith.constant 7 : i32
      %dma_start3A_472 = arith.constant 0 : i32
      %dma_start3A_473 = tpu.memref_slice %arg11[%add3A_456, %dma_start3A_472] : memref<80x125xi32, #tpu.memory_space<vmem>> -> memref<1x125xi32, #tpu.memory_space<vmem>>
      %dma_start3A_474 = tpu.memref_squeeze %dma_start3A_473 : memref<1x125xi32, #tpu.memory_space<vmem>> -> memref<125xi32, #tpu.memory_space<vmem>>
      %dma_start3A_475 = arith.constant 0 : i32
      %dma_start3A_476 = arith.constant 0 : i32
      %dma_start3A_477 = tpu.memref_slice %arg17[%dma_start3A_475, %dma_start3A_476] : memref<10240x32xf32, #tpu.memory_space<vmem_shared>> -> memref<10240x32xf32, #tpu.memory_space<vmem_shared>>
      %dma_start3A_478 = tpu.memref_slice %arg15[%dma_start3A_471] : memref<8x!tpu.dma_semaphore, #tpu.memory_space<semaphore_mem>> -> memref<1x!tpu.dma_semaphore, #tpu.memory_space<semaphore_mem>>
      %dma_start3A_479 = tpu.memref_squeeze %dma_start3A_478 : memref<1x!tpu.dma_semaphore, #tpu.memory_space<semaphore_mem>> -> memref<!tpu.dma_semaphore, #tpu.memory_space<semaphore_mem>>
      tpu.enqueue_indirect_dma source(%arg16 : memref<125x32xf32, #tpu.memory_space<vmem>>) target(%dma_start3A_477 : memref<10240x32xf32, #tpu.memory_space<vmem_shared>>) offsets(%dma_start3A_474 : memref<125xi32, #tpu.memory_space<vmem>>) semaphore(%dma_start3A_479 : memref<!tpu.dma_semaphore, #tpu.memory_space<semaphore_mem>>) {add = true}
      %dma_wait3A_480 = arith.constant 0 : i32
      %dma_wait3A_481 = arith.constant 0 : i32
      %dma_wait3A_482 = arith.constant 0 : i32
      %dma_wait3A_483 = arith.constant 0 : i32
      %dma_wait3A_484 = tpu.memref_slice %arg12[%dma_wait3A_480, %dma_wait3A_482, %dma_wait3A_483] : memref<8x125x32xf32, #tpu.memory_space<vmem>> -> memref<1x125x32xf32, #tpu.memory_space<vmem>>
      %dma_wait3A_485 = tpu.memref_squeeze %dma_wait3A_484 : memref<1x125x32xf32, #tpu.memory_space<vmem>> -> memref<125x32xf32, #tpu.memory_space<vmem>>
      %dma_wait3A_486 = arith.constant 0 : i32
      %dma_wait3A_487 = tpu.memref_slice %arg11[%add3A_169, %dma_wait3A_486] : memref<80x125xi32, #tpu.memory_space<vmem>> -> memref<1x125xi32, #tpu.memory_space<vmem>>
      %dma_wait3A_488 = tpu.memref_squeeze %dma_wait3A_487 : memref<1x125xi32, #tpu.memory_space<vmem>> -> memref<125xi32, #tpu.memory_space<vmem>>
      %dma_wait3A_489 = arith.constant 0 : i32
      %dma_wait3A_490 = arith.constant 0 : i32
      %dma_wait3A_491 = tpu.memref_slice %arg13[%dma_wait3A_489, %dma_wait3A_490] : memref<10240x32xf32, #tpu.memory_space<vmem_shared>> -> memref<10240x32xf32, #tpu.memory_space<vmem_shared>>
      %dma_wait3A_492 = tpu.memref_slice %arg15[%dma_wait3A_481] : memref<8x!tpu.dma_semaphore, #tpu.memory_space<semaphore_mem>> -> memref<1x!tpu.dma_semaphore, #tpu.memory_space<semaphore_mem>>
      %dma_wait3A_493 = tpu.memref_squeeze %dma_wait3A_492 : memref<1x!tpu.dma_semaphore, #tpu.memory_space<semaphore_mem>> -> memref<!tpu.dma_semaphore, #tpu.memory_space<semaphore_mem>>
      tpu.wait_indirect_dma semaphore(%dma_wait3A_493 : memref<!tpu.dma_semaphore, #tpu.memory_space<semaphore_mem>>) src(%dma_wait3A_485 : memref<125x32xf32, #tpu.memory_space<vmem>>) dst(%dma_wait3A_491 : memref<10240x32xf32, #tpu.memory_space<vmem_shared>>)
      %dma_wait3A_494 = arith.constant 0 : i32
      %dma_wait3A_495 = arith.constant 0 : i32
      %dma_wait3A_496 = tpu.memref_slice %arg11[%add3A_169, %dma_wait3A_495] : memref<80x125xi32, #tpu.memory_space<vmem>> -> memref<1x125xi32, #tpu.memory_space<vmem>>
      %dma_wait3A_497 = tpu.memref_squeeze %dma_wait3A_496 : memref<1x125xi32, #tpu.memory_space<vmem>> -> memref<125xi32, #tpu.memory_space<vmem>>
      %dma_wait3A_498 = arith.constant 0 : i32
      %dma_wait3A_499 = arith.constant 0 : i32
      %dma_wait3A_500 = tpu.memref_slice %arg17[%dma_wait3A_498, %dma_wait3A_499] : memref<10240x32xf32, #tpu.memory_space<vmem_shared>> -> memref<10240x32xf32, #tpu.memory_space<vmem_shared>>
      %dma_wait3A_501 = tpu.memref_slice %arg15[%dma_wait3A_494] : memref<8x!tpu.dma_semaphore, #tpu.memory_space<semaphore_mem>> -> memref<1x!tpu.dma_semaphore, #tpu.memory_space<semaphore_mem>>
      %dma_wait3A_502 = tpu.memref_squeeze %dma_wait3A_501 : memref<1x!tpu.dma_semaphore, #tpu.memory_space<semaphore_mem>> -> memref<!tpu.dma_semaphore, #tpu.memory_space<semaphore_mem>>
      tpu.wait_indirect_dma semaphore(%dma_wait3A_502 : memref<!tpu.dma_semaphore, #tpu.memory_space<semaphore_mem>>) src(%arg16 : memref<125x32xf32, #tpu.memory_space<vmem>>) dst(%dma_wait3A_500 : memref<10240x32xf32, #tpu.memory_space<vmem_shared>>)
      %dma_wait3A_503 = arith.constant 1 : i32
      %dma_wait3A_504 = arith.constant 1 : i32
      %dma_wait3A_505 = arith.constant 0 : i32
      %dma_wait3A_506 = arith.constant 0 : i32
      %dma_wait3A_507 = tpu.memref_slice %arg12[%dma_wait3A_503, %dma_wait3A_505, %dma_wait3A_506] : memref<8x125x32xf32, #tpu.memory_space<vmem>> -> memref<1x125x32xf32, #tpu.memory_space<vmem>>
      %dma_wait3A_508 = tpu.memref_squeeze %dma_wait3A_507 : memref<1x125x32xf32, #tpu.memory_space<vmem>> -> memref<125x32xf32, #tpu.memory_space<vmem>>
      %dma_wait3A_509 = arith.constant 0 : i32
      %dma_wait3A_510 = tpu.memref_slice %arg11[%add3A_210, %dma_wait3A_509] : memref<80x125xi32, #tpu.memory_space<vmem>> -> memref<1x125xi32, #tpu.memory_space<vmem>>
      %dma_wait3A_511 = tpu.memref_squeeze %dma_wait3A_510 : memref<1x125xi32, #tpu.memory_space<vmem>> -> memref<125xi32, #tpu.memory_space<vmem>>
      %dma_wait3A_512 = arith.constant 0 : i32
      %dma_wait3A_513 = arith.constant 0 : i32
      %dma_wait3A_514 = tpu.memref_slice %arg13[%dma_wait3A_512, %dma_wait3A_513] : memref<10240x32xf32, #tpu.memory_space<vmem_shared>> -> memref<10240x32xf32, #tpu.memory_space<vmem_shared>>
      %dma_wait3A_515 = tpu.memref_slice %arg15[%dma_wait3A_504] : memref<8x!tpu.dma_semaphore, #tpu.memory_space<semaphore_mem>> -> memref<1x!tpu.dma_semaphore, #tpu.memory_space<semaphore_mem>>
      %dma_wait3A_516 = tpu.memref_squeeze %dma_wait3A_515 : memref<1x!tpu.dma_semaphore, #tpu.memory_space<semaphore_mem>> -> memref<!tpu.dma_semaphore, #tpu.memory_space<semaphore_mem>>
      tpu.wait_indirect_dma semaphore(%dma_wait3A_516 : memref<!tpu.dma_semaphore, #tpu.memory_space<semaphore_mem>>) src(%dma_wait3A_508 : memref<125x32xf32, #tpu.memory_space<vmem>>) dst(%dma_wait3A_514 : memref<10240x32xf32, #tpu.memory_space<vmem_shared>>)
      %dma_wait3A_517 = arith.constant 1 : i32
      %dma_wait3A_518 = arith.constant 0 : i32
      %dma_wait3A_519 = tpu.memref_slice %arg11[%add3A_210, %dma_wait3A_518] : memref<80x125xi32, #tpu.memory_space<vmem>> -> memref<1x125xi32, #tpu.memory_space<vmem>>
      %dma_wait3A_520 = tpu.memref_squeeze %dma_wait3A_519 : memref<1x125xi32, #tpu.memory_space<vmem>> -> memref<125xi32, #tpu.memory_space<vmem>>
      %dma_wait3A_521 = arith.constant 0 : i32
      %dma_wait3A_522 = arith.constant 0 : i32
      %dma_wait3A_523 = tpu.memref_slice %arg17[%dma_wait3A_521, %dma_wait3A_522] : memref<10240x32xf32, #tpu.memory_space<vmem_shared>> -> memref<10240x32xf32, #tpu.memory_space<vmem_shared>>
      %dma_wait3A_524 = tpu.memref_slice %arg15[%dma_wait3A_517] : memref<8x!tpu.dma_semaphore, #tpu.memory_space<semaphore_mem>> -> memref<1x!tpu.dma_semaphore, #tpu.memory_space<semaphore_mem>>
      %dma_wait3A_525 = tpu.memref_squeeze %dma_wait3A_524 : memref<1x!tpu.dma_semaphore, #tpu.memory_space<semaphore_mem>> -> memref<!tpu.dma_semaphore, #tpu.memory_space<semaphore_mem>>
      tpu.wait_indirect_dma semaphore(%dma_wait3A_525 : memref<!tpu.dma_semaphore, #tpu.memory_space<semaphore_mem>>) src(%arg16 : memref<125x32xf32, #tpu.memory_space<vmem>>) dst(%dma_wait3A_523 : memref<10240x32xf32, #tpu.memory_space<vmem_shared>>)
      %dma_wait3A_526 = arith.constant 2 : i32
      %dma_wait3A_527 = arith.constant 2 : i32
      %dma_wait3A_528 = arith.constant 0 : i32
      %dma_wait3A_529 = arith.constant 0 : i32
      %dma_wait3A_530 = tpu.memref_slice %arg12[%dma_wait3A_526, %dma_wait3A_528, %dma_wait3A_529] : memref<8x125x32xf32, #tpu.memory_space<vmem>> -> memref<1x125x32xf32, #tpu.memory_space<vmem>>
      %dma_wait3A_531 = tpu.memref_squeeze %dma_wait3A_530 : memref<1x125x32xf32, #tpu.memory_space<vmem>> -> memref<125x32xf32, #tpu.memory_space<vmem>>
      %dma_wait3A_532 = arith.constant 0 : i32
      %dma_wait3A_533 = tpu.memref_slice %arg11[%add3A_251, %dma_wait3A_532] : memref<80x125xi32, #tpu.memory_space<vmem>> -> memref<1x125xi32, #tpu.memory_space<vmem>>
      %dma_wait3A_534 = tpu.memref_squeeze %dma_wait3A_533 : memref<1x125xi32, #tpu.memory_space<vmem>> -> memref<125xi32, #tpu.memory_space<vmem>>
      %dma_wait3A_535 = arith.constant 0 : i32
      %dma_wait3A_536 = arith.constant 0 : i32
      %dma_wait3A_537 = tpu.memref_slice %arg13[%dma_wait3A_535, %dma_wait3A_536] : memref<10240x32xf32, #tpu.memory_space<vmem_shared>> -> memref<10240x32xf32, #tpu.memory_space<vmem_shared>>
      %dma_wait3A_538 = tpu.memref_slice %arg15[%dma_wait3A_527] : memref<8x!tpu.dma_semaphore, #tpu.memory_space<semaphore_mem>> -> memref<1x!tpu.dma_semaphore, #tpu.memory_space<semaphore_mem>>
      %dma_wait3A_539 = tpu.memref_squeeze %dma_wait3A_538 : memref<1x!tpu.dma_semaphore, #tpu.memory_space<semaphore_mem>> -> memref<!tpu.dma_semaphore, #tpu.memory_space<semaphore_mem>>
      tpu.wait_indirect_dma semaphore(%dma_wait3A_539 : memref<!tpu.dma_semaphore, #tpu.memory_space<semaphore_mem>>) src(%dma_wait3A_531 : memref<125x32xf32, #tpu.memory_space<vmem>>) dst(%dma_wait3A_537 : memref<10240x32xf32, #tpu.memory_space<vmem_shared>>)
      %dma_wait3A_540 = arith.constant 2 : i32
      %dma_wait3A_541 = arith.constant 0 : i32
      %dma_wait3A_542 = tpu.memref_slice %arg11[%add3A_251, %dma_wait3A_541] : memref<80x125xi32, #tpu.memory_space<vmem>> -> memref<1x125xi32, #tpu.memory_space<vmem>>
      %dma_wait3A_543 = tpu.memref_squeeze %dma_wait3A_542 : memref<1x125xi32, #tpu.memory_space<vmem>> -> memref<125xi32, #tpu.memory_space<vmem>>
      %dma_wait3A_544 = arith.constant 0 : i32
      %dma_wait3A_545 = arith.constant 0 : i32
      %dma_wait3A_546 = tpu.memref_slice %arg17[%dma_wait3A_544, %dma_wait3A_545] : memref<10240x32xf32, #tpu.memory_space<vmem_shared>> -> memref<10240x32xf32, #tpu.memory_space<vmem_shared>>
      %dma_wait3A_547 = tpu.memref_slice %arg15[%dma_wait3A_540] : memref<8x!tpu.dma_semaphore, #tpu.memory_space<semaphore_mem>> -> memref<1x!tpu.dma_semaphore, #tpu.memory_space<semaphore_mem>>
      %dma_wait3A_548 = tpu.memref_squeeze %dma_wait3A_547 : memref<1x!tpu.dma_semaphore, #tpu.memory_space<semaphore_mem>> -> memref<!tpu.dma_semaphore, #tpu.memory_space<semaphore_mem>>
      tpu.wait_indirect_dma semaphore(%dma_wait3A_548 : memref<!tpu.dma_semaphore, #tpu.memory_space<semaphore_mem>>) src(%arg16 : memref<125x32xf32, #tpu.memory_space<vmem>>) dst(%dma_wait3A_546 : memref<10240x32xf32, #tpu.memory_space<vmem_shared>>)
      %dma_wait3A_549 = arith.constant 3 : i32
      %dma_wait3A_550 = arith.constant 3 : i32
      %dma_wait3A_551 = arith.constant 0 : i32
      %dma_wait3A_552 = arith.constant 0 : i32
      %dma_wait3A_553 = tpu.memref_slice %arg12[%dma_wait3A_549, %dma_wait3A_551, %dma_wait3A_552] : memref<8x125x32xf32, #tpu.memory_space<vmem>> -> memref<1x125x32xf32, #tpu.memory_space<vmem>>
      %dma_wait3A_554 = tpu.memref_squeeze %dma_wait3A_553 : memref<1x125x32xf32, #tpu.memory_space<vmem>> -> memref<125x32xf32, #tpu.memory_space<vmem>>
      %dma_wait3A_555 = arith.constant 0 : i32
      %dma_wait3A_556 = tpu.memref_slice %arg11[%add3A_292, %dma_wait3A_555] : memref<80x125xi32, #tpu.memory_space<vmem>> -> memref<1x125xi32, #tpu.memory_space<vmem>>
      %dma_wait3A_557 = tpu.memref_squeeze %dma_wait3A_556 : memref<1x125xi32, #tpu.memory_space<vmem>> -> memref<125xi32, #tpu.memory_space<vmem>>
      %dma_wait3A_558 = arith.constant 0 : i32
      %dma_wait3A_559 = arith.constant 0 : i32
      %dma_wait3A_560 = tpu.memref_slice %arg13[%dma_wait3A_558, %dma_wait3A_559] : memref<10240x32xf32, #tpu.memory_space<vmem_shared>> -> memref<10240x32xf32, #tpu.memory_space<vmem_shared>>
      %dma_wait3A_561 = tpu.memref_slice %arg15[%dma_wait3A_550] : memref<8x!tpu.dma_semaphore, #tpu.memory_space<semaphore_mem>> -> memref<1x!tpu.dma_semaphore, #tpu.memory_space<semaphore_mem>>
      %dma_wait3A_562 = tpu.memref_squeeze %dma_wait3A_561 : memref<1x!tpu.dma_semaphore, #tpu.memory_space<semaphore_mem>> -> memref<!tpu.dma_semaphore, #tpu.memory_space<semaphore_mem>>
      tpu.wait_indirect_dma semaphore(%dma_wait3A_562 : memref<!tpu.dma_semaphore, #tpu.memory_space<semaphore_mem>>) src(%dma_wait3A_554 : memref<125x32xf32, #tpu.memory_space<vmem>>) dst(%dma_wait3A_560 : memref<10240x32xf32, #tpu.memory_space<vmem_shared>>)
      %dma_wait3A_563 = arith.constant 3 : i32
      %dma_wait3A_564 = arith.constant 0 : i32
      %dma_wait3A_565 = tpu.memref_slice %arg11[%add3A_292, %dma_wait3A_564] : memref<80x125xi32, #tpu.memory_space<vmem>> -> memref<1x125xi32, #tpu.memory_space<vmem>>
      %dma_wait3A_566 = tpu.memref_squeeze %dma_wait3A_565 : memref<1x125xi32, #tpu.memory_space<vmem>> -> memref<125xi32, #tpu.memory_space<vmem>>
      %dma_wait3A_567 = arith.constant 0 : i32
      %dma_wait3A_568 = arith.constant 0 : i32
      %dma_wait3A_569 = tpu.memref_slice %arg17[%dma_wait3A_567, %dma_wait3A_568] : memref<10240x32xf32, #tpu.memory_space<vmem_shared>> -> memref<10240x32xf32, #tpu.memory_space<vmem_shared>>
      %dma_wait3A_570 = tpu.memref_slice %arg15[%dma_wait3A_563] : memref<8x!tpu.dma_semaphore, #tpu.memory_space<semaphore_mem>> -> memref<1x!tpu.dma_semaphore, #tpu.memory_space<semaphore_mem>>
      %dma_wait3A_571 = tpu.memref_squeeze %dma_wait3A_570 : memref<1x!tpu.dma_semaphore, #tpu.memory_space<semaphore_mem>> -> memref<!tpu.dma_semaphore, #tpu.memory_space<semaphore_mem>>
      tpu.wait_indirect_dma semaphore(%dma_wait3A_571 : memref<!tpu.dma_semaphore, #tpu.memory_space<semaphore_mem>>) src(%arg16 : memref<125x32xf32, #tpu.memory_space<vmem>>) dst(%dma_wait3A_569 : memref<10240x32xf32, #tpu.memory_space<vmem_shared>>)
      %dma_wait3A_572 = arith.constant 4 : i32
      %dma_wait3A_573 = arith.constant 4 : i32
      %dma_wait3A_574 = arith.constant 0 : i32
      %dma_wait3A_575 = arith.constant 0 : i32
      %dma_wait3A_576 = tpu.memref_slice %arg12[%dma_wait3A_572, %dma_wait3A_574, %dma_wait3A_575] : memref<8x125x32xf32, #tpu.memory_space<vmem>> -> memref<1x125x32xf32, #tpu.memory_space<vmem>>
      %dma_wait3A_577 = tpu.memref_squeeze %dma_wait3A_576 : memref<1x125x32xf32, #tpu.memory_space<vmem>> -> memref<125x32xf32, #tpu.memory_space<vmem>>
      %dma_wait3A_578 = arith.constant 0 : i32
      %dma_wait3A_579 = tpu.memref_slice %arg11[%add3A_333, %dma_wait3A_578] : memref<80x125xi32, #tpu.memory_space<vmem>> -> memref<1x125xi32, #tpu.memory_space<vmem>>
      %dma_wait3A_580 = tpu.memref_squeeze %dma_wait3A_579 : memref<1x125xi32, #tpu.memory_space<vmem>> -> memref<125xi32, #tpu.memory_space<vmem>>
      %dma_wait3A_581 = arith.constant 0 : i32
      %dma_wait3A_582 = arith.constant 0 : i32
      %dma_wait3A_583 = tpu.memref_slice %arg13[%dma_wait3A_581, %dma_wait3A_582] : memref<10240x32xf32, #tpu.memory_space<vmem_shared>> -> memref<10240x32xf32, #tpu.memory_space<vmem_shared>>
      %dma_wait3A_584 = tpu.memref_slice %arg15[%dma_wait3A_573] : memref<8x!tpu.dma_semaphore, #tpu.memory_space<semaphore_mem>> -> memref<1x!tpu.dma_semaphore, #tpu.memory_space<semaphore_mem>>
      %dma_wait3A_585 = tpu.memref_squeeze %dma_wait3A_584 : memref<1x!tpu.dma_semaphore, #tpu.memory_space<semaphore_mem>> -> memref<!tpu.dma_semaphore, #tpu.memory_space<semaphore_mem>>
      tpu.wait_indirect_dma semaphore(%dma_wait3A_585 : memref<!tpu.dma_semaphore, #tpu.memory_space<semaphore_mem>>) src(%dma_wait3A_577 : memref<125x32xf32, #tpu.memory_space<vmem>>) dst(%dma_wait3A_583 : memref<10240x32xf32, #tpu.memory_space<vmem_shared>>)
      %dma_wait3A_586 = arith.constant 4 : i32
      %dma_wait3A_587 = arith.constant 0 : i32
      %dma_wait3A_588 = tpu.memref_slice %arg11[%add3A_333, %dma_wait3A_587] : memref<80x125xi32, #tpu.memory_space<vmem>> -> memref<1x125xi32, #tpu.memory_space<vmem>>
      %dma_wait3A_589 = tpu.memref_squeeze %dma_wait3A_588 : memref<1x125xi32, #tpu.memory_space<vmem>> -> memref<125xi32, #tpu.memory_space<vmem>>
      %dma_wait3A_590 = arith.constant 0 : i32
      %dma_wait3A_591 = arith.constant 0 : i32
      %dma_wait3A_592 = tpu.memref_slice %arg17[%dma_wait3A_590, %dma_wait3A_591] : memref<10240x32xf32, #tpu.memory_space<vmem_shared>> -> memref<10240x32xf32, #tpu.memory_space<vmem_shared>>
      %dma_wait3A_593 = tpu.memref_slice %arg15[%dma_wait3A_586] : memref<8x!tpu.dma_semaphore, #tpu.memory_space<semaphore_mem>> -> memref<1x!tpu.dma_semaphore, #tpu.memory_space<semaphore_mem>>
      %dma_wait3A_594 = tpu.memref_squeeze %dma_wait3A_593 : memref<1x!tpu.dma_semaphore, #tpu.memory_space<semaphore_mem>> -> memref<!tpu.dma_semaphore, #tpu.memory_space<semaphore_mem>>
      tpu.wait_indirect_dma semaphore(%dma_wait3A_594 : memref<!tpu.dma_semaphore, #tpu.memory_space<semaphore_mem>>) src(%arg16 : memref<125x32xf32, #tpu.memory_space<vmem>>) dst(%dma_wait3A_592 : memref<10240x32xf32, #tpu.memory_space<vmem_shared>>)
      %dma_wait3A_595 = arith.constant 5 : i32
      %dma_wait3A_596 = arith.constant 5 : i32
      %dma_wait3A_597 = arith.constant 0 : i32
      %dma_wait3A_598 = arith.constant 0 : i32
      %dma_wait3A_599 = tpu.memref_slice %arg12[%dma_wait3A_595, %dma_wait3A_597, %dma_wait3A_598] : memref<8x125x32xf32, #tpu.memory_space<vmem>> -> memref<1x125x32xf32, #tpu.memory_space<vmem>>
      %dma_wait3A_600 = tpu.memref_squeeze %dma_wait3A_599 : memref<1x125x32xf32, #tpu.memory_space<vmem>> -> memref<125x32xf32, #tpu.memory_space<vmem>>
      %dma_wait3A_601 = arith.constant 0 : i32
      %dma_wait3A_602 = tpu.memref_slice %arg11[%add3A_374, %dma_wait3A_601] : memref<80x125xi32, #tpu.memory_space<vmem>> -> memref<1x125xi32, #tpu.memory_space<vmem>>
      %dma_wait3A_603 = tpu.memref_squeeze %dma_wait3A_602 : memref<1x125xi32, #tpu.memory_space<vmem>> -> memref<125xi32, #tpu.memory_space<vmem>>
      %dma_wait3A_604 = arith.constant 0 : i32
      %dma_wait3A_605 = arith.constant 0 : i32
      %dma_wait3A_606 = tpu.memref_slice %arg13[%dma_wait3A_604, %dma_wait3A_605] : memref<10240x32xf32, #tpu.memory_space<vmem_shared>> -> memref<10240x32xf32, #tpu.memory_space<vmem_shared>>
      %dma_wait3A_607 = tpu.memref_slice %arg15[%dma_wait3A_596] : memref<8x!tpu.dma_semaphore, #tpu.memory_space<semaphore_mem>> -> memref<1x!tpu.dma_semaphore, #tpu.memory_space<semaphore_mem>>
      %dma_wait3A_608 = tpu.memref_squeeze %dma_wait3A_607 : memref<1x!tpu.dma_semaphore, #tpu.memory_space<semaphore_mem>> -> memref<!tpu.dma_semaphore, #tpu.memory_space<semaphore_mem>>
      tpu.wait_indirect_dma semaphore(%dma_wait3A_608 : memref<!tpu.dma_semaphore, #tpu.memory_space<semaphore_mem>>) src(%dma_wait3A_600 : memref<125x32xf32, #tpu.memory_space<vmem>>) dst(%dma_wait3A_606 : memref<10240x32xf32, #tpu.memory_space<vmem_shared>>)
      %dma_wait3A_609 = arith.constant 5 : i32
      %dma_wait3A_610 = arith.constant 0 : i32
      %dma_wait3A_611 = tpu.memref_slice %arg11[%add3A_374, %dma_wait3A_610] : memref<80x125xi32, #tpu.memory_space<vmem>> -> memref<1x125xi32, #tpu.memory_space<vmem>>
      %dma_wait3A_612 = tpu.memref_squeeze %dma_wait3A_611 : memref<1x125xi32, #tpu.memory_space<vmem>> -> memref<125xi32, #tpu.memory_space<vmem>>
      %dma_wait3A_613 = arith.constant 0 : i32
      %dma_wait3A_614 = arith.constant 0 : i32
      %dma_wait3A_615 = tpu.memref_slice %arg17[%dma_wait3A_613, %dma_wait3A_614] : memref<10240x32xf32, #tpu.memory_space<vmem_shared>> -> memref<10240x32xf32, #tpu.memory_space<vmem_shared>>
      %dma_wait3A_616 = tpu.memref_slice %arg15[%dma_wait3A_609] : memref<8x!tpu.dma_semaphore, #tpu.memory_space<semaphore_mem>> -> memref<1x!tpu.dma_semaphore, #tpu.memory_space<semaphore_mem>>
      %dma_wait3A_617 = tpu.memref_squeeze %dma_wait3A_616 : memref<1x!tpu.dma_semaphore, #tpu.memory_space<semaphore_mem>> -> memref<!tpu.dma_semaphore, #tpu.memory_space<semaphore_mem>>
      tpu.wait_indirect_dma semaphore(%dma_wait3A_617 : memref<!tpu.dma_semaphore, #tpu.memory_space<semaphore_mem>>) src(%arg16 : memref<125x32xf32, #tpu.memory_space<vmem>>) dst(%dma_wait3A_615 : memref<10240x32xf32, #tpu.memory_space<vmem_shared>>)
      %dma_wait3A_618 = arith.constant 6 : i32
      %dma_wait3A_619 = arith.constant 6 : i32
      %dma_wait3A_620 = arith.constant 0 : i32
      %dma_wait3A_621 = arith.constant 0 : i32
      %dma_wait3A_622 = tpu.memref_slice %arg12[%dma_wait3A_618, %dma_wait3A_620, %dma_wait3A_621] : memref<8x125x32xf32, #tpu.memory_space<vmem>> -> memref<1x125x32xf32, #tpu.memory_space<vmem>>
      %dma_wait3A_623 = tpu.memref_squeeze %dma_wait3A_622 : memref<1x125x32xf32, #tpu.memory_space<vmem>> -> memref<125x32xf32, #tpu.memory_space<vmem>>
      %dma_wait3A_624 = arith.constant 0 : i32
      %dma_wait3A_625 = tpu.memref_slice %arg11[%add3A_415, %dma_wait3A_624] : memref<80x125xi32, #tpu.memory_space<vmem>> -> memref<1x125xi32, #tpu.memory_space<vmem>>
      %dma_wait3A_626 = tpu.memref_squeeze %dma_wait3A_625 : memref<1x125xi32, #tpu.memory_space<vmem>> -> memref<125xi32, #tpu.memory_space<vmem>>
      %dma_wait3A_627 = arith.constant 0 : i32
      %dma_wait3A_628 = arith.constant 0 : i32
      %dma_wait3A_629 = tpu.memref_slice %arg13[%dma_wait3A_627, %dma_wait3A_628] : memref<10240x32xf32, #tpu.memory_space<vmem_shared>> -> memref<10240x32xf32, #tpu.memory_space<vmem_shared>>
      %dma_wait3A_630 = tpu.memref_slice %arg15[%dma_wait3A_619] : memref<8x!tpu.dma_semaphore, #tpu.memory_space<semaphore_mem>> -> memref<1x!tpu.dma_semaphore, #tpu.memory_space<semaphore_mem>>
      %dma_wait3A_631 = tpu.memref_squeeze %dma_wait3A_630 : memref<1x!tpu.dma_semaphore, #tpu.memory_space<semaphore_mem>> -> memref<!tpu.dma_semaphore, #tpu.memory_space<semaphore_mem>>
      tpu.wait_indirect_dma semaphore(%dma_wait3A_631 : memref<!tpu.dma_semaphore, #tpu.memory_space<semaphore_mem>>) src(%dma_wait3A_623 : memref<125x32xf32, #tpu.memory_space<vmem>>) dst(%dma_wait3A_629 : memref<10240x32xf32, #tpu.memory_space<vmem_shared>>)
      %dma_wait3A_632 = arith.constant 6 : i32
      %dma_wait3A_633 = arith.constant 0 : i32
      %dma_wait3A_634 = tpu.memref_slice %arg11[%add3A_415, %dma_wait3A_633] : memref<80x125xi32, #tpu.memory_space<vmem>> -> memref<1x125xi32, #tpu.memory_space<vmem>>
      %dma_wait3A_635 = tpu.memref_squeeze %dma_wait3A_634 : memref<1x125xi32, #tpu.memory_space<vmem>> -> memref<125xi32, #tpu.memory_space<vmem>>
      %dma_wait3A_636 = arith.constant 0 : i32
      %dma_wait3A_637 = arith.constant 0 : i32
      %dma_wait3A_638 = tpu.memref_slice %arg17[%dma_wait3A_636, %dma_wait3A_637] : memref<10240x32xf32, #tpu.memory_space<vmem_shared>> -> memref<10240x32xf32, #tpu.memory_space<vmem_shared>>
      %dma_wait3A_639 = tpu.memref_slice %arg15[%dma_wait3A_632] : memref<8x!tpu.dma_semaphore, #tpu.memory_space<semaphore_mem>> -> memref<1x!tpu.dma_semaphore, #tpu.memory_space<semaphore_mem>>
      %dma_wait3A_640 = tpu.memref_squeeze %dma_wait3A_639 : memref<1x!tpu.dma_semaphore, #tpu.memory_space<semaphore_mem>> -> memref<!tpu.dma_semaphore, #tpu.memory_space<semaphore_mem>>
      tpu.wait_indirect_dma semaphore(%dma_wait3A_640 : memref<!tpu.dma_semaphore, #tpu.memory_space<semaphore_mem>>) src(%arg16 : memref<125x32xf32, #tpu.memory_space<vmem>>) dst(%dma_wait3A_638 : memref<10240x32xf32, #tpu.memory_space<vmem_shared>>)
      %dma_wait3A_641 = arith.constant 7 : i32
      %dma_wait3A_642 = arith.constant 7 : i32
      %dma_wait3A_643 = arith.constant 0 : i32
      %dma_wait3A_644 = arith.constant 0 : i32
      %dma_wait3A_645 = tpu.memref_slice %arg12[%dma_wait3A_641, %dma_wait3A_643, %dma_wait3A_644] : memref<8x125x32xf32, #tpu.memory_space<vmem>> -> memref<1x125x32xf32, #tpu.memory_space<vmem>>
      %dma_wait3A_646 = tpu.memref_squeeze %dma_wait3A_645 : memref<1x125x32xf32, #tpu.memory_space<vmem>> -> memref<125x32xf32, #tpu.memory_space<vmem>>
      %dma_wait3A_647 = arith.constant 0 : i32
      %dma_wait3A_648 = tpu.memref_slice %arg11[%add3A_456, %dma_wait3A_647] : memref<80x125xi32, #tpu.memory_space<vmem>> -> memref<1x125xi32, #tpu.memory_space<vmem>>
      %dma_wait3A_649 = tpu.memref_squeeze %dma_wait3A_648 : memref<1x125xi32, #tpu.memory_space<vmem>> -> memref<125xi32, #tpu.memory_space<vmem>>
      %dma_wait3A_650 = arith.constant 0 : i32
      %dma_wait3A_651 = arith.constant 0 : i32
      %dma_wait3A_652 = tpu.memref_slice %arg13[%dma_wait3A_650, %dma_wait3A_651] : memref<10240x32xf32, #tpu.memory_space<vmem_shared>> -> memref<10240x32xf32, #tpu.memory_space<vmem_shared>>
      %dma_wait3A_653 = tpu.memref_slice %arg15[%dma_wait3A_642] : memref<8x!tpu.dma_semaphore, #tpu.memory_space<semaphore_mem>> -> memref<1x!tpu.dma_semaphore, #tpu.memory_space<semaphore_mem>>
      %dma_wait3A_654 = tpu.memref_squeeze %dma_wait3A_653 : memref<1x!tpu.dma_semaphore, #tpu.memory_space<semaphore_mem>> -> memref<!tpu.dma_semaphore, #tpu.memory_space<semaphore_mem>>
      tpu.wait_indirect_dma semaphore(%dma_wait3A_654 : memref<!tpu.dma_semaphore, #tpu.memory_space<semaphore_mem>>) src(%dma_wait3A_646 : memref<125x32xf32, #tpu.memory_space<vmem>>) dst(%dma_wait3A_652 : memref<10240x32xf32, #tpu.memory_space<vmem_shared>>)
      %dma_wait3A_655 = arith.constant 7 : i32
      %dma_wait3A_656 = arith.constant 0 : i32
      %dma_wait3A_657 = tpu.memref_slice %arg11[%add3A_456, %dma_wait3A_656] : memref<80x125xi32, #tpu.memory_space<vmem>> -> memref<1x125xi32, #tpu.memory_space<vmem>>
      %dma_wait3A_658 = tpu.memref_squeeze %dma_wait3A_657 : memref<1x125xi32, #tpu.memory_space<vmem>> -> memref<125xi32, #tpu.memory_space<vmem>>
      %dma_wait3A_659 = arith.constant 0 : i32
      %dma_wait3A_660 = arith.constant 0 : i32
      %dma_wait3A_661 = tpu.memref_slice %arg17[%dma_wait3A_659, %dma_wait3A_660] : memref<10240x32xf32, #tpu.memory_space<vmem_shared>> -> memref<10240x32xf32, #tpu.memory_space<vmem_shared>>
      %dma_wait3A_662 = tpu.memref_slice %arg15[%dma_wait3A_655] : memref<8x!tpu.dma_semaphore, #tpu.memory_space<semaphore_mem>> -> memref<1x!tpu.dma_semaphore, #tpu.memory_space<semaphore_mem>>
      %dma_wait3A_663 = tpu.memref_squeeze %dma_wait3A_662 : memref<1x!tpu.dma_semaphore, #tpu.memory_space<semaphore_mem>> -> memref<!tpu.dma_semaphore, #tpu.memory_space<semaphore_mem>>
      tpu.wait_indirect_dma semaphore(%dma_wait3A_663 : memref<!tpu.dma_semaphore, #tpu.memory_space<semaphore_mem>>) src(%arg16 : memref<125x32xf32, #tpu.memory_space<vmem>>) dst(%dma_wait3A_661 : memref<10240x32xf32, #tpu.memory_space<vmem_shared>>)
    }
    %scan3A_7 = arith.constant 10 : i32
    %barrier3A_8 = arith.constant 0 : index
    tpu.barrier barrier_id(%barrier3A_8)
    "tpu.region"() ({
      %run_scoped3A = tpu.sem_alloc : memref<!tpu.dma_semaphore, #tpu.memory_space<semaphore_mem>>
      %dma_start3A = arith.constant 0 : i32
      %dma_start3A_9 = tpu.memref_slice %arg8[%arg0, %mul3A_2, %dma_start3A] : memref<2x10240x32xf32, #tpu.memory_space<hbm>> -> memref<1x640x32xf32, #tpu.memory_space<hbm>>
      %dma_start3A_10 = tpu.memref_squeeze %dma_start3A_9 : memref<1x640x32xf32, #tpu.memory_space<hbm>> -> memref<640x32xf32, #tpu.memory_space<hbm>>
      %dma_start3A_11 = arith.constant 0 : i32
      %dma_start3A_12 = tpu.memref_slice %arg13[%mul3A_2, %dma_start3A_11] : memref<10240x32xf32, #tpu.memory_space<vmem_shared>> -> memref<640x32xf32, #tpu.memory_space<vmem_shared>>
      tpu.enqueue_dma source(%dma_start3A_12 : memref<640x32xf32, #tpu.memory_space<vmem_shared>>) target(%dma_start3A_10 : memref<640x32xf32, #tpu.memory_space<hbm>>) target_semaphore(%run_scoped3A : memref<!tpu.dma_semaphore, #tpu.memory_space<semaphore_mem>>)
      %dma_wait3A = arith.constant 0 : i32
      %dma_wait3A_13 = tpu.memref_slice %arg8[%arg0, %mul3A_2, %dma_wait3A] : memref<2x10240x32xf32, #tpu.memory_space<hbm>> -> memref<1x640x32xf32, #tpu.memory_space<hbm>>
      %dma_wait3A_14 = tpu.memref_squeeze %dma_wait3A_13 : memref<1x640x32xf32, #tpu.memory_space<hbm>> -> memref<640x32xf32, #tpu.memory_space<hbm>>
      %dma_wait3A_15 = arith.constant 0 : i32
      %dma_wait3A_16 = tpu.memref_slice %arg13[%mul3A_2, %dma_wait3A_15] : memref<10240x32xf32, #tpu.memory_space<vmem_shared>> -> memref<640x32xf32, #tpu.memory_space<vmem_shared>>
      tpu.wait_dma2 semaphore(%run_scoped3A : memref<!tpu.dma_semaphore, #tpu.memory_space<semaphore_mem>>) src(%dma_wait3A_16 : memref<640x32xf32, #tpu.memory_space<vmem_shared>>) dst(%dma_wait3A_14 : memref<640x32xf32, #tpu.memory_space<hbm>>)
      tpu.yield
    }) : () -> ()
    "tpu.region"() ({
      %run_scoped3A = tpu.sem_alloc : memref<!tpu.dma_semaphore, #tpu.memory_space<semaphore_mem>>
      %dma_start3A = arith.constant 0 : i32
      %dma_start3A_9 = tpu.memref_slice %arg9[%arg0, %mul3A_2, %dma_start3A] : memref<2x10240x32xf32, #tpu.memory_space<hbm>> -> memref<1x640x32xf32, #tpu.memory_space<hbm>>
      %dma_start3A_10 = tpu.memref_squeeze %dma_start3A_9 : memref<1x640x32xf32, #tpu.memory_space<hbm>> -> memref<640x32xf32, #tpu.memory_space<hbm>>
      %dma_start3A_11 = arith.constant 0 : i32
      %dma_start3A_12 = tpu.memref_slice %arg17[%mul3A_2, %dma_start3A_11] : memref<10240x32xf32, #tpu.memory_space<vmem_shared>> -> memref<640x32xf32, #tpu.memory_space<vmem_shared>>
      tpu.enqueue_dma source(%dma_start3A_12 : memref<640x32xf32, #tpu.memory_space<vmem_shared>>) target(%dma_start3A_10 : memref<640x32xf32, #tpu.memory_space<hbm>>) target_semaphore(%run_scoped3A : memref<!tpu.dma_semaphore, #tpu.memory_space<semaphore_mem>>)
      %dma_wait3A = arith.constant 0 : i32
      %dma_wait3A_13 = tpu.memref_slice %arg9[%arg0, %mul3A_2, %dma_wait3A] : memref<2x10240x32xf32, #tpu.memory_space<hbm>> -> memref<1x640x32xf32, #tpu.memory_space<hbm>>
      %dma_wait3A_14 = tpu.memref_squeeze %dma_wait3A_13 : memref<1x640x32xf32, #tpu.memory_space<hbm>> -> memref<640x32xf32, #tpu.memory_space<hbm>>
      %dma_wait3A_15 = arith.constant 0 : i32
      %dma_wait3A_16 = tpu.memref_slice %arg17[%mul3A_2, %dma_wait3A_15] : memref<10240x32xf32, #tpu.memory_space<vmem_shared>> -> memref<640x32xf32, #tpu.memory_space<vmem_shared>>
      tpu.wait_dma2 semaphore(%run_scoped3A : memref<!tpu.dma_semaphore, #tpu.memory_space<semaphore_mem>>) src(%dma_wait3A_16 : memref<640x32xf32, #tpu.memory_space<vmem_shared>>) dst(%dma_wait3A_14 : memref<640x32xf32, #tpu.memory_space<hbm>>)
      tpu.yield
    }) : () -> ()
    return
  }
}

#map = affine_map<(d0, d1) -> (0, 0, 0)>
#map1 = affine_map<(d0, d1) -> (0, 0)>
module attributes {stable_mosaic.version = 14 : i64} {
  func.func @body(%arg0: i32, %arg1: i32, %arg2: memref<32x80x125xi32, #tpu.memory_space<hbm>>, %arg3: memref<32x80x125xi32, #tpu.memory_space<hbm>>, %arg4: memref<40960x32xf32, #tpu.memory_space<hbm>>, %arg5: memref<10240x32xf32, #tpu.memory_space<hbm>>, %arg6: memref<10240x32xf32, #tpu.memory_space<hbm>>, %arg7: memref<125x32xf32, #tpu.memory_space<hbm>>, %arg8: memref<2x10240x32xf32, #tpu.memory_space<hbm>>, %arg9: memref<80x125xi32, #tpu.memory_space<vmem>>, %arg10: memref<80x125xi32, #tpu.memory_space<vmem>>, %arg11: memref<8x125x32xf32, #tpu.memory_space<vmem>>, %arg12: memref<10240x32xf32, #tpu.memory_space<vmem_shared>>, %arg13: memref<8x!tpu.dma_semaphore, #tpu.memory_space<semaphore_mem>>, %arg14: memref<8x!tpu.dma_semaphore, #tpu.memory_space<semaphore_mem>>) attributes {dimension_semantics = [#tpu.dimension_semantics<core_parallel>, #tpu.dimension_semantics<subcore_parallel>], iteration_bounds = array<i64: 2, 16>, scalar_prefetch = 0 : i64, scratch_operands = 6 : i64, tpu.core_type = #tpu.core_type<sc_vector_subcore>, window_params = [{transform_indices = #map}, {transform_indices = #map}, {transform_indices = #map1}, {transform_indices = #map1}, {transform_indices = #map1}, {transform_indices = #map1}, {transform_indices = #map}]} {
    %mul3A = arith.constant 2 : i32
    %mul3A_0 = arith.muli %arg1, %mul3A : i32
    %add3A = arith.addi %mul3A_0, %arg0 : i32
    %mul3A_1 = arith.constant 640 : i32
    %mul3A_2 = arith.muli %arg1, %mul3A_1 : i32
    "tpu.region"() ({
      %run_scoped3A = tpu.sem_alloc : memref<!tpu.dma_semaphore, #tpu.memory_space<semaphore_mem>>
      %dma_start3A = arith.constant 0 : i32
      %dma_start3A_9 = arith.constant 0 : i32
      %dma_start3A_10 = tpu.memref_slice %arg2[%add3A, %dma_start3A, %dma_start3A_9] : memref<32x80x125xi32, #tpu.memory_space<hbm>> -> memref<1x80x125xi32, #tpu.memory_space<hbm>>
      %dma_start3A_11 = tpu.memref_squeeze %dma_start3A_10 : memref<1x80x125xi32, #tpu.memory_space<hbm>> -> memref<80x125xi32, #tpu.memory_space<hbm>>
      %dma_start3A_12 = arith.constant 0 : i32
      %dma_start3A_13 = arith.constant 0 : i32
      %dma_start3A_14 = tpu.memref_slice %arg2[%add3A, %dma_start3A_12, %dma_start3A_13] : memref<32x80x125xi32, #tpu.memory_space<hbm>> -> memref<1x80x125xi32, #tpu.memory_space<hbm>>
      %dma_start3A_15 = tpu.memref_squeeze %dma_start3A_14 : memref<1x80x125xi32, #tpu.memory_space<hbm>> -> memref<80x125xi32, #tpu.memory_space<hbm>>
      tpu.enqueue_dma source(%dma_start3A_15 : memref<80x125xi32, #tpu.memory_space<hbm>>) target(%arg9 : memref<80x125xi32, #tpu.memory_space<vmem>>) target_semaphore(%run_scoped3A : memref<!tpu.dma_semaphore, #tpu.memory_space<semaphore_mem>>)
      %dma_wait3A = arith.constant 0 : i32
      %dma_wait3A_16 = arith.constant 0 : i32
      %dma_wait3A_17 = tpu.memref_slice %arg2[%add3A, %dma_wait3A, %dma_wait3A_16] : memref<32x80x125xi32, #tpu.memory_space<hbm>> -> memref<1x80x125xi32, #tpu.memory_space<hbm>>
      %dma_wait3A_18 = tpu.memref_squeeze %dma_wait3A_17 : memref<1x80x125xi32, #tpu.memory_space<hbm>> -> memref<80x125xi32, #tpu.memory_space<hbm>>
      %dma_wait3A_19 = arith.constant 0 : i32
      %dma_wait3A_20 = arith.constant 0 : i32
      %dma_wait3A_21 = tpu.memref_slice %arg2[%add3A, %dma_wait3A_19, %dma_wait3A_20] : memref<32x80x125xi32, #tpu.memory_space<hbm>> -> memref<1x80x125xi32, #tpu.memory_space<hbm>>
      %dma_wait3A_22 = tpu.memref_squeeze %dma_wait3A_21 : memref<1x80x125xi32, #tpu.memory_space<hbm>> -> memref<80x125xi32, #tpu.memory_space<hbm>>
      tpu.wait_dma2 semaphore(%run_scoped3A : memref<!tpu.dma_semaphore, #tpu.memory_space<semaphore_mem>>) src(%dma_wait3A_22 : memref<80x125xi32, #tpu.memory_space<hbm>>) dst(%arg9 : memref<80x125xi32, #tpu.memory_space<vmem>>)
      tpu.yield
    }) : () -> ()
    "tpu.region"() ({
      %run_scoped3A = tpu.sem_alloc : memref<!tpu.dma_semaphore, #tpu.memory_space<semaphore_mem>>
      %dma_start3A = arith.constant 0 : i32
      %dma_start3A_9 = arith.constant 0 : i32
      %dma_start3A_10 = tpu.memref_slice %arg3[%add3A, %dma_start3A, %dma_start3A_9] : memref<32x80x125xi32, #tpu.memory_space<hbm>> -> memref<1x80x125xi32, #tpu.memory_space<hbm>>
      %dma_start3A_11 = tpu.memref_squeeze %dma_start3A_10 : memref<1x80x125xi32, #tpu.memory_space<hbm>> -> memref<80x125xi32, #tpu.memory_space<hbm>>
      %dma_start3A_12 = arith.constant 0 : i32
      %dma_start3A_13 = arith.constant 0 : i32
      %dma_start3A_14 = tpu.memref_slice %arg3[%add3A, %dma_start3A_12, %dma_start3A_13] : memref<32x80x125xi32, #tpu.memory_space<hbm>> -> memref<1x80x125xi32, #tpu.memory_space<hbm>>
      %dma_start3A_15 = tpu.memref_squeeze %dma_start3A_14 : memref<1x80x125xi32, #tpu.memory_space<hbm>> -> memref<80x125xi32, #tpu.memory_space<hbm>>
      tpu.enqueue_dma source(%dma_start3A_15 : memref<80x125xi32, #tpu.memory_space<hbm>>) target(%arg10 : memref<80x125xi32, #tpu.memory_space<vmem>>) target_semaphore(%run_scoped3A : memref<!tpu.dma_semaphore, #tpu.memory_space<semaphore_mem>>)
      %dma_wait3A = arith.constant 0 : i32
      %dma_wait3A_16 = arith.constant 0 : i32
      %dma_wait3A_17 = tpu.memref_slice %arg3[%add3A, %dma_wait3A, %dma_wait3A_16] : memref<32x80x125xi32, #tpu.memory_space<hbm>> -> memref<1x80x125xi32, #tpu.memory_space<hbm>>
      %dma_wait3A_18 = tpu.memref_squeeze %dma_wait3A_17 : memref<1x80x125xi32, #tpu.memory_space<hbm>> -> memref<80x125xi32, #tpu.memory_space<hbm>>
      %dma_wait3A_19 = arith.constant 0 : i32
      %dma_wait3A_20 = arith.constant 0 : i32
      %dma_wait3A_21 = tpu.memref_slice %arg3[%add3A, %dma_wait3A_19, %dma_wait3A_20] : memref<32x80x125xi32, #tpu.memory_space<hbm>> -> memref<1x80x125xi32, #tpu.memory_space<hbm>>
      %dma_wait3A_22 = tpu.memref_squeeze %dma_wait3A_21 : memref<1x80x125xi32, #tpu.memory_space<hbm>> -> memref<80x125xi32, #tpu.memory_space<hbm>>
      tpu.wait_dma2 semaphore(%run_scoped3A : memref<!tpu.dma_semaphore, #tpu.memory_space<semaphore_mem>>) src(%dma_wait3A_22 : memref<80x125xi32, #tpu.memory_space<hbm>>) dst(%arg10 : memref<80x125xi32, #tpu.memory_space<vmem>>)
      tpu.yield
    }) : () -> ()
    "tpu.region"() ({
      %run_scoped3A = tpu.sem_alloc : memref<!tpu.dma_semaphore, #tpu.memory_space<semaphore_mem>>
      %dma_start3A = arith.constant 0 : i32
      %dma_start3A_9 = tpu.memref_slice %arg12[%mul3A_2, %dma_start3A] : memref<10240x32xf32, #tpu.memory_space<vmem_shared>> -> memref<640x32xf32, #tpu.memory_space<vmem_shared>>
      %dma_start3A_10 = arith.constant 0 : i32
      %dma_start3A_11 = tpu.memref_slice %arg5[%mul3A_2, %dma_start3A_10] : memref<10240x32xf32, #tpu.memory_space<hbm>> -> memref<640x32xf32, #tpu.memory_space<hbm>>
      tpu.enqueue_dma source(%dma_start3A_11 : memref<640x32xf32, #tpu.memory_space<hbm>>) target(%dma_start3A_9 : memref<640x32xf32, #tpu.memory_space<vmem_shared>>) target_semaphore(%run_scoped3A : memref<!tpu.dma_semaphore, #tpu.memory_space<semaphore_mem>>)
      %dma_wait3A = arith.constant 0 : i32
      %dma_wait3A_12 = tpu.memref_slice %arg12[%mul3A_2, %dma_wait3A] : memref<10240x32xf32, #tpu.memory_space<vmem_shared>> -> memref<640x32xf32, #tpu.memory_space<vmem_shared>>
      %dma_wait3A_13 = arith.constant 0 : i32
      %dma_wait3A_14 = tpu.memref_slice %arg5[%mul3A_2, %dma_wait3A_13] : memref<10240x32xf32, #tpu.memory_space<hbm>> -> memref<640x32xf32, #tpu.memory_space<hbm>>
      tpu.wait_dma2 semaphore(%run_scoped3A : memref<!tpu.dma_semaphore, #tpu.memory_space<semaphore_mem>>) src(%dma_wait3A_14 : memref<640x32xf32, #tpu.memory_space<hbm>>) dst(%dma_wait3A_12 : memref<640x32xf32, #tpu.memory_space<vmem_shared>>)
      tpu.yield
    }) : () -> ()
    %barrier3A = arith.constant 0 : index
    tpu.barrier barrier_id(%barrier3A)
    %scan3A = arith.constant 0 : i32
    %scan3A_3 = arith.constant 0 : i32
    %scan3A_4 = arith.constant 10 : i32
    %scan3A_5 = arith.addi %scan3A_3, %scan3A_4 : i32
    %scan3A_6 = arith.constant 1 : i32
    scf.for %scan3A_9 = %scan3A_3 to %scan3A_5 step %scan3A_6  : i32 {
      %mul3A_10 = arith.constant 8 : i32
      %mul3A_11 = arith.muli %scan3A_9, %mul3A_10 : i32
      %add3A_12 = arith.constant 0 : i32
      %add3A_13 = arith.addi %mul3A_11, %add3A_12 : i32
      %dma_start3A = arith.constant 0 : i32
      %dma_start3A_14 = arith.constant 0 : i32
      %dma_start3A_15 = arith.constant 0 : i32
      %dma_start3A_16 = arith.constant 0 : i32
      %dma_start3A_17 = tpu.memref_slice %arg11[%dma_start3A, %dma_start3A_15, %dma_start3A_16] : memref<8x125x32xf32, #tpu.memory_space<vmem>> -> memref<1x125x32xf32, #tpu.memory_space<vmem>>
      %dma_start3A_18 = tpu.memref_squeeze %dma_start3A_17 : memref<1x125x32xf32, #tpu.memory_space<vmem>> -> memref<125x32xf32, #tpu.memory_space<vmem>>
      %dma_start3A_19 = arith.constant 0 : i32
      %dma_start3A_20 = tpu.memref_slice %arg9[%add3A_13, %dma_start3A_19] : memref<80x125xi32, #tpu.memory_space<vmem>> -> memref<1x125xi32, #tpu.memory_space<vmem>>
      %dma_start3A_21 = tpu.memref_squeeze %dma_start3A_20 : memref<1x125xi32, #tpu.memory_space<vmem>> -> memref<125xi32, #tpu.memory_space<vmem>>
      %dma_start3A_22 = arith.constant 0 : i32
      %dma_start3A_23 = arith.constant 0 : i32
      %dma_start3A_24 = tpu.memref_slice %arg4[%dma_start3A_22, %dma_start3A_23] : memref<40960x32xf32, #tpu.memory_space<hbm>> -> memref<40960x32xf32, #tpu.memory_space<hbm>>
      %dma_start3A_25 = tpu.memref_slice %arg13[%dma_start3A_14] : memref<8x!tpu.dma_semaphore, #tpu.memory_space<semaphore_mem>> -> memref<1x!tpu.dma_semaphore, #tpu.memory_space<semaphore_mem>>
      %dma_start3A_26 = tpu.memref_squeeze %dma_start3A_25 : memref<1x!tpu.dma_semaphore, #tpu.memory_space<semaphore_mem>> -> memref<!tpu.dma_semaphore, #tpu.memory_space<semaphore_mem>>
      tpu.enqueue_indirect_dma source(%dma_start3A_24 : memref<40960x32xf32, #tpu.memory_space<hbm>>) target(%dma_start3A_18 : memref<125x32xf32, #tpu.memory_space<vmem>>) offsets(%dma_start3A_21 : memref<125xi32, #tpu.memory_space<vmem>>) semaphore(%dma_start3A_26 : memref<!tpu.dma_semaphore, #tpu.memory_space<semaphore_mem>>)
      %mul3A_27 = arith.constant 8 : i32
      %mul3A_28 = arith.muli %scan3A_9, %mul3A_27 : i32
      %add3A_29 = arith.constant 1 : i32
      %add3A_30 = arith.addi %mul3A_28, %add3A_29 : i32
      %dma_start3A_31 = arith.constant 1 : i32
      %dma_start3A_32 = arith.constant 1 : i32
      %dma_start3A_33 = arith.constant 0 : i32
      %dma_start3A_34 = arith.constant 0 : i32
      %dma_start3A_35 = tpu.memref_slice %arg11[%dma_start3A_31, %dma_start3A_33, %dma_start3A_34] : memref<8x125x32xf32, #tpu.memory_space<vmem>> -> memref<1x125x32xf32, #tpu.memory_space<vmem>>
      %dma_start3A_36 = tpu.memref_squeeze %dma_start3A_35 : memref<1x125x32xf32, #tpu.memory_space<vmem>> -> memref<125x32xf32, #tpu.memory_space<vmem>>
      %dma_start3A_37 = arith.constant 0 : i32
      %dma_start3A_38 = tpu.memref_slice %arg9[%add3A_30, %dma_start3A_37] : memref<80x125xi32, #tpu.memory_space<vmem>> -> memref<1x125xi32, #tpu.memory_space<vmem>>
      %dma_start3A_39 = tpu.memref_squeeze %dma_start3A_38 : memref<1x125xi32, #tpu.memory_space<vmem>> -> memref<125xi32, #tpu.memory_space<vmem>>
      %dma_start3A_40 = arith.constant 0 : i32
      %dma_start3A_41 = arith.constant 0 : i32
      %dma_start3A_42 = tpu.memref_slice %arg4[%dma_start3A_40, %dma_start3A_41] : memref<40960x32xf32, #tpu.memory_space<hbm>> -> memref<40960x32xf32, #tpu.memory_space<hbm>>
      %dma_start3A_43 = tpu.memref_slice %arg13[%dma_start3A_32] : memref<8x!tpu.dma_semaphore, #tpu.memory_space<semaphore_mem>> -> memref<1x!tpu.dma_semaphore, #tpu.memory_space<semaphore_mem>>
      %dma_start3A_44 = tpu.memref_squeeze %dma_start3A_43 : memref<1x!tpu.dma_semaphore, #tpu.memory_space<semaphore_mem>> -> memref<!tpu.dma_semaphore, #tpu.memory_space<semaphore_mem>>
      tpu.enqueue_indirect_dma source(%dma_start3A_42 : memref<40960x32xf32, #tpu.memory_space<hbm>>) target(%dma_start3A_36 : memref<125x32xf32, #tpu.memory_space<vmem>>) offsets(%dma_start3A_39 : memref<125xi32, #tpu.memory_space<vmem>>) semaphore(%dma_start3A_44 : memref<!tpu.dma_semaphore, #tpu.memory_space<semaphore_mem>>)
      %mul3A_45 = arith.constant 8 : i32
      %mul3A_46 = arith.muli %scan3A_9, %mul3A_45 : i32
      %add3A_47 = arith.constant 2 : i32
      %add3A_48 = arith.addi %mul3A_46, %add3A_47 : i32
      %dma_start3A_49 = arith.constant 2 : i32
      %dma_start3A_50 = arith.constant 2 : i32
      %dma_start3A_51 = arith.constant 0 : i32
      %dma_start3A_52 = arith.constant 0 : i32
      %dma_start3A_53 = tpu.memref_slice %arg11[%dma_start3A_49, %dma_start3A_51, %dma_start3A_52] : memref<8x125x32xf32, #tpu.memory_space<vmem>> -> memref<1x125x32xf32, #tpu.memory_space<vmem>>
      %dma_start3A_54 = tpu.memref_squeeze %dma_start3A_53 : memref<1x125x32xf32, #tpu.memory_space<vmem>> -> memref<125x32xf32, #tpu.memory_space<vmem>>
      %dma_start3A_55 = arith.constant 0 : i32
      %dma_start3A_56 = tpu.memref_slice %arg9[%add3A_48, %dma_start3A_55] : memref<80x125xi32, #tpu.memory_space<vmem>> -> memref<1x125xi32, #tpu.memory_space<vmem>>
      %dma_start3A_57 = tpu.memref_squeeze %dma_start3A_56 : memref<1x125xi32, #tpu.memory_space<vmem>> -> memref<125xi32, #tpu.memory_space<vmem>>
      %dma_start3A_58 = arith.constant 0 : i32
      %dma_start3A_59 = arith.constant 0 : i32
      %dma_start3A_60 = tpu.memref_slice %arg4[%dma_start3A_58, %dma_start3A_59] : memref<40960x32xf32, #tpu.memory_space<hbm>> -> memref<40960x32xf32, #tpu.memory_space<hbm>>
      %dma_start3A_61 = tpu.memref_slice %arg13[%dma_start3A_50] : memref<8x!tpu.dma_semaphore, #tpu.memory_space<semaphore_mem>> -> memref<1x!tpu.dma_semaphore, #tpu.memory_space<semaphore_mem>>
      %dma_start3A_62 = tpu.memref_squeeze %dma_start3A_61 : memref<1x!tpu.dma_semaphore, #tpu.memory_space<semaphore_mem>> -> memref<!tpu.dma_semaphore, #tpu.memory_space<semaphore_mem>>
      tpu.enqueue_indirect_dma source(%dma_start3A_60 : memref<40960x32xf32, #tpu.memory_space<hbm>>) target(%dma_start3A_54 : memref<125x32xf32, #tpu.memory_space<vmem>>) offsets(%dma_start3A_57 : memref<125xi32, #tpu.memory_space<vmem>>) semaphore(%dma_start3A_62 : memref<!tpu.dma_semaphore, #tpu.memory_space<semaphore_mem>>)
      %mul3A_63 = arith.constant 8 : i32
      %mul3A_64 = arith.muli %scan3A_9, %mul3A_63 : i32
      %add3A_65 = arith.constant 3 : i32
      %add3A_66 = arith.addi %mul3A_64, %add3A_65 : i32
      %dma_start3A_67 = arith.constant 3 : i32
      %dma_start3A_68 = arith.constant 3 : i32
      %dma_start3A_69 = arith.constant 0 : i32
      %dma_start3A_70 = arith.constant 0 : i32
      %dma_start3A_71 = tpu.memref_slice %arg11[%dma_start3A_67, %dma_start3A_69, %dma_start3A_70] : memref<8x125x32xf32, #tpu.memory_space<vmem>> -> memref<1x125x32xf32, #tpu.memory_space<vmem>>
      %dma_start3A_72 = tpu.memref_squeeze %dma_start3A_71 : memref<1x125x32xf32, #tpu.memory_space<vmem>> -> memref<125x32xf32, #tpu.memory_space<vmem>>
      %dma_start3A_73 = arith.constant 0 : i32
      %dma_start3A_74 = tpu.memref_slice %arg9[%add3A_66, %dma_start3A_73] : memref<80x125xi32, #tpu.memory_space<vmem>> -> memref<1x125xi32, #tpu.memory_space<vmem>>
      %dma_start3A_75 = tpu.memref_squeeze %dma_start3A_74 : memref<1x125xi32, #tpu.memory_space<vmem>> -> memref<125xi32, #tpu.memory_space<vmem>>
      %dma_start3A_76 = arith.constant 0 : i32
      %dma_start3A_77 = arith.constant 0 : i32
      %dma_start3A_78 = tpu.memref_slice %arg4[%dma_start3A_76, %dma_start3A_77] : memref<40960x32xf32, #tpu.memory_space<hbm>> -> memref<40960x32xf32, #tpu.memory_space<hbm>>
      %dma_start3A_79 = tpu.memref_slice %arg13[%dma_start3A_68] : memref<8x!tpu.dma_semaphore, #tpu.memory_space<semaphore_mem>> -> memref<1x!tpu.dma_semaphore, #tpu.memory_space<semaphore_mem>>
      %dma_start3A_80 = tpu.memref_squeeze %dma_start3A_79 : memref<1x!tpu.dma_semaphore, #tpu.memory_space<semaphore_mem>> -> memref<!tpu.dma_semaphore, #tpu.memory_space<semaphore_mem>>
      tpu.enqueue_indirect_dma source(%dma_start3A_78 : memref<40960x32xf32, #tpu.memory_space<hbm>>) target(%dma_start3A_72 : memref<125x32xf32, #tpu.memory_space<vmem>>) offsets(%dma_start3A_75 : memref<125xi32, #tpu.memory_space<vmem>>) semaphore(%dma_start3A_80 : memref<!tpu.dma_semaphore, #tpu.memory_space<semaphore_mem>>)
      %mul3A_81 = arith.constant 8 : i32
      %mul3A_82 = arith.muli %scan3A_9, %mul3A_81 : i32
      %add3A_83 = arith.constant 4 : i32
      %add3A_84 = arith.addi %mul3A_82, %add3A_83 : i32
      %dma_start3A_85 = arith.constant 4 : i32
      %dma_start3A_86 = arith.constant 4 : i32
      %dma_start3A_87 = arith.constant 0 : i32
      %dma_start3A_88 = arith.constant 0 : i32
      %dma_start3A_89 = tpu.memref_slice %arg11[%dma_start3A_85, %dma_start3A_87, %dma_start3A_88] : memref<8x125x32xf32, #tpu.memory_space<vmem>> -> memref<1x125x32xf32, #tpu.memory_space<vmem>>
      %dma_start3A_90 = tpu.memref_squeeze %dma_start3A_89 : memref<1x125x32xf32, #tpu.memory_space<vmem>> -> memref<125x32xf32, #tpu.memory_space<vmem>>
      %dma_start3A_91 = arith.constant 0 : i32
      %dma_start3A_92 = tpu.memref_slice %arg9[%add3A_84, %dma_start3A_91] : memref<80x125xi32, #tpu.memory_space<vmem>> -> memref<1x125xi32, #tpu.memory_space<vmem>>
      %dma_start3A_93 = tpu.memref_squeeze %dma_start3A_92 : memref<1x125xi32, #tpu.memory_space<vmem>> -> memref<125xi32, #tpu.memory_space<vmem>>
      %dma_start3A_94 = arith.constant 0 : i32
      %dma_start3A_95 = arith.constant 0 : i32
      %dma_start3A_96 = tpu.memref_slice %arg4[%dma_start3A_94, %dma_start3A_95] : memref<40960x32xf32, #tpu.memory_space<hbm>> -> memref<40960x32xf32, #tpu.memory_space<hbm>>
      %dma_start3A_97 = tpu.memref_slice %arg13[%dma_start3A_86] : memref<8x!tpu.dma_semaphore, #tpu.memory_space<semaphore_mem>> -> memref<1x!tpu.dma_semaphore, #tpu.memory_space<semaphore_mem>>
      %dma_start3A_98 = tpu.memref_squeeze %dma_start3A_97 : memref<1x!tpu.dma_semaphore, #tpu.memory_space<semaphore_mem>> -> memref<!tpu.dma_semaphore, #tpu.memory_space<semaphore_mem>>
      tpu.enqueue_indirect_dma source(%dma_start3A_96 : memref<40960x32xf32, #tpu.memory_space<hbm>>) target(%dma_start3A_90 : memref<125x32xf32, #tpu.memory_space<vmem>>) offsets(%dma_start3A_93 : memref<125xi32, #tpu.memory_space<vmem>>) semaphore(%dma_start3A_98 : memref<!tpu.dma_semaphore, #tpu.memory_space<semaphore_mem>>)
      %mul3A_99 = arith.constant 8 : i32
      %mul3A_100 = arith.muli %scan3A_9, %mul3A_99 : i32
      %add3A_101 = arith.constant 5 : i32
      %add3A_102 = arith.addi %mul3A_100, %add3A_101 : i32
      %dma_start3A_103 = arith.constant 5 : i32
      %dma_start3A_104 = arith.constant 5 : i32
      %dma_start3A_105 = arith.constant 0 : i32
      %dma_start3A_106 = arith.constant 0 : i32
      %dma_start3A_107 = tpu.memref_slice %arg11[%dma_start3A_103, %dma_start3A_105, %dma_start3A_106] : memref<8x125x32xf32, #tpu.memory_space<vmem>> -> memref<1x125x32xf32, #tpu.memory_space<vmem>>
      %dma_start3A_108 = tpu.memref_squeeze %dma_start3A_107 : memref<1x125x32xf32, #tpu.memory_space<vmem>> -> memref<125x32xf32, #tpu.memory_space<vmem>>
      %dma_start3A_109 = arith.constant 0 : i32
      %dma_start3A_110 = tpu.memref_slice %arg9[%add3A_102, %dma_start3A_109] : memref<80x125xi32, #tpu.memory_space<vmem>> -> memref<1x125xi32, #tpu.memory_space<vmem>>
      %dma_start3A_111 = tpu.memref_squeeze %dma_start3A_110 : memref<1x125xi32, #tpu.memory_space<vmem>> -> memref<125xi32, #tpu.memory_space<vmem>>
      %dma_start3A_112 = arith.constant 0 : i32
      %dma_start3A_113 = arith.constant 0 : i32
      %dma_start3A_114 = tpu.memref_slice %arg4[%dma_start3A_112, %dma_start3A_113] : memref<40960x32xf32, #tpu.memory_space<hbm>> -> memref<40960x32xf32, #tpu.memory_space<hbm>>
      %dma_start3A_115 = tpu.memref_slice %arg13[%dma_start3A_104] : memref<8x!tpu.dma_semaphore, #tpu.memory_space<semaphore_mem>> -> memref<1x!tpu.dma_semaphore, #tpu.memory_space<semaphore_mem>>
      %dma_start3A_116 = tpu.memref_squeeze %dma_start3A_115 : memref<1x!tpu.dma_semaphore, #tpu.memory_space<semaphore_mem>> -> memref<!tpu.dma_semaphore, #tpu.memory_space<semaphore_mem>>
      tpu.enqueue_indirect_dma source(%dma_start3A_114 : memref<40960x32xf32, #tpu.memory_space<hbm>>) target(%dma_start3A_108 : memref<125x32xf32, #tpu.memory_space<vmem>>) offsets(%dma_start3A_111 : memref<125xi32, #tpu.memory_space<vmem>>) semaphore(%dma_start3A_116 : memref<!tpu.dma_semaphore, #tpu.memory_space<semaphore_mem>>)
      %mul3A_117 = arith.constant 8 : i32
      %mul3A_118 = arith.muli %scan3A_9, %mul3A_117 : i32
      %add3A_119 = arith.constant 6 : i32
      %add3A_120 = arith.addi %mul3A_118, %add3A_119 : i32
      %dma_start3A_121 = arith.constant 6 : i32
      %dma_start3A_122 = arith.constant 6 : i32
      %dma_start3A_123 = arith.constant 0 : i32
      %dma_start3A_124 = arith.constant 0 : i32
      %dma_start3A_125 = tpu.memref_slice %arg11[%dma_start3A_121, %dma_start3A_123, %dma_start3A_124] : memref<8x125x32xf32, #tpu.memory_space<vmem>> -> memref<1x125x32xf32, #tpu.memory_space<vmem>>
      %dma_start3A_126 = tpu.memref_squeeze %dma_start3A_125 : memref<1x125x32xf32, #tpu.memory_space<vmem>> -> memref<125x32xf32, #tpu.memory_space<vmem>>
      %dma_start3A_127 = arith.constant 0 : i32
      %dma_start3A_128 = tpu.memref_slice %arg9[%add3A_120, %dma_start3A_127] : memref<80x125xi32, #tpu.memory_space<vmem>> -> memref<1x125xi32, #tpu.memory_space<vmem>>
      %dma_start3A_129 = tpu.memref_squeeze %dma_start3A_128 : memref<1x125xi32, #tpu.memory_space<vmem>> -> memref<125xi32, #tpu.memory_space<vmem>>
      %dma_start3A_130 = arith.constant 0 : i32
      %dma_start3A_131 = arith.constant 0 : i32
      %dma_start3A_132 = tpu.memref_slice %arg4[%dma_start3A_130, %dma_start3A_131] : memref<40960x32xf32, #tpu.memory_space<hbm>> -> memref<40960x32xf32, #tpu.memory_space<hbm>>
      %dma_start3A_133 = tpu.memref_slice %arg13[%dma_start3A_122] : memref<8x!tpu.dma_semaphore, #tpu.memory_space<semaphore_mem>> -> memref<1x!tpu.dma_semaphore, #tpu.memory_space<semaphore_mem>>
      %dma_start3A_134 = tpu.memref_squeeze %dma_start3A_133 : memref<1x!tpu.dma_semaphore, #tpu.memory_space<semaphore_mem>> -> memref<!tpu.dma_semaphore, #tpu.memory_space<semaphore_mem>>
      tpu.enqueue_indirect_dma source(%dma_start3A_132 : memref<40960x32xf32, #tpu.memory_space<hbm>>) target(%dma_start3A_126 : memref<125x32xf32, #tpu.memory_space<vmem>>) offsets(%dma_start3A_129 : memref<125xi32, #tpu.memory_space<vmem>>) semaphore(%dma_start3A_134 : memref<!tpu.dma_semaphore, #tpu.memory_space<semaphore_mem>>)
      %mul3A_135 = arith.constant 8 : i32
      %mul3A_136 = arith.muli %scan3A_9, %mul3A_135 : i32
      %add3A_137 = arith.constant 7 : i32
      %add3A_138 = arith.addi %mul3A_136, %add3A_137 : i32
      %dma_start3A_139 = arith.constant 7 : i32
      %dma_start3A_140 = arith.constant 7 : i32
      %dma_start3A_141 = arith.constant 0 : i32
      %dma_start3A_142 = arith.constant 0 : i32
      %dma_start3A_143 = tpu.memref_slice %arg11[%dma_start3A_139, %dma_start3A_141, %dma_start3A_142] : memref<8x125x32xf32, #tpu.memory_space<vmem>> -> memref<1x125x32xf32, #tpu.memory_space<vmem>>
      %dma_start3A_144 = tpu.memref_squeeze %dma_start3A_143 : memref<1x125x32xf32, #tpu.memory_space<vmem>> -> memref<125x32xf32, #tpu.memory_space<vmem>>
      %dma_start3A_145 = arith.constant 0 : i32
      %dma_start3A_146 = tpu.memref_slice %arg9[%add3A_138, %dma_start3A_145] : memref<80x125xi32, #tpu.memory_space<vmem>> -> memref<1x125xi32, #tpu.memory_space<vmem>>
      %dma_start3A_147 = tpu.memref_squeeze %dma_start3A_146 : memref<1x125xi32, #tpu.memory_space<vmem>> -> memref<125xi32, #tpu.memory_space<vmem>>
      %dma_start3A_148 = arith.constant 0 : i32
      %dma_start3A_149 = arith.constant 0 : i32
      %dma_start3A_150 = tpu.memref_slice %arg4[%dma_start3A_148, %dma_start3A_149] : memref<40960x32xf32, #tpu.memory_space<hbm>> -> memref<40960x32xf32, #tpu.memory_space<hbm>>
      %dma_start3A_151 = tpu.memref_slice %arg13[%dma_start3A_140] : memref<8x!tpu.dma_semaphore, #tpu.memory_space<semaphore_mem>> -> memref<1x!tpu.dma_semaphore, #tpu.memory_space<semaphore_mem>>
      %dma_start3A_152 = tpu.memref_squeeze %dma_start3A_151 : memref<1x!tpu.dma_semaphore, #tpu.memory_space<semaphore_mem>> -> memref<!tpu.dma_semaphore, #tpu.memory_space<semaphore_mem>>
      tpu.enqueue_indirect_dma source(%dma_start3A_150 : memref<40960x32xf32, #tpu.memory_space<hbm>>) target(%dma_start3A_144 : memref<125x32xf32, #tpu.memory_space<vmem>>) offsets(%dma_start3A_147 : memref<125xi32, #tpu.memory_space<vmem>>) semaphore(%dma_start3A_152 : memref<!tpu.dma_semaphore, #tpu.memory_space<semaphore_mem>>)
      %dma_wait3A = arith.constant 0 : i32
      %dma_wait3A_153 = arith.constant 0 : i32
      %dma_wait3A_154 = arith.constant 0 : i32
      %dma_wait3A_155 = arith.constant 0 : i32
      %dma_wait3A_156 = tpu.memref_slice %arg11[%dma_wait3A, %dma_wait3A_154, %dma_wait3A_155] : memref<8x125x32xf32, #tpu.memory_space<vmem>> -> memref<1x125x32xf32, #tpu.memory_space<vmem>>
      %dma_wait3A_157 = tpu.memref_squeeze %dma_wait3A_156 : memref<1x125x32xf32, #tpu.memory_space<vmem>> -> memref<125x32xf32, #tpu.memory_space<vmem>>
      %dma_wait3A_158 = arith.constant 0 : i32
      %dma_wait3A_159 = tpu.memref_slice %arg9[%add3A_13, %dma_wait3A_158] : memref<80x125xi32, #tpu.memory_space<vmem>> -> memref<1x125xi32, #tpu.memory_space<vmem>>
      %dma_wait3A_160 = tpu.memref_squeeze %dma_wait3A_159 : memref<1x125xi32, #tpu.memory_space<vmem>> -> memref<125xi32, #tpu.memory_space<vmem>>
      %dma_wait3A_161 = arith.constant 0 : i32
      %dma_wait3A_162 = arith.constant 0 : i32
      %dma_wait3A_163 = tpu.memref_slice %arg4[%dma_wait3A_161, %dma_wait3A_162] : memref<40960x32xf32, #tpu.memory_space<hbm>> -> memref<40960x32xf32, #tpu.memory_space<hbm>>
      %dma_wait3A_164 = tpu.memref_slice %arg13[%dma_wait3A_153] : memref<8x!tpu.dma_semaphore, #tpu.memory_space<semaphore_mem>> -> memref<1x!tpu.dma_semaphore, #tpu.memory_space<semaphore_mem>>
      %dma_wait3A_165 = tpu.memref_squeeze %dma_wait3A_164 : memref<1x!tpu.dma_semaphore, #tpu.memory_space<semaphore_mem>> -> memref<!tpu.dma_semaphore, #tpu.memory_space<semaphore_mem>>
      tpu.wait_indirect_dma semaphore(%dma_wait3A_165 : memref<!tpu.dma_semaphore, #tpu.memory_space<semaphore_mem>>) src(%dma_wait3A_163 : memref<40960x32xf32, #tpu.memory_space<hbm>>) dst(%dma_wait3A_157 : memref<125x32xf32, #tpu.memory_space<vmem>>)
      %mul3A_166 = arith.constant 8 : i32
      %mul3A_167 = arith.muli %scan3A_9, %mul3A_166 : i32
      %add3A_168 = arith.constant 0 : i32
      %add3A_169 = arith.addi %mul3A_167, %add3A_168 : i32
      %dma_start3A_170 = arith.constant 0 : i32
      %dma_start3A_171 = arith.constant 0 : i32
      %dma_start3A_172 = arith.constant 0 : i32
      %dma_start3A_173 = arith.constant 0 : i32
      %dma_start3A_174 = tpu.memref_slice %arg11[%dma_start3A_170, %dma_start3A_172, %dma_start3A_173] : memref<8x125x32xf32, #tpu.memory_space<vmem>> -> memref<1x125x32xf32, #tpu.memory_space<vmem>>
      %dma_start3A_175 = tpu.memref_squeeze %dma_start3A_174 : memref<1x125x32xf32, #tpu.memory_space<vmem>> -> memref<125x32xf32, #tpu.memory_space<vmem>>
      %dma_start3A_176 = arith.constant 0 : i32
      %dma_start3A_177 = tpu.memref_slice %arg10[%add3A_169, %dma_start3A_176] : memref<80x125xi32, #tpu.memory_space<vmem>> -> memref<1x125xi32, #tpu.memory_space<vmem>>
      %dma_start3A_178 = tpu.memref_squeeze %dma_start3A_177 : memref<1x125xi32, #tpu.memory_space<vmem>> -> memref<125xi32, #tpu.memory_space<vmem>>
      %dma_start3A_179 = arith.constant 0 : i32
      %dma_start3A_180 = arith.constant 0 : i32
      %dma_start3A_181 = tpu.memref_slice %arg12[%dma_start3A_179, %dma_start3A_180] : memref<10240x32xf32, #tpu.memory_space<vmem_shared>> -> memref<10240x32xf32, #tpu.memory_space<vmem_shared>>
      %dma_start3A_182 = tpu.memref_slice %arg14[%dma_start3A_171] : memref<8x!tpu.dma_semaphore, #tpu.memory_space<semaphore_mem>> -> memref<1x!tpu.dma_semaphore, #tpu.memory_space<semaphore_mem>>
      %dma_start3A_183 = tpu.memref_squeeze %dma_start3A_182 : memref<1x!tpu.dma_semaphore, #tpu.memory_space<semaphore_mem>> -> memref<!tpu.dma_semaphore, #tpu.memory_space<semaphore_mem>>
      tpu.enqueue_indirect_dma source(%dma_start3A_175 : memref<125x32xf32, #tpu.memory_space<vmem>>) target(%dma_start3A_181 : memref<10240x32xf32, #tpu.memory_space<vmem_shared>>) offsets(%dma_start3A_178 : memref<125xi32, #tpu.memory_space<vmem>>) semaphore(%dma_start3A_183 : memref<!tpu.dma_semaphore, #tpu.memory_space<semaphore_mem>>) {add = true}
      %dma_wait3A_184 = arith.constant 1 : i32
      %dma_wait3A_185 = arith.constant 1 : i32
      %dma_wait3A_186 = arith.constant 0 : i32
      %dma_wait3A_187 = arith.constant 0 : i32
      %dma_wait3A_188 = tpu.memref_slice %arg11[%dma_wait3A_184, %dma_wait3A_186, %dma_wait3A_187] : memref<8x125x32xf32, #tpu.memory_space<vmem>> -> memref<1x125x32xf32, #tpu.memory_space<vmem>>
      %dma_wait3A_189 = tpu.memref_squeeze %dma_wait3A_188 : memref<1x125x32xf32, #tpu.memory_space<vmem>> -> memref<125x32xf32, #tpu.memory_space<vmem>>
      %dma_wait3A_190 = arith.constant 0 : i32
      %dma_wait3A_191 = tpu.memref_slice %arg9[%add3A_30, %dma_wait3A_190] : memref<80x125xi32, #tpu.memory_space<vmem>> -> memref<1x125xi32, #tpu.memory_space<vmem>>
      %dma_wait3A_192 = tpu.memref_squeeze %dma_wait3A_191 : memref<1x125xi32, #tpu.memory_space<vmem>> -> memref<125xi32, #tpu.memory_space<vmem>>
      %dma_wait3A_193 = arith.constant 0 : i32
      %dma_wait3A_194 = arith.constant 0 : i32
      %dma_wait3A_195 = tpu.memref_slice %arg4[%dma_wait3A_193, %dma_wait3A_194] : memref<40960x32xf32, #tpu.memory_space<hbm>> -> memref<40960x32xf32, #tpu.memory_space<hbm>>
      %dma_wait3A_196 = tpu.memref_slice %arg13[%dma_wait3A_185] : memref<8x!tpu.dma_semaphore, #tpu.memory_space<semaphore_mem>> -> memref<1x!tpu.dma_semaphore, #tpu.memory_space<semaphore_mem>>
      %dma_wait3A_197 = tpu.memref_squeeze %dma_wait3A_196 : memref<1x!tpu.dma_semaphore, #tpu.memory_space<semaphore_mem>> -> memref<!tpu.dma_semaphore, #tpu.memory_space<semaphore_mem>>
      tpu.wait_indirect_dma semaphore(%dma_wait3A_197 : memref<!tpu.dma_semaphore, #tpu.memory_space<semaphore_mem>>) src(%dma_wait3A_195 : memref<40960x32xf32, #tpu.memory_space<hbm>>) dst(%dma_wait3A_189 : memref<125x32xf32, #tpu.memory_space<vmem>>)
      %mul3A_198 = arith.constant 8 : i32
      %mul3A_199 = arith.muli %scan3A_9, %mul3A_198 : i32
      %add3A_200 = arith.constant 1 : i32
      %add3A_201 = arith.addi %mul3A_199, %add3A_200 : i32
      %dma_start3A_202 = arith.constant 1 : i32
      %dma_start3A_203 = arith.constant 1 : i32
      %dma_start3A_204 = arith.constant 0 : i32
      %dma_start3A_205 = arith.constant 0 : i32
      %dma_start3A_206 = tpu.memref_slice %arg11[%dma_start3A_202, %dma_start3A_204, %dma_start3A_205] : memref<8x125x32xf32, #tpu.memory_space<vmem>> -> memref<1x125x32xf32, #tpu.memory_space<vmem>>
      %dma_start3A_207 = tpu.memref_squeeze %dma_start3A_206 : memref<1x125x32xf32, #tpu.memory_space<vmem>> -> memref<125x32xf32, #tpu.memory_space<vmem>>
      %dma_start3A_208 = arith.constant 0 : i32
      %dma_start3A_209 = tpu.memref_slice %arg10[%add3A_201, %dma_start3A_208] : memref<80x125xi32, #tpu.memory_space<vmem>> -> memref<1x125xi32, #tpu.memory_space<vmem>>
      %dma_start3A_210 = tpu.memref_squeeze %dma_start3A_209 : memref<1x125xi32, #tpu.memory_space<vmem>> -> memref<125xi32, #tpu.memory_space<vmem>>
      %dma_start3A_211 = arith.constant 0 : i32
      %dma_start3A_212 = arith.constant 0 : i32
      %dma_start3A_213 = tpu.memref_slice %arg12[%dma_start3A_211, %dma_start3A_212] : memref<10240x32xf32, #tpu.memory_space<vmem_shared>> -> memref<10240x32xf32, #tpu.memory_space<vmem_shared>>
      %dma_start3A_214 = tpu.memref_slice %arg14[%dma_start3A_203] : memref<8x!tpu.dma_semaphore, #tpu.memory_space<semaphore_mem>> -> memref<1x!tpu.dma_semaphore, #tpu.memory_space<semaphore_mem>>
      %dma_start3A_215 = tpu.memref_squeeze %dma_start3A_214 : memref<1x!tpu.dma_semaphore, #tpu.memory_space<semaphore_mem>> -> memref<!tpu.dma_semaphore, #tpu.memory_space<semaphore_mem>>
      tpu.enqueue_indirect_dma source(%dma_start3A_207 : memref<125x32xf32, #tpu.memory_space<vmem>>) target(%dma_start3A_213 : memref<10240x32xf32, #tpu.memory_space<vmem_shared>>) offsets(%dma_start3A_210 : memref<125xi32, #tpu.memory_space<vmem>>) semaphore(%dma_start3A_215 : memref<!tpu.dma_semaphore, #tpu.memory_space<semaphore_mem>>) {add = true}
      %dma_wait3A_216 = arith.constant 2 : i32
      %dma_wait3A_217 = arith.constant 2 : i32
      %dma_wait3A_218 = arith.constant 0 : i32
      %dma_wait3A_219 = arith.constant 0 : i32
      %dma_wait3A_220 = tpu.memref_slice %arg11[%dma_wait3A_216, %dma_wait3A_218, %dma_wait3A_219] : memref<8x125x32xf32, #tpu.memory_space<vmem>> -> memref<1x125x32xf32, #tpu.memory_space<vmem>>
      %dma_wait3A_221 = tpu.memref_squeeze %dma_wait3A_220 : memref<1x125x32xf32, #tpu.memory_space<vmem>> -> memref<125x32xf32, #tpu.memory_space<vmem>>
      %dma_wait3A_222 = arith.constant 0 : i32
      %dma_wait3A_223 = tpu.memref_slice %arg9[%add3A_48, %dma_wait3A_222] : memref<80x125xi32, #tpu.memory_space<vmem>> -> memref<1x125xi32, #tpu.memory_space<vmem>>
      %dma_wait3A_224 = tpu.memref_squeeze %dma_wait3A_223 : memref<1x125xi32, #tpu.memory_space<vmem>> -> memref<125xi32, #tpu.memory_space<vmem>>
      %dma_wait3A_225 = arith.constant 0 : i32
      %dma_wait3A_226 = arith.constant 0 : i32
      %dma_wait3A_227 = tpu.memref_slice %arg4[%dma_wait3A_225, %dma_wait3A_226] : memref<40960x32xf32, #tpu.memory_space<hbm>> -> memref<40960x32xf32, #tpu.memory_space<hbm>>
      %dma_wait3A_228 = tpu.memref_slice %arg13[%dma_wait3A_217] : memref<8x!tpu.dma_semaphore, #tpu.memory_space<semaphore_mem>> -> memref<1x!tpu.dma_semaphore, #tpu.memory_space<semaphore_mem>>
      %dma_wait3A_229 = tpu.memref_squeeze %dma_wait3A_228 : memref<1x!tpu.dma_semaphore, #tpu.memory_space<semaphore_mem>> -> memref<!tpu.dma_semaphore, #tpu.memory_space<semaphore_mem>>
      tpu.wait_indirect_dma semaphore(%dma_wait3A_229 : memref<!tpu.dma_semaphore, #tpu.memory_space<semaphore_mem>>) src(%dma_wait3A_227 : memref<40960x32xf32, #tpu.memory_space<hbm>>) dst(%dma_wait3A_221 : memref<125x32xf32, #tpu.memory_space<vmem>>)
      %mul3A_230 = arith.constant 8 : i32
      %mul3A_231 = arith.muli %scan3A_9, %mul3A_230 : i32
      %add3A_232 = arith.constant 2 : i32
      %add3A_233 = arith.addi %mul3A_231, %add3A_232 : i32
      %dma_start3A_234 = arith.constant 2 : i32
      %dma_start3A_235 = arith.constant 2 : i32
      %dma_start3A_236 = arith.constant 0 : i32
      %dma_start3A_237 = arith.constant 0 : i32
      %dma_start3A_238 = tpu.memref_slice %arg11[%dma_start3A_234, %dma_start3A_236, %dma_start3A_237] : memref<8x125x32xf32, #tpu.memory_space<vmem>> -> memref<1x125x32xf32, #tpu.memory_space<vmem>>
      %dma_start3A_239 = tpu.memref_squeeze %dma_start3A_238 : memref<1x125x32xf32, #tpu.memory_space<vmem>> -> memref<125x32xf32, #tpu.memory_space<vmem>>
      %dma_start3A_240 = arith.constant 0 : i32
      %dma_start3A_241 = tpu.memref_slice %arg10[%add3A_233, %dma_start3A_240] : memref<80x125xi32, #tpu.memory_space<vmem>> -> memref<1x125xi32, #tpu.memory_space<vmem>>
      %dma_start3A_242 = tpu.memref_squeeze %dma_start3A_241 : memref<1x125xi32, #tpu.memory_space<vmem>> -> memref<125xi32, #tpu.memory_space<vmem>>
      %dma_start3A_243 = arith.constant 0 : i32
      %dma_start3A_244 = arith.constant 0 : i32
      %dma_start3A_245 = tpu.memref_slice %arg12[%dma_start3A_243, %dma_start3A_244] : memref<10240x32xf32, #tpu.memory_space<vmem_shared>> -> memref<10240x32xf32, #tpu.memory_space<vmem_shared>>
      %dma_start3A_246 = tpu.memref_slice %arg14[%dma_start3A_235] : memref<8x!tpu.dma_semaphore, #tpu.memory_space<semaphore_mem>> -> memref<1x!tpu.dma_semaphore, #tpu.memory_space<semaphore_mem>>
      %dma_start3A_247 = tpu.memref_squeeze %dma_start3A_246 : memref<1x!tpu.dma_semaphore, #tpu.memory_space<semaphore_mem>> -> memref<!tpu.dma_semaphore, #tpu.memory_space<semaphore_mem>>
      tpu.enqueue_indirect_dma source(%dma_start3A_239 : memref<125x32xf32, #tpu.memory_space<vmem>>) target(%dma_start3A_245 : memref<10240x32xf32, #tpu.memory_space<vmem_shared>>) offsets(%dma_start3A_242 : memref<125xi32, #tpu.memory_space<vmem>>) semaphore(%dma_start3A_247 : memref<!tpu.dma_semaphore, #tpu.memory_space<semaphore_mem>>) {add = true}
      %dma_wait3A_248 = arith.constant 3 : i32
      %dma_wait3A_249 = arith.constant 3 : i32
      %dma_wait3A_250 = arith.constant 0 : i32
      %dma_wait3A_251 = arith.constant 0 : i32
      %dma_wait3A_252 = tpu.memref_slice %arg11[%dma_wait3A_248, %dma_wait3A_250, %dma_wait3A_251] : memref<8x125x32xf32, #tpu.memory_space<vmem>> -> memref<1x125x32xf32, #tpu.memory_space<vmem>>
      %dma_wait3A_253 = tpu.memref_squeeze %dma_wait3A_252 : memref<1x125x32xf32, #tpu.memory_space<vmem>> -> memref<125x32xf32, #tpu.memory_space<vmem>>
      %dma_wait3A_254 = arith.constant 0 : i32
      %dma_wait3A_255 = tpu.memref_slice %arg9[%add3A_66, %dma_wait3A_254] : memref<80x125xi32, #tpu.memory_space<vmem>> -> memref<1x125xi32, #tpu.memory_space<vmem>>
      %dma_wait3A_256 = tpu.memref_squeeze %dma_wait3A_255 : memref<1x125xi32, #tpu.memory_space<vmem>> -> memref<125xi32, #tpu.memory_space<vmem>>
      %dma_wait3A_257 = arith.constant 0 : i32
      %dma_wait3A_258 = arith.constant 0 : i32
      %dma_wait3A_259 = tpu.memref_slice %arg4[%dma_wait3A_257, %dma_wait3A_258] : memref<40960x32xf32, #tpu.memory_space<hbm>> -> memref<40960x32xf32, #tpu.memory_space<hbm>>
      %dma_wait3A_260 = tpu.memref_slice %arg13[%dma_wait3A_249] : memref<8x!tpu.dma_semaphore, #tpu.memory_space<semaphore_mem>> -> memref<1x!tpu.dma_semaphore, #tpu.memory_space<semaphore_mem>>
      %dma_wait3A_261 = tpu.memref_squeeze %dma_wait3A_260 : memref<1x!tpu.dma_semaphore, #tpu.memory_space<semaphore_mem>> -> memref<!tpu.dma_semaphore, #tpu.memory_space<semaphore_mem>>
      tpu.wait_indirect_dma semaphore(%dma_wait3A_261 : memref<!tpu.dma_semaphore, #tpu.memory_space<semaphore_mem>>) src(%dma_wait3A_259 : memref<40960x32xf32, #tpu.memory_space<hbm>>) dst(%dma_wait3A_253 : memref<125x32xf32, #tpu.memory_space<vmem>>)
      %mul3A_262 = arith.constant 8 : i32
      %mul3A_263 = arith.muli %scan3A_9, %mul3A_262 : i32
      %add3A_264 = arith.constant 3 : i32
      %add3A_265 = arith.addi %mul3A_263, %add3A_264 : i32
      %dma_start3A_266 = arith.constant 3 : i32
      %dma_start3A_267 = arith.constant 3 : i32
      %dma_start3A_268 = arith.constant 0 : i32
      %dma_start3A_269 = arith.constant 0 : i32
      %dma_start3A_270 = tpu.memref_slice %arg11[%dma_start3A_266, %dma_start3A_268, %dma_start3A_269] : memref<8x125x32xf32, #tpu.memory_space<vmem>> -> memref<1x125x32xf32, #tpu.memory_space<vmem>>
      %dma_start3A_271 = tpu.memref_squeeze %dma_start3A_270 : memref<1x125x32xf32, #tpu.memory_space<vmem>> -> memref<125x32xf32, #tpu.memory_space<vmem>>
      %dma_start3A_272 = arith.constant 0 : i32
      %dma_start3A_273 = tpu.memref_slice %arg10[%add3A_265, %dma_start3A_272] : memref<80x125xi32, #tpu.memory_space<vmem>> -> memref<1x125xi32, #tpu.memory_space<vmem>>
      %dma_start3A_274 = tpu.memref_squeeze %dma_start3A_273 : memref<1x125xi32, #tpu.memory_space<vmem>> -> memref<125xi32, #tpu.memory_space<vmem>>
      %dma_start3A_275 = arith.constant 0 : i32
      %dma_start3A_276 = arith.constant 0 : i32
      %dma_start3A_277 = tpu.memref_slice %arg12[%dma_start3A_275, %dma_start3A_276] : memref<10240x32xf32, #tpu.memory_space<vmem_shared>> -> memref<10240x32xf32, #tpu.memory_space<vmem_shared>>
      %dma_start3A_278 = tpu.memref_slice %arg14[%dma_start3A_267] : memref<8x!tpu.dma_semaphore, #tpu.memory_space<semaphore_mem>> -> memref<1x!tpu.dma_semaphore, #tpu.memory_space<semaphore_mem>>
      %dma_start3A_279 = tpu.memref_squeeze %dma_start3A_278 : memref<1x!tpu.dma_semaphore, #tpu.memory_space<semaphore_mem>> -> memref<!tpu.dma_semaphore, #tpu.memory_space<semaphore_mem>>
      tpu.enqueue_indirect_dma source(%dma_start3A_271 : memref<125x32xf32, #tpu.memory_space<vmem>>) target(%dma_start3A_277 : memref<10240x32xf32, #tpu.memory_space<vmem_shared>>) offsets(%dma_start3A_274 : memref<125xi32, #tpu.memory_space<vmem>>) semaphore(%dma_start3A_279 : memref<!tpu.dma_semaphore, #tpu.memory_space<semaphore_mem>>) {add = true}
      %dma_wait3A_280 = arith.constant 4 : i32
      %dma_wait3A_281 = arith.constant 4 : i32
      %dma_wait3A_282 = arith.constant 0 : i32
      %dma_wait3A_283 = arith.constant 0 : i32
      %dma_wait3A_284 = tpu.memref_slice %arg11[%dma_wait3A_280, %dma_wait3A_282, %dma_wait3A_283] : memref<8x125x32xf32, #tpu.memory_space<vmem>> -> memref<1x125x32xf32, #tpu.memory_space<vmem>>
      %dma_wait3A_285 = tpu.memref_squeeze %dma_wait3A_284 : memref<1x125x32xf32, #tpu.memory_space<vmem>> -> memref<125x32xf32, #tpu.memory_space<vmem>>
      %dma_wait3A_286 = arith.constant 0 : i32
      %dma_wait3A_287 = tpu.memref_slice %arg9[%add3A_84, %dma_wait3A_286] : memref<80x125xi32, #tpu.memory_space<vmem>> -> memref<1x125xi32, #tpu.memory_space<vmem>>
      %dma_wait3A_288 = tpu.memref_squeeze %dma_wait3A_287 : memref<1x125xi32, #tpu.memory_space<vmem>> -> memref<125xi32, #tpu.memory_space<vmem>>
      %dma_wait3A_289 = arith.constant 0 : i32
      %dma_wait3A_290 = arith.constant 0 : i32
      %dma_wait3A_291 = tpu.memref_slice %arg4[%dma_wait3A_289, %dma_wait3A_290] : memref<40960x32xf32, #tpu.memory_space<hbm>> -> memref<40960x32xf32, #tpu.memory_space<hbm>>
      %dma_wait3A_292 = tpu.memref_slice %arg13[%dma_wait3A_281] : memref<8x!tpu.dma_semaphore, #tpu.memory_space<semaphore_mem>> -> memref<1x!tpu.dma_semaphore, #tpu.memory_space<semaphore_mem>>
      %dma_wait3A_293 = tpu.memref_squeeze %dma_wait3A_292 : memref<1x!tpu.dma_semaphore, #tpu.memory_space<semaphore_mem>> -> memref<!tpu.dma_semaphore, #tpu.memory_space<semaphore_mem>>
      tpu.wait_indirect_dma semaphore(%dma_wait3A_293 : memref<!tpu.dma_semaphore, #tpu.memory_space<semaphore_mem>>) src(%dma_wait3A_291 : memref<40960x32xf32, #tpu.memory_space<hbm>>) dst(%dma_wait3A_285 : memref<125x32xf32, #tpu.memory_space<vmem>>)
      %mul3A_294 = arith.constant 8 : i32
      %mul3A_295 = arith.muli %scan3A_9, %mul3A_294 : i32
      %add3A_296 = arith.constant 4 : i32
      %add3A_297 = arith.addi %mul3A_295, %add3A_296 : i32
      %dma_start3A_298 = arith.constant 4 : i32
      %dma_start3A_299 = arith.constant 4 : i32
      %dma_start3A_300 = arith.constant 0 : i32
      %dma_start3A_301 = arith.constant 0 : i32
      %dma_start3A_302 = tpu.memref_slice %arg11[%dma_start3A_298, %dma_start3A_300, %dma_start3A_301] : memref<8x125x32xf32, #tpu.memory_space<vmem>> -> memref<1x125x32xf32, #tpu.memory_space<vmem>>
      %dma_start3A_303 = tpu.memref_squeeze %dma_start3A_302 : memref<1x125x32xf32, #tpu.memory_space<vmem>> -> memref<125x32xf32, #tpu.memory_space<vmem>>
      %dma_start3A_304 = arith.constant 0 : i32
      %dma_start3A_305 = tpu.memref_slice %arg10[%add3A_297, %dma_start3A_304] : memref<80x125xi32, #tpu.memory_space<vmem>> -> memref<1x125xi32, #tpu.memory_space<vmem>>
      %dma_start3A_306 = tpu.memref_squeeze %dma_start3A_305 : memref<1x125xi32, #tpu.memory_space<vmem>> -> memref<125xi32, #tpu.memory_space<vmem>>
      %dma_start3A_307 = arith.constant 0 : i32
      %dma_start3A_308 = arith.constant 0 : i32
      %dma_start3A_309 = tpu.memref_slice %arg12[%dma_start3A_307, %dma_start3A_308] : memref<10240x32xf32, #tpu.memory_space<vmem_shared>> -> memref<10240x32xf32, #tpu.memory_space<vmem_shared>>
      %dma_start3A_310 = tpu.memref_slice %arg14[%dma_start3A_299] : memref<8x!tpu.dma_semaphore, #tpu.memory_space<semaphore_mem>> -> memref<1x!tpu.dma_semaphore, #tpu.memory_space<semaphore_mem>>
      %dma_start3A_311 = tpu.memref_squeeze %dma_start3A_310 : memref<1x!tpu.dma_semaphore, #tpu.memory_space<semaphore_mem>> -> memref<!tpu.dma_semaphore, #tpu.memory_space<semaphore_mem>>
      tpu.enqueue_indirect_dma source(%dma_start3A_303 : memref<125x32xf32, #tpu.memory_space<vmem>>) target(%dma_start3A_309 : memref<10240x32xf32, #tpu.memory_space<vmem_shared>>) offsets(%dma_start3A_306 : memref<125xi32, #tpu.memory_space<vmem>>) semaphore(%dma_start3A_311 : memref<!tpu.dma_semaphore, #tpu.memory_space<semaphore_mem>>) {add = true}
      %dma_wait3A_312 = arith.constant 5 : i32
      %dma_wait3A_313 = arith.constant 5 : i32
      %dma_wait3A_314 = arith.constant 0 : i32
      %dma_wait3A_315 = arith.constant 0 : i32
      %dma_wait3A_316 = tpu.memref_slice %arg11[%dma_wait3A_312, %dma_wait3A_314, %dma_wait3A_315] : memref<8x125x32xf32, #tpu.memory_space<vmem>> -> memref<1x125x32xf32, #tpu.memory_space<vmem>>
      %dma_wait3A_317 = tpu.memref_squeeze %dma_wait3A_316 : memref<1x125x32xf32, #tpu.memory_space<vmem>> -> memref<125x32xf32, #tpu.memory_space<vmem>>
      %dma_wait3A_318 = arith.constant 0 : i32
      %dma_wait3A_319 = tpu.memref_slice %arg9[%add3A_102, %dma_wait3A_318] : memref<80x125xi32, #tpu.memory_space<vmem>> -> memref<1x125xi32, #tpu.memory_space<vmem>>
      %dma_wait3A_320 = tpu.memref_squeeze %dma_wait3A_319 : memref<1x125xi32, #tpu.memory_space<vmem>> -> memref<125xi32, #tpu.memory_space<vmem>>
      %dma_wait3A_321 = arith.constant 0 : i32
      %dma_wait3A_322 = arith.constant 0 : i32
      %dma_wait3A_323 = tpu.memref_slice %arg4[%dma_wait3A_321, %dma_wait3A_322] : memref<40960x32xf32, #tpu.memory_space<hbm>> -> memref<40960x32xf32, #tpu.memory_space<hbm>>
      %dma_wait3A_324 = tpu.memref_slice %arg13[%dma_wait3A_313] : memref<8x!tpu.dma_semaphore, #tpu.memory_space<semaphore_mem>> -> memref<1x!tpu.dma_semaphore, #tpu.memory_space<semaphore_mem>>
      %dma_wait3A_325 = tpu.memref_squeeze %dma_wait3A_324 : memref<1x!tpu.dma_semaphore, #tpu.memory_space<semaphore_mem>> -> memref<!tpu.dma_semaphore, #tpu.memory_space<semaphore_mem>>
      tpu.wait_indirect_dma semaphore(%dma_wait3A_325 : memref<!tpu.dma_semaphore, #tpu.memory_space<semaphore_mem>>) src(%dma_wait3A_323 : memref<40960x32xf32, #tpu.memory_space<hbm>>) dst(%dma_wait3A_317 : memref<125x32xf32, #tpu.memory_space<vmem>>)
      %mul3A_326 = arith.constant 8 : i32
      %mul3A_327 = arith.muli %scan3A_9, %mul3A_326 : i32
      %add3A_328 = arith.constant 5 : i32
      %add3A_329 = arith.addi %mul3A_327, %add3A_328 : i32
      %dma_start3A_330 = arith.constant 5 : i32
      %dma_start3A_331 = arith.constant 5 : i32
      %dma_start3A_332 = arith.constant 0 : i32
      %dma_start3A_333 = arith.constant 0 : i32
      %dma_start3A_334 = tpu.memref_slice %arg11[%dma_start3A_330, %dma_start3A_332, %dma_start3A_333] : memref<8x125x32xf32, #tpu.memory_space<vmem>> -> memref<1x125x32xf32, #tpu.memory_space<vmem>>
      %dma_start3A_335 = tpu.memref_squeeze %dma_start3A_334 : memref<1x125x32xf32, #tpu.memory_space<vmem>> -> memref<125x32xf32, #tpu.memory_space<vmem>>
      %dma_start3A_336 = arith.constant 0 : i32
      %dma_start3A_337 = tpu.memref_slice %arg10[%add3A_329, %dma_start3A_336] : memref<80x125xi32, #tpu.memory_space<vmem>> -> memref<1x125xi32, #tpu.memory_space<vmem>>
      %dma_start3A_338 = tpu.memref_squeeze %dma_start3A_337 : memref<1x125xi32, #tpu.memory_space<vmem>> -> memref<125xi32, #tpu.memory_space<vmem>>
      %dma_start3A_339 = arith.constant 0 : i32
      %dma_start3A_340 = arith.constant 0 : i32
      %dma_start3A_341 = tpu.memref_slice %arg12[%dma_start3A_339, %dma_start3A_340] : memref<10240x32xf32, #tpu.memory_space<vmem_shared>> -> memref<10240x32xf32, #tpu.memory_space<vmem_shared>>
      %dma_start3A_342 = tpu.memref_slice %arg14[%dma_start3A_331] : memref<8x!tpu.dma_semaphore, #tpu.memory_space<semaphore_mem>> -> memref<1x!tpu.dma_semaphore, #tpu.memory_space<semaphore_mem>>
      %dma_start3A_343 = tpu.memref_squeeze %dma_start3A_342 : memref<1x!tpu.dma_semaphore, #tpu.memory_space<semaphore_mem>> -> memref<!tpu.dma_semaphore, #tpu.memory_space<semaphore_mem>>
      tpu.enqueue_indirect_dma source(%dma_start3A_335 : memref<125x32xf32, #tpu.memory_space<vmem>>) target(%dma_start3A_341 : memref<10240x32xf32, #tpu.memory_space<vmem_shared>>) offsets(%dma_start3A_338 : memref<125xi32, #tpu.memory_space<vmem>>) semaphore(%dma_start3A_343 : memref<!tpu.dma_semaphore, #tpu.memory_space<semaphore_mem>>) {add = true}
      %dma_wait3A_344 = arith.constant 6 : i32
      %dma_wait3A_345 = arith.constant 6 : i32
      %dma_wait3A_346 = arith.constant 0 : i32
      %dma_wait3A_347 = arith.constant 0 : i32
      %dma_wait3A_348 = tpu.memref_slice %arg11[%dma_wait3A_344, %dma_wait3A_346, %dma_wait3A_347] : memref<8x125x32xf32, #tpu.memory_space<vmem>> -> memref<1x125x32xf32, #tpu.memory_space<vmem>>
      %dma_wait3A_349 = tpu.memref_squeeze %dma_wait3A_348 : memref<1x125x32xf32, #tpu.memory_space<vmem>> -> memref<125x32xf32, #tpu.memory_space<vmem>>
      %dma_wait3A_350 = arith.constant 0 : i32
      %dma_wait3A_351 = tpu.memref_slice %arg9[%add3A_120, %dma_wait3A_350] : memref<80x125xi32, #tpu.memory_space<vmem>> -> memref<1x125xi32, #tpu.memory_space<vmem>>
      %dma_wait3A_352 = tpu.memref_squeeze %dma_wait3A_351 : memref<1x125xi32, #tpu.memory_space<vmem>> -> memref<125xi32, #tpu.memory_space<vmem>>
      %dma_wait3A_353 = arith.constant 0 : i32
      %dma_wait3A_354 = arith.constant 0 : i32
      %dma_wait3A_355 = tpu.memref_slice %arg4[%dma_wait3A_353, %dma_wait3A_354] : memref<40960x32xf32, #tpu.memory_space<hbm>> -> memref<40960x32xf32, #tpu.memory_space<hbm>>
      %dma_wait3A_356 = tpu.memref_slice %arg13[%dma_wait3A_345] : memref<8x!tpu.dma_semaphore, #tpu.memory_space<semaphore_mem>> -> memref<1x!tpu.dma_semaphore, #tpu.memory_space<semaphore_mem>>
      %dma_wait3A_357 = tpu.memref_squeeze %dma_wait3A_356 : memref<1x!tpu.dma_semaphore, #tpu.memory_space<semaphore_mem>> -> memref<!tpu.dma_semaphore, #tpu.memory_space<semaphore_mem>>
      tpu.wait_indirect_dma semaphore(%dma_wait3A_357 : memref<!tpu.dma_semaphore, #tpu.memory_space<semaphore_mem>>) src(%dma_wait3A_355 : memref<40960x32xf32, #tpu.memory_space<hbm>>) dst(%dma_wait3A_349 : memref<125x32xf32, #tpu.memory_space<vmem>>)
      %mul3A_358 = arith.constant 8 : i32
      %mul3A_359 = arith.muli %scan3A_9, %mul3A_358 : i32
      %add3A_360 = arith.constant 6 : i32
      %add3A_361 = arith.addi %mul3A_359, %add3A_360 : i32
      %dma_start3A_362 = arith.constant 6 : i32
      %dma_start3A_363 = arith.constant 6 : i32
      %dma_start3A_364 = arith.constant 0 : i32
      %dma_start3A_365 = arith.constant 0 : i32
      %dma_start3A_366 = tpu.memref_slice %arg11[%dma_start3A_362, %dma_start3A_364, %dma_start3A_365] : memref<8x125x32xf32, #tpu.memory_space<vmem>> -> memref<1x125x32xf32, #tpu.memory_space<vmem>>
      %dma_start3A_367 = tpu.memref_squeeze %dma_start3A_366 : memref<1x125x32xf32, #tpu.memory_space<vmem>> -> memref<125x32xf32, #tpu.memory_space<vmem>>
      %dma_start3A_368 = arith.constant 0 : i32
      %dma_start3A_369 = tpu.memref_slice %arg10[%add3A_361, %dma_start3A_368] : memref<80x125xi32, #tpu.memory_space<vmem>> -> memref<1x125xi32, #tpu.memory_space<vmem>>
      %dma_start3A_370 = tpu.memref_squeeze %dma_start3A_369 : memref<1x125xi32, #tpu.memory_space<vmem>> -> memref<125xi32, #tpu.memory_space<vmem>>
      %dma_start3A_371 = arith.constant 0 : i32
      %dma_start3A_372 = arith.constant 0 : i32
      %dma_start3A_373 = tpu.memref_slice %arg12[%dma_start3A_371, %dma_start3A_372] : memref<10240x32xf32, #tpu.memory_space<vmem_shared>> -> memref<10240x32xf32, #tpu.memory_space<vmem_shared>>
      %dma_start3A_374 = tpu.memref_slice %arg14[%dma_start3A_363] : memref<8x!tpu.dma_semaphore, #tpu.memory_space<semaphore_mem>> -> memref<1x!tpu.dma_semaphore, #tpu.memory_space<semaphore_mem>>
      %dma_start3A_375 = tpu.memref_squeeze %dma_start3A_374 : memref<1x!tpu.dma_semaphore, #tpu.memory_space<semaphore_mem>> -> memref<!tpu.dma_semaphore, #tpu.memory_space<semaphore_mem>>
      tpu.enqueue_indirect_dma source(%dma_start3A_367 : memref<125x32xf32, #tpu.memory_space<vmem>>) target(%dma_start3A_373 : memref<10240x32xf32, #tpu.memory_space<vmem_shared>>) offsets(%dma_start3A_370 : memref<125xi32, #tpu.memory_space<vmem>>) semaphore(%dma_start3A_375 : memref<!tpu.dma_semaphore, #tpu.memory_space<semaphore_mem>>) {add = true}
      %dma_wait3A_376 = arith.constant 7 : i32
      %dma_wait3A_377 = arith.constant 7 : i32
      %dma_wait3A_378 = arith.constant 0 : i32
      %dma_wait3A_379 = arith.constant 0 : i32
      %dma_wait3A_380 = tpu.memref_slice %arg11[%dma_wait3A_376, %dma_wait3A_378, %dma_wait3A_379] : memref<8x125x32xf32, #tpu.memory_space<vmem>> -> memref<1x125x32xf32, #tpu.memory_space<vmem>>
      %dma_wait3A_381 = tpu.memref_squeeze %dma_wait3A_380 : memref<1x125x32xf32, #tpu.memory_space<vmem>> -> memref<125x32xf32, #tpu.memory_space<vmem>>
      %dma_wait3A_382 = arith.constant 0 : i32
      %dma_wait3A_383 = tpu.memref_slice %arg9[%add3A_138, %dma_wait3A_382] : memref<80x125xi32, #tpu.memory_space<vmem>> -> memref<1x125xi32, #tpu.memory_space<vmem>>
      %dma_wait3A_384 = tpu.memref_squeeze %dma_wait3A_383 : memref<1x125xi32, #tpu.memory_space<vmem>> -> memref<125xi32, #tpu.memory_space<vmem>>
      %dma_wait3A_385 = arith.constant 0 : i32
      %dma_wait3A_386 = arith.constant 0 : i32
      %dma_wait3A_387 = tpu.memref_slice %arg4[%dma_wait3A_385, %dma_wait3A_386] : memref<40960x32xf32, #tpu.memory_space<hbm>> -> memref<40960x32xf32, #tpu.memory_space<hbm>>
      %dma_wait3A_388 = tpu.memref_slice %arg13[%dma_wait3A_377] : memref<8x!tpu.dma_semaphore, #tpu.memory_space<semaphore_mem>> -> memref<1x!tpu.dma_semaphore, #tpu.memory_space<semaphore_mem>>
      %dma_wait3A_389 = tpu.memref_squeeze %dma_wait3A_388 : memref<1x!tpu.dma_semaphore, #tpu.memory_space<semaphore_mem>> -> memref<!tpu.dma_semaphore, #tpu.memory_space<semaphore_mem>>
      tpu.wait_indirect_dma semaphore(%dma_wait3A_389 : memref<!tpu.dma_semaphore, #tpu.memory_space<semaphore_mem>>) src(%dma_wait3A_387 : memref<40960x32xf32, #tpu.memory_space<hbm>>) dst(%dma_wait3A_381 : memref<125x32xf32, #tpu.memory_space<vmem>>)
      %mul3A_390 = arith.constant 8 : i32
      %mul3A_391 = arith.muli %scan3A_9, %mul3A_390 : i32
      %add3A_392 = arith.constant 7 : i32
      %add3A_393 = arith.addi %mul3A_391, %add3A_392 : i32
      %dma_start3A_394 = arith.constant 7 : i32
      %dma_start3A_395 = arith.constant 7 : i32
      %dma_start3A_396 = arith.constant 0 : i32
      %dma_start3A_397 = arith.constant 0 : i32
      %dma_start3A_398 = tpu.memref_slice %arg11[%dma_start3A_394, %dma_start3A_396, %dma_start3A_397] : memref<8x125x32xf32, #tpu.memory_space<vmem>> -> memref<1x125x32xf32, #tpu.memory_space<vmem>>
      %dma_start3A_399 = tpu.memref_squeeze %dma_start3A_398 : memref<1x125x32xf32, #tpu.memory_space<vmem>> -> memref<125x32xf32, #tpu.memory_space<vmem>>
      %dma_start3A_400 = arith.constant 0 : i32
      %dma_start3A_401 = tpu.memref_slice %arg10[%add3A_393, %dma_start3A_400] : memref<80x125xi32, #tpu.memory_space<vmem>> -> memref<1x125xi32, #tpu.memory_space<vmem>>
      %dma_start3A_402 = tpu.memref_squeeze %dma_start3A_401 : memref<1x125xi32, #tpu.memory_space<vmem>> -> memref<125xi32, #tpu.memory_space<vmem>>
      %dma_start3A_403 = arith.constant 0 : i32
      %dma_start3A_404 = arith.constant 0 : i32
      %dma_start3A_405 = tpu.memref_slice %arg12[%dma_start3A_403, %dma_start3A_404] : memref<10240x32xf32, #tpu.memory_space<vmem_shared>> -> memref<10240x32xf32, #tpu.memory_space<vmem_shared>>
      %dma_start3A_406 = tpu.memref_slice %arg14[%dma_start3A_395] : memref<8x!tpu.dma_semaphore, #tpu.memory_space<semaphore_mem>> -> memref<1x!tpu.dma_semaphore, #tpu.memory_space<semaphore_mem>>
      %dma_start3A_407 = tpu.memref_squeeze %dma_start3A_406 : memref<1x!tpu.dma_semaphore, #tpu.memory_space<semaphore_mem>> -> memref<!tpu.dma_semaphore, #tpu.memory_space<semaphore_mem>>
      tpu.enqueue_indirect_dma source(%dma_start3A_399 : memref<125x32xf32, #tpu.memory_space<vmem>>) target(%dma_start3A_405 : memref<10240x32xf32, #tpu.memory_space<vmem_shared>>) offsets(%dma_start3A_402 : memref<125xi32, #tpu.memory_space<vmem>>) semaphore(%dma_start3A_407 : memref<!tpu.dma_semaphore, #tpu.memory_space<semaphore_mem>>) {add = true}
      %dma_wait3A_408 = arith.constant 0 : i32
      %dma_wait3A_409 = arith.constant 0 : i32
      %dma_wait3A_410 = arith.constant 0 : i32
      %dma_wait3A_411 = arith.constant 0 : i32
      %dma_wait3A_412 = tpu.memref_slice %arg11[%dma_wait3A_408, %dma_wait3A_410, %dma_wait3A_411] : memref<8x125x32xf32, #tpu.memory_space<vmem>> -> memref<1x125x32xf32, #tpu.memory_space<vmem>>
      %dma_wait3A_413 = tpu.memref_squeeze %dma_wait3A_412 : memref<1x125x32xf32, #tpu.memory_space<vmem>> -> memref<125x32xf32, #tpu.memory_space<vmem>>
      %dma_wait3A_414 = arith.constant 0 : i32
      %dma_wait3A_415 = tpu.memref_slice %arg10[%add3A_169, %dma_wait3A_414] : memref<80x125xi32, #tpu.memory_space<vmem>> -> memref<1x125xi32, #tpu.memory_space<vmem>>
      %dma_wait3A_416 = tpu.memref_squeeze %dma_wait3A_415 : memref<1x125xi32, #tpu.memory_space<vmem>> -> memref<125xi32, #tpu.memory_space<vmem>>
      %dma_wait3A_417 = arith.constant 0 : i32
      %dma_wait3A_418 = arith.constant 0 : i32
      %dma_wait3A_419 = tpu.memref_slice %arg12[%dma_wait3A_417, %dma_wait3A_418] : memref<10240x32xf32, #tpu.memory_space<vmem_shared>> -> memref<10240x32xf32, #tpu.memory_space<vmem_shared>>
      %dma_wait3A_420 = tpu.memref_slice %arg14[%dma_wait3A_409] : memref<8x!tpu.dma_semaphore, #tpu.memory_space<semaphore_mem>> -> memref<1x!tpu.dma_semaphore, #tpu.memory_space<semaphore_mem>>
      %dma_wait3A_421 = tpu.memref_squeeze %dma_wait3A_420 : memref<1x!tpu.dma_semaphore, #tpu.memory_space<semaphore_mem>> -> memref<!tpu.dma_semaphore, #tpu.memory_space<semaphore_mem>>
      tpu.wait_indirect_dma semaphore(%dma_wait3A_421 : memref<!tpu.dma_semaphore, #tpu.memory_space<semaphore_mem>>) src(%dma_wait3A_413 : memref<125x32xf32, #tpu.memory_space<vmem>>) dst(%dma_wait3A_419 : memref<10240x32xf32, #tpu.memory_space<vmem_shared>>)
      %dma_wait3A_422 = arith.constant 1 : i32
      %dma_wait3A_423 = arith.constant 1 : i32
      %dma_wait3A_424 = arith.constant 0 : i32
      %dma_wait3A_425 = arith.constant 0 : i32
      %dma_wait3A_426 = tpu.memref_slice %arg11[%dma_wait3A_422, %dma_wait3A_424, %dma_wait3A_425] : memref<8x125x32xf32, #tpu.memory_space<vmem>> -> memref<1x125x32xf32, #tpu.memory_space<vmem>>
      %dma_wait3A_427 = tpu.memref_squeeze %dma_wait3A_426 : memref<1x125x32xf32, #tpu.memory_space<vmem>> -> memref<125x32xf32, #tpu.memory_space<vmem>>
      %dma_wait3A_428 = arith.constant 0 : i32
      %dma_wait3A_429 = tpu.memref_slice %arg10[%add3A_201, %dma_wait3A_428] : memref<80x125xi32, #tpu.memory_space<vmem>> -> memref<1x125xi32, #tpu.memory_space<vmem>>
      %dma_wait3A_430 = tpu.memref_squeeze %dma_wait3A_429 : memref<1x125xi32, #tpu.memory_space<vmem>> -> memref<125xi32, #tpu.memory_space<vmem>>
      %dma_wait3A_431 = arith.constant 0 : i32
      %dma_wait3A_432 = arith.constant 0 : i32
      %dma_wait3A_433 = tpu.memref_slice %arg12[%dma_wait3A_431, %dma_wait3A_432] : memref<10240x32xf32, #tpu.memory_space<vmem_shared>> -> memref<10240x32xf32, #tpu.memory_space<vmem_shared>>
      %dma_wait3A_434 = tpu.memref_slice %arg14[%dma_wait3A_423] : memref<8x!tpu.dma_semaphore, #tpu.memory_space<semaphore_mem>> -> memref<1x!tpu.dma_semaphore, #tpu.memory_space<semaphore_mem>>
      %dma_wait3A_435 = tpu.memref_squeeze %dma_wait3A_434 : memref<1x!tpu.dma_semaphore, #tpu.memory_space<semaphore_mem>> -> memref<!tpu.dma_semaphore, #tpu.memory_space<semaphore_mem>>
      tpu.wait_indirect_dma semaphore(%dma_wait3A_435 : memref<!tpu.dma_semaphore, #tpu.memory_space<semaphore_mem>>) src(%dma_wait3A_427 : memref<125x32xf32, #tpu.memory_space<vmem>>) dst(%dma_wait3A_433 : memref<10240x32xf32, #tpu.memory_space<vmem_shared>>)
      %dma_wait3A_436 = arith.constant 2 : i32
      %dma_wait3A_437 = arith.constant 2 : i32
      %dma_wait3A_438 = arith.constant 0 : i32
      %dma_wait3A_439 = arith.constant 0 : i32
      %dma_wait3A_440 = tpu.memref_slice %arg11[%dma_wait3A_436, %dma_wait3A_438, %dma_wait3A_439] : memref<8x125x32xf32, #tpu.memory_space<vmem>> -> memref<1x125x32xf32, #tpu.memory_space<vmem>>
      %dma_wait3A_441 = tpu.memref_squeeze %dma_wait3A_440 : memref<1x125x32xf32, #tpu.memory_space<vmem>> -> memref<125x32xf32, #tpu.memory_space<vmem>>
      %dma_wait3A_442 = arith.constant 0 : i32
      %dma_wait3A_443 = tpu.memref_slice %arg10[%add3A_233, %dma_wait3A_442] : memref<80x125xi32, #tpu.memory_space<vmem>> -> memref<1x125xi32, #tpu.memory_space<vmem>>
      %dma_wait3A_444 = tpu.memref_squeeze %dma_wait3A_443 : memref<1x125xi32, #tpu.memory_space<vmem>> -> memref<125xi32, #tpu.memory_space<vmem>>
      %dma_wait3A_445 = arith.constant 0 : i32
      %dma_wait3A_446 = arith.constant 0 : i32
      %dma_wait3A_447 = tpu.memref_slice %arg12[%dma_wait3A_445, %dma_wait3A_446] : memref<10240x32xf32, #tpu.memory_space<vmem_shared>> -> memref<10240x32xf32, #tpu.memory_space<vmem_shared>>
      %dma_wait3A_448 = tpu.memref_slice %arg14[%dma_wait3A_437] : memref<8x!tpu.dma_semaphore, #tpu.memory_space<semaphore_mem>> -> memref<1x!tpu.dma_semaphore, #tpu.memory_space<semaphore_mem>>
      %dma_wait3A_449 = tpu.memref_squeeze %dma_wait3A_448 : memref<1x!tpu.dma_semaphore, #tpu.memory_space<semaphore_mem>> -> memref<!tpu.dma_semaphore, #tpu.memory_space<semaphore_mem>>
      tpu.wait_indirect_dma semaphore(%dma_wait3A_449 : memref<!tpu.dma_semaphore, #tpu.memory_space<semaphore_mem>>) src(%dma_wait3A_441 : memref<125x32xf32, #tpu.memory_space<vmem>>) dst(%dma_wait3A_447 : memref<10240x32xf32, #tpu.memory_space<vmem_shared>>)
      %dma_wait3A_450 = arith.constant 3 : i32
      %dma_wait3A_451 = arith.constant 3 : i32
      %dma_wait3A_452 = arith.constant 0 : i32
      %dma_wait3A_453 = arith.constant 0 : i32
      %dma_wait3A_454 = tpu.memref_slice %arg11[%dma_wait3A_450, %dma_wait3A_452, %dma_wait3A_453] : memref<8x125x32xf32, #tpu.memory_space<vmem>> -> memref<1x125x32xf32, #tpu.memory_space<vmem>>
      %dma_wait3A_455 = tpu.memref_squeeze %dma_wait3A_454 : memref<1x125x32xf32, #tpu.memory_space<vmem>> -> memref<125x32xf32, #tpu.memory_space<vmem>>
      %dma_wait3A_456 = arith.constant 0 : i32
      %dma_wait3A_457 = tpu.memref_slice %arg10[%add3A_265, %dma_wait3A_456] : memref<80x125xi32, #tpu.memory_space<vmem>> -> memref<1x125xi32, #tpu.memory_space<vmem>>
      %dma_wait3A_458 = tpu.memref_squeeze %dma_wait3A_457 : memref<1x125xi32, #tpu.memory_space<vmem>> -> memref<125xi32, #tpu.memory_space<vmem>>
      %dma_wait3A_459 = arith.constant 0 : i32
      %dma_wait3A_460 = arith.constant 0 : i32
      %dma_wait3A_461 = tpu.memref_slice %arg12[%dma_wait3A_459, %dma_wait3A_460] : memref<10240x32xf32, #tpu.memory_space<vmem_shared>> -> memref<10240x32xf32, #tpu.memory_space<vmem_shared>>
      %dma_wait3A_462 = tpu.memref_slice %arg14[%dma_wait3A_451] : memref<8x!tpu.dma_semaphore, #tpu.memory_space<semaphore_mem>> -> memref<1x!tpu.dma_semaphore, #tpu.memory_space<semaphore_mem>>
      %dma_wait3A_463 = tpu.memref_squeeze %dma_wait3A_462 : memref<1x!tpu.dma_semaphore, #tpu.memory_space<semaphore_mem>> -> memref<!tpu.dma_semaphore, #tpu.memory_space<semaphore_mem>>
      tpu.wait_indirect_dma semaphore(%dma_wait3A_463 : memref<!tpu.dma_semaphore, #tpu.memory_space<semaphore_mem>>) src(%dma_wait3A_455 : memref<125x32xf32, #tpu.memory_space<vmem>>) dst(%dma_wait3A_461 : memref<10240x32xf32, #tpu.memory_space<vmem_shared>>)
      %dma_wait3A_464 = arith.constant 4 : i32
      %dma_wait3A_465 = arith.constant 4 : i32
      %dma_wait3A_466 = arith.constant 0 : i32
      %dma_wait3A_467 = arith.constant 0 : i32
      %dma_wait3A_468 = tpu.memref_slice %arg11[%dma_wait3A_464, %dma_wait3A_466, %dma_wait3A_467] : memref<8x125x32xf32, #tpu.memory_space<vmem>> -> memref<1x125x32xf32, #tpu.memory_space<vmem>>
      %dma_wait3A_469 = tpu.memref_squeeze %dma_wait3A_468 : memref<1x125x32xf32, #tpu.memory_space<vmem>> -> memref<125x32xf32, #tpu.memory_space<vmem>>
      %dma_wait3A_470 = arith.constant 0 : i32
      %dma_wait3A_471 = tpu.memref_slice %arg10[%add3A_297, %dma_wait3A_470] : memref<80x125xi32, #tpu.memory_space<vmem>> -> memref<1x125xi32, #tpu.memory_space<vmem>>
      %dma_wait3A_472 = tpu.memref_squeeze %dma_wait3A_471 : memref<1x125xi32, #tpu.memory_space<vmem>> -> memref<125xi32, #tpu.memory_space<vmem>>
      %dma_wait3A_473 = arith.constant 0 : i32
      %dma_wait3A_474 = arith.constant 0 : i32
      %dma_wait3A_475 = tpu.memref_slice %arg12[%dma_wait3A_473, %dma_wait3A_474] : memref<10240x32xf32, #tpu.memory_space<vmem_shared>> -> memref<10240x32xf32, #tpu.memory_space<vmem_shared>>
      %dma_wait3A_476 = tpu.memref_slice %arg14[%dma_wait3A_465] : memref<8x!tpu.dma_semaphore, #tpu.memory_space<semaphore_mem>> -> memref<1x!tpu.dma_semaphore, #tpu.memory_space<semaphore_mem>>
      %dma_wait3A_477 = tpu.memref_squeeze %dma_wait3A_476 : memref<1x!tpu.dma_semaphore, #tpu.memory_space<semaphore_mem>> -> memref<!tpu.dma_semaphore, #tpu.memory_space<semaphore_mem>>
      tpu.wait_indirect_dma semaphore(%dma_wait3A_477 : memref<!tpu.dma_semaphore, #tpu.memory_space<semaphore_mem>>) src(%dma_wait3A_469 : memref<125x32xf32, #tpu.memory_space<vmem>>) dst(%dma_wait3A_475 : memref<10240x32xf32, #tpu.memory_space<vmem_shared>>)
      %dma_wait3A_478 = arith.constant 5 : i32
      %dma_wait3A_479 = arith.constant 5 : i32
      %dma_wait3A_480 = arith.constant 0 : i32
      %dma_wait3A_481 = arith.constant 0 : i32
      %dma_wait3A_482 = tpu.memref_slice %arg11[%dma_wait3A_478, %dma_wait3A_480, %dma_wait3A_481] : memref<8x125x32xf32, #tpu.memory_space<vmem>> -> memref<1x125x32xf32, #tpu.memory_space<vmem>>
      %dma_wait3A_483 = tpu.memref_squeeze %dma_wait3A_482 : memref<1x125x32xf32, #tpu.memory_space<vmem>> -> memref<125x32xf32, #tpu.memory_space<vmem>>
      %dma_wait3A_484 = arith.constant 0 : i32
      %dma_wait3A_485 = tpu.memref_slice %arg10[%add3A_329, %dma_wait3A_484] : memref<80x125xi32, #tpu.memory_space<vmem>> -> memref<1x125xi32, #tpu.memory_space<vmem>>
      %dma_wait3A_486 = tpu.memref_squeeze %dma_wait3A_485 : memref<1x125xi32, #tpu.memory_space<vmem>> -> memref<125xi32, #tpu.memory_space<vmem>>
      %dma_wait3A_487 = arith.constant 0 : i32
      %dma_wait3A_488 = arith.constant 0 : i32
      %dma_wait3A_489 = tpu.memref_slice %arg12[%dma_wait3A_487, %dma_wait3A_488] : memref<10240x32xf32, #tpu.memory_space<vmem_shared>> -> memref<10240x32xf32, #tpu.memory_space<vmem_shared>>
      %dma_wait3A_490 = tpu.memref_slice %arg14[%dma_wait3A_479] : memref<8x!tpu.dma_semaphore, #tpu.memory_space<semaphore_mem>> -> memref<1x!tpu.dma_semaphore, #tpu.memory_space<semaphore_mem>>
      %dma_wait3A_491 = tpu.memref_squeeze %dma_wait3A_490 : memref<1x!tpu.dma_semaphore, #tpu.memory_space<semaphore_mem>> -> memref<!tpu.dma_semaphore, #tpu.memory_space<semaphore_mem>>
      tpu.wait_indirect_dma semaphore(%dma_wait3A_491 : memref<!tpu.dma_semaphore, #tpu.memory_space<semaphore_mem>>) src(%dma_wait3A_483 : memref<125x32xf32, #tpu.memory_space<vmem>>) dst(%dma_wait3A_489 : memref<10240x32xf32, #tpu.memory_space<vmem_shared>>)
      %dma_wait3A_492 = arith.constant 6 : i32
      %dma_wait3A_493 = arith.constant 6 : i32
      %dma_wait3A_494 = arith.constant 0 : i32
      %dma_wait3A_495 = arith.constant 0 : i32
      %dma_wait3A_496 = tpu.memref_slice %arg11[%dma_wait3A_492, %dma_wait3A_494, %dma_wait3A_495] : memref<8x125x32xf32, #tpu.memory_space<vmem>> -> memref<1x125x32xf32, #tpu.memory_space<vmem>>
      %dma_wait3A_497 = tpu.memref_squeeze %dma_wait3A_496 : memref<1x125x32xf32, #tpu.memory_space<vmem>> -> memref<125x32xf32, #tpu.memory_space<vmem>>
      %dma_wait3A_498 = arith.constant 0 : i32
      %dma_wait3A_499 = tpu.memref_slice %arg10[%add3A_361, %dma_wait3A_498] : memref<80x125xi32, #tpu.memory_space<vmem>> -> memref<1x125xi32, #tpu.memory_space<vmem>>
      %dma_wait3A_500 = tpu.memref_squeeze %dma_wait3A_499 : memref<1x125xi32, #tpu.memory_space<vmem>> -> memref<125xi32, #tpu.memory_space<vmem>>
      %dma_wait3A_501 = arith.constant 0 : i32
      %dma_wait3A_502 = arith.constant 0 : i32
      %dma_wait3A_503 = tpu.memref_slice %arg12[%dma_wait3A_501, %dma_wait3A_502] : memref<10240x32xf32, #tpu.memory_space<vmem_shared>> -> memref<10240x32xf32, #tpu.memory_space<vmem_shared>>
      %dma_wait3A_504 = tpu.memref_slice %arg14[%dma_wait3A_493] : memref<8x!tpu.dma_semaphore, #tpu.memory_space<semaphore_mem>> -> memref<1x!tpu.dma_semaphore, #tpu.memory_space<semaphore_mem>>
      %dma_wait3A_505 = tpu.memref_squeeze %dma_wait3A_504 : memref<1x!tpu.dma_semaphore, #tpu.memory_space<semaphore_mem>> -> memref<!tpu.dma_semaphore, #tpu.memory_space<semaphore_mem>>
      tpu.wait_indirect_dma semaphore(%dma_wait3A_505 : memref<!tpu.dma_semaphore, #tpu.memory_space<semaphore_mem>>) src(%dma_wait3A_497 : memref<125x32xf32, #tpu.memory_space<vmem>>) dst(%dma_wait3A_503 : memref<10240x32xf32, #tpu.memory_space<vmem_shared>>)
      %dma_wait3A_506 = arith.constant 7 : i32
      %dma_wait3A_507 = arith.constant 7 : i32
      %dma_wait3A_508 = arith.constant 0 : i32
      %dma_wait3A_509 = arith.constant 0 : i32
      %dma_wait3A_510 = tpu.memref_slice %arg11[%dma_wait3A_506, %dma_wait3A_508, %dma_wait3A_509] : memref<8x125x32xf32, #tpu.memory_space<vmem>> -> memref<1x125x32xf32, #tpu.memory_space<vmem>>
      %dma_wait3A_511 = tpu.memref_squeeze %dma_wait3A_510 : memref<1x125x32xf32, #tpu.memory_space<vmem>> -> memref<125x32xf32, #tpu.memory_space<vmem>>
      %dma_wait3A_512 = arith.constant 0 : i32
      %dma_wait3A_513 = tpu.memref_slice %arg10[%add3A_393, %dma_wait3A_512] : memref<80x125xi32, #tpu.memory_space<vmem>> -> memref<1x125xi32, #tpu.memory_space<vmem>>
      %dma_wait3A_514 = tpu.memref_squeeze %dma_wait3A_513 : memref<1x125xi32, #tpu.memory_space<vmem>> -> memref<125xi32, #tpu.memory_space<vmem>>
      %dma_wait3A_515 = arith.constant 0 : i32
      %dma_wait3A_516 = arith.constant 0 : i32
      %dma_wait3A_517 = tpu.memref_slice %arg12[%dma_wait3A_515, %dma_wait3A_516] : memref<10240x32xf32, #tpu.memory_space<vmem_shared>> -> memref<10240x32xf32, #tpu.memory_space<vmem_shared>>
      %dma_wait3A_518 = tpu.memref_slice %arg14[%dma_wait3A_507] : memref<8x!tpu.dma_semaphore, #tpu.memory_space<semaphore_mem>> -> memref<1x!tpu.dma_semaphore, #tpu.memory_space<semaphore_mem>>
      %dma_wait3A_519 = tpu.memref_squeeze %dma_wait3A_518 : memref<1x!tpu.dma_semaphore, #tpu.memory_space<semaphore_mem>> -> memref<!tpu.dma_semaphore, #tpu.memory_space<semaphore_mem>>
      tpu.wait_indirect_dma semaphore(%dma_wait3A_519 : memref<!tpu.dma_semaphore, #tpu.memory_space<semaphore_mem>>) src(%dma_wait3A_511 : memref<125x32xf32, #tpu.memory_space<vmem>>) dst(%dma_wait3A_517 : memref<10240x32xf32, #tpu.memory_space<vmem_shared>>)
    }
    %scan3A_7 = arith.constant 10 : i32
    %barrier3A_8 = arith.constant 0 : index
    tpu.barrier barrier_id(%barrier3A_8)
    "tpu.region"() ({
      %run_scoped3A = tpu.sem_alloc : memref<!tpu.dma_semaphore, #tpu.memory_space<semaphore_mem>>
      %dma_start3A = arith.constant 0 : i32
      %dma_start3A_9 = tpu.memref_slice %arg8[%arg0, %mul3A_2, %dma_start3A] : memref<2x10240x32xf32, #tpu.memory_space<hbm>> -> memref<1x640x32xf32, #tpu.memory_space<hbm>>
      %dma_start3A_10 = tpu.memref_squeeze %dma_start3A_9 : memref<1x640x32xf32, #tpu.memory_space<hbm>> -> memref<640x32xf32, #tpu.memory_space<hbm>>
      %dma_start3A_11 = arith.constant 0 : i32
      %dma_start3A_12 = tpu.memref_slice %arg12[%mul3A_2, %dma_start3A_11] : memref<10240x32xf32, #tpu.memory_space<vmem_shared>> -> memref<640x32xf32, #tpu.memory_space<vmem_shared>>
      tpu.enqueue_dma source(%dma_start3A_12 : memref<640x32xf32, #tpu.memory_space<vmem_shared>>) target(%dma_start3A_10 : memref<640x32xf32, #tpu.memory_space<hbm>>) target_semaphore(%run_scoped3A : memref<!tpu.dma_semaphore, #tpu.memory_space<semaphore_mem>>)
      %dma_wait3A = arith.constant 0 : i32
      %dma_wait3A_13 = tpu.memref_slice %arg8[%arg0, %mul3A_2, %dma_wait3A] : memref<2x10240x32xf32, #tpu.memory_space<hbm>> -> memref<1x640x32xf32, #tpu.memory_space<hbm>>
      %dma_wait3A_14 = tpu.memref_squeeze %dma_wait3A_13 : memref<1x640x32xf32, #tpu.memory_space<hbm>> -> memref<640x32xf32, #tpu.memory_space<hbm>>
      %dma_wait3A_15 = arith.constant 0 : i32
      %dma_wait3A_16 = tpu.memref_slice %arg12[%mul3A_2, %dma_wait3A_15] : memref<10240x32xf32, #tpu.memory_space<vmem_shared>> -> memref<640x32xf32, #tpu.memory_space<vmem_shared>>
      tpu.wait_dma2 semaphore(%run_scoped3A : memref<!tpu.dma_semaphore, #tpu.memory_space<semaphore_mem>>) src(%dma_wait3A_16 : memref<640x32xf32, #tpu.memory_space<vmem_shared>>) dst(%dma_wait3A_14 : memref<640x32xf32, #tpu.memory_space<hbm>>)
      tpu.yield
    }) : () -> ()
    return
  }
}

module attributes {stable_mosaic.version = 14 : i64} {
  func.func @body(%arg0: memref<10000x128xf32, #tpu.memory_space<vmem>>, %arg1: memref<32x128xf32, #tpu.memory_space<vmem>>, %arg2: memref<32x128xf32, #tpu.memory_space<vmem>>, %arg3: memref<1x32xf32, #tpu.memory_space<vmem>>, %arg4: memref<10240x128xf32, #tpu.memory_space<vmem>>, %arg5: memref<10240x32xf32, #tpu.memory_space<vmem>>) attributes {dimension_semantics = [], scalar_prefetch = 0 : i64, scratch_operands = 0 : i64, tpu.core_type = #tpu.core_type<tc>} {
    %get3A = arith.constant 0 : index
    %get3A_0 = arith.constant 0 : index
    %get3A_1 = vector.load %arg0[%get3A, %get3A_0] : memref<10000x128xf32, #tpu.memory_space<vmem>>, vector<10000x128xf32>
    %get3A_2 = arith.constant 0 : index
    %get3A_3 = arith.constant 0 : index
    %get3A_4 = vector.load %arg1[%get3A_2, %get3A_3] : memref<32x128xf32, #tpu.memory_space<vmem>>, vector<32x128xf32>
    %dot_general3A = arith.constant dense<0.000000e+00> : vector<10000x32xf32>
    %dot_general3A_5 = tpu.matmul %get3A_1, %get3A_4, %dot_general3A {dimension_numbers = #tpu.dot_dimension_numbers<[1], [1], [0], [0], [0, 0, 1, 0], [], []>, transpose_lhs_hint = false} : vector<10000x128xf32>, vector<32x128xf32>, vector<10000x32xf32> -> vector<10000x32xf32>
    %swap3A = arith.constant 0 : index
    %swap3A_6 = arith.constant 0 : index
    %swap3A_7 = vector.load %arg4[%swap3A, %swap3A_6] : memref<10240x128xf32, #tpu.memory_space<vmem>>, vector<10000x32xf32>
    tpu.vector_store %arg4[%swap3A, %swap3A_6], %dot_general3A_5 {strides = array<i32>} : memref<10240x128xf32, #tpu.memory_space<vmem>>, vector<10000x32xf32>,
    %get3A_8 = arith.constant 0 : index
    %get3A_9 = arith.constant 0 : index
    %get3A_10 = vector.load %arg2[%get3A_8, %get3A_9] : memref<32x128xf32, #tpu.memory_space<vmem>>, vector<32x128xf32>
    %dot_general3A_11 = arith.constant dense<0.000000e+00> : vector<10000x32xf32>
    %dot_general3A_12 = tpu.matmul %get3A_1, %get3A_10, %dot_general3A_11 {dimension_numbers = #tpu.dot_dimension_numbers<[1], [1], [0], [0], [0, 0, 1, 0], [], []>, transpose_lhs_hint = false} : vector<10000x128xf32>, vector<32x128xf32>, vector<10000x32xf32> -> vector<10000x32xf32>
    %get3A_13 = arith.constant 0 : index
    %get3A_14 = arith.constant 0 : index
    %get3A_15 = vector.load %arg3[%get3A_13, %get3A_14] : memref<1x32xf32, #tpu.memory_space<vmem>>, vector<1x32xf32>
    %add3A = vector.broadcast %get3A_15 : vector<1x32xf32> to vector<10000x32xf32>
    %add3A_16 = arith.addf %dot_general3A_12, %add3A : vector<10000x32xf32>
    %swap3A_17 = arith.constant 0 : index
    %swap3A_18 = arith.constant 0 : index
    %swap3A_19 = vector.load %arg5[%swap3A_17, %swap3A_18] : memref<10240x32xf32, #tpu.memory_space<vmem>>, vector<10000x32xf32>
    tpu.vector_store %arg5[%swap3A_17, %swap3A_18], %add3A_16 {strides = array<i32>} : memref<10240x32xf32, #tpu.memory_space<vmem>>, vector<10000x32xf32>,
    return
  }
}

module attributes {stable_mosaic.version = 14 : i64} {
  func.func @body(%arg0: i32, %arg1: memref<2x320x128xf32, #tpu.memory_space<vmem>>, %arg2: memref<2x320x128xf32, #tpu.memory_space<vmem>>, %arg3: memref<1280x32xf32, #tpu.memory_space<vmem>>, %arg4: memref<32x32xf32, #tpu.memory_space<vmem>>, %arg5: memref<32x32xf32, #tpu.memory_space<vmem>>, %arg6: memref<1x32xf32, #tpu.memory_space<vmem>>, %arg7: memref<1280x128xf32, #tpu.memory_space<vmem>>, %arg8: memref<1280x32xf32, #tpu.memory_space<vmem>>) attributes {dimension_semantics = [#tpu.dimension_semantics<arbitrary>], iteration_bounds = array<i64: 8>, scalar_prefetch = 0 : i64, scratch_operands = 0 : i64, tpu.core_type = #tpu.core_type<tc>, window_params = [{transform_indices = @transform_0, window_bounds = array<i64: 2, 320, 128>}, {transform_indices = @transform_1, window_bounds = array<i64: 2, 320, 128>}, {transform_indices = @transform_2, window_bounds = array<i64: 1280, 32>}, {pipeline_mode = #tpu.pipeline_mode<synchronous>, transform_indices = @transform_3, window_bounds = array<i64: 32, 32>}, {pipeline_mode = #tpu.pipeline_mode<synchronous>, transform_indices = @transform_4, window_bounds = array<i64: 32, 32>}, {pipeline_mode = #tpu.pipeline_mode<synchronous>, transform_indices = @transform_5, window_bounds = array<i64: 1, 32>}, {transform_indices = @transform_6, window_bounds = array<i64: 1280, 128>}, {transform_indices = @transform_7, window_bounds = array<i64: 1280, 32>}]} {
    %get3A = arith.constant 0 : index
    %get3A_0 = arith.constant 0 : index
    %get3A_1 = arith.constant 0 : index
    %get3A_2 = vector.load %arg1[%get3A, %get3A_0, %get3A_1] : memref<2x320x128xf32, #tpu.memory_space<vmem>>, vector<2x320x128xf32>
    %get3A_3 = arith.constant 0 : index
    %get3A_4 = arith.constant 0 : index
    %get3A_5 = arith.constant 0 : index
    %get3A_6 = vector.load %arg2[%get3A_3, %get3A_4, %get3A_5] : memref<2x320x128xf32, #tpu.memory_space<vmem>>, vector<2x320x128xf32>
    %get3A_7 = arith.constant 0 : index
    %get3A_8 = arith.constant 0 : index
    %get3A_9 = vector.load %arg3[%get3A_7, %get3A_8] : memref<1280x32xf32, #tpu.memory_space<vmem>>, vector<1280x32xf32>
    %slice3A = vector.extract_strided_slice %get3A_2 {offsets = [0, 0, 0], sizes = [1, 320, 128], strides = [1, 1, 1]} : vector<2x320x128xf32> to vector<1x320x128xf32>
    %squeeze3A = vector.shape_cast %slice3A : vector<1x320x128xf32> to vector<320x128xf32>
    %slice3A_10 = vector.extract_strided_slice %get3A_2 {offsets = [1, 0, 0], sizes = [1, 320, 128], strides = [1, 1, 1]} : vector<2x320x128xf32> to vector<1x320x128xf32>
    %squeeze3A_11 = vector.shape_cast %slice3A_10 : vector<1x320x128xf32> to vector<320x128xf32>
    %add3A = arith.addf %squeeze3A, %squeeze3A_11 : vector<320x128xf32>
    %slice3A_12 = vector.extract_strided_slice %get3A_6 {offsets = [0, 0, 0], sizes = [1, 320, 128], strides = [1, 1, 1]} : vector<2x320x128xf32> to vector<1x320x128xf32>
    %squeeze3A_13 = vector.shape_cast %slice3A_12 : vector<1x320x128xf32> to vector<320x128xf32>
    %slice3A_14 = vector.extract_strided_slice %get3A_6 {offsets = [1, 0, 0], sizes = [1, 320, 128], strides = [1, 1, 1]} : vector<2x320x128xf32> to vector<1x320x128xf32>
    %squeeze3A_15 = vector.shape_cast %slice3A_14 : vector<1x320x128xf32> to vector<320x128xf32>
    %add3A_16 = arith.addf %squeeze3A_13, %squeeze3A_15 : vector<320x128xf32>
    %max3A = arith.constant 1.000000e+00 : f32
    %max3A_17 = vector.broadcast %max3A : f32 to vector<320x128xf32>
    %max3A_18 = arith.maximumf %add3A_16, %max3A_17 : vector<320x128xf32>
    %div3A = arith.divf %add3A, %max3A_18 : vector<320x128xf32>
    %slice3A_19 = vector.extract_strided_slice %div3A {offsets = [0, 0], sizes = [320, 32], strides = [1, 1]} : vector<320x128xf32> to vector<320x32xf32>
    %slice3A_20 = vector.extract_strided_slice %div3A {offsets = [0, 32], sizes = [320, 32], strides = [1, 1]} : vector<320x128xf32> to vector<320x32xf32>
    %slice3A_21 = vector.extract_strided_slice %div3A {offsets = [0, 64], sizes = [320, 32], strides = [1, 1]} : vector<320x128xf32> to vector<320x32xf32>
    %slice3A_22 = vector.extract_strided_slice %div3A {offsets = [0, 96], sizes = [320, 32], strides = [1, 1]} : vector<320x128xf32> to vector<320x32xf32>
    %stack3A = vector.shape_cast %slice3A_19 : vector<320x32xf32> to vector<320x1x32xf32>
    %stack3A_23 = vector.shape_cast %slice3A_20 : vector<320x32xf32> to vector<320x1x32xf32>
    %stack3A_24 = vector.shape_cast %slice3A_21 : vector<320x32xf32> to vector<320x1x32xf32>
    %stack3A_25 = vector.shape_cast %slice3A_22 : vector<320x32xf32> to vector<320x1x32xf32>
    %stack3A_26 = tpu.concatenate %stack3A, %stack3A_23, %stack3A_24, %stack3A_25 in 1 : vector<320x1x32xf32>, vector<320x1x32xf32>, vector<320x1x32xf32>, vector<320x1x32xf32> -> vector<320x4x32xf32>
    %reshape3A = vector.shape_cast %stack3A_26 : vector<320x4x32xf32> to vector<1280x32xf32>
    %add3A_27 = arith.addf %reshape3A, %get3A_9 : vector<1280x32xf32>
    %mul3A = arith.mulf %add3A_27, %add3A_27 : vector<1280x32xf32>
    %reduce_sum3A = arith.constant dense<0.000000e+00> : vector<1280xf32>
    %reduce_sum3A_28 = vector.multi_reduction <add>, %mul3A, %reduce_sum3A [1] : vector<1280x32xf32> to vector<1280xf32>
    %broadcast_in_dim3A = vector.shape_cast %reduce_sum3A_28 : vector<1280xf32> to vector<1280x1xf32>
    %sqrt3A = math.sqrt %broadcast_in_dim3A : vector<1280x1xf32>
    %max3A_29 = arith.constant 9.99999996E-13 : f32
    %max3A_30 = vector.broadcast %max3A_29 : f32 to vector<1280x1xf32>
    %max3A_31 = arith.maximumf %sqrt3A, %max3A_30 : vector<1280x1xf32>
    %div3A_32 = vector.broadcast %max3A_31 : vector<1280x1xf32> to vector<1280x32xf32>
    %div3A_33 = arith.divf %add3A_27, %div3A_32 : vector<1280x32xf32>
    %max3A_34 = arith.constant 0.000000e+00 : f32
    %max3A_35 = vector.broadcast %max3A_34 : f32 to vector<1280x32xf32>
    %max3A_36 = arith.maximumf %div3A_33, %max3A_35 : vector<1280x32xf32>
    %get3A_37 = arith.constant 0 : index
    %get3A_38 = arith.constant 0 : index
    %get3A_39 = vector.load %arg4[%get3A_37, %get3A_38] : memref<32x32xf32, #tpu.memory_space<vmem>>, vector<32x32xf32>
    %dot_general3A = arith.constant dense<0.000000e+00> : vector<1280x32xf32>
    %dot_general3A_40 = tpu.matmul %max3A_36, %get3A_39, %dot_general3A {dimension_numbers = #tpu.dot_dimension_numbers<[1], [1], [0], [0], [0, 0, 1, 0], [], []>, transpose_lhs_hint = false} : vector<1280x32xf32>, vector<32x32xf32>, vector<1280x32xf32> -> vector<1280x32xf32>
    %swap3A = arith.constant 0 : index
    %swap3A_41 = arith.constant 0 : index
    %swap3A_42 = vector.load %arg7[%swap3A, %swap3A_41] : memref<1280x128xf32, #tpu.memory_space<vmem>>, vector<1280x32xf32>
    tpu.vector_store %arg7[%swap3A, %swap3A_41], %dot_general3A_40 {strides = array<i32>} : memref<1280x128xf32, #tpu.memory_space<vmem>>, vector<1280x32xf32>,
    %get3A_43 = arith.constant 0 : index
    %get3A_44 = arith.constant 0 : index
    %get3A_45 = vector.load %arg5[%get3A_43, %get3A_44] : memref<32x32xf32, #tpu.memory_space<vmem>>, vector<32x32xf32>
    %dot_general3A_46 = arith.constant dense<0.000000e+00> : vector<1280x32xf32>
    %dot_general3A_47 = tpu.matmul %max3A_36, %get3A_45, %dot_general3A_46 {dimension_numbers = #tpu.dot_dimension_numbers<[1], [1], [0], [0], [0, 0, 1, 0], [], []>, transpose_lhs_hint = false} : vector<1280x32xf32>, vector<32x32xf32>, vector<1280x32xf32> -> vector<1280x32xf32>
    %get3A_48 = arith.constant 0 : index
    %get3A_49 = arith.constant 0 : index
    %get3A_50 = vector.load %arg6[%get3A_48, %get3A_49] : memref<1x32xf32, #tpu.memory_space<vmem>>, vector<1x32xf32>
    %add3A_51 = vector.broadcast %get3A_50 : vector<1x32xf32> to vector<1280x32xf32>
    %add3A_52 = arith.addf %dot_general3A_47, %add3A_51 : vector<1280x32xf32>
    %swap3A_53 = arith.constant 0 : index
    %swap3A_54 = arith.constant 0 : index
    %swap3A_55 = vector.load %arg8[%swap3A_53, %swap3A_54] : memref<1280x32xf32, #tpu.memory_space<vmem>>, vector<1280x32xf32>
    tpu.vector_store %arg8[%swap3A_53, %swap3A_54], %add3A_52 {strides = array<i32>} : memref<1280x32xf32, #tpu.memory_space<vmem>>, vector<1280x32xf32>,
    return
  }
  func.func @transform_0(%arg0: i32) -> (i32, i32, i32) {
    %c0_i32 = arith.constant 0 : i32
    %c0_i32_0 = arith.constant 0 : i32
    %c0_i32_1 = arith.constant 0 : i32
    return %c0_i32, %arg0, %c0_i32_0 : i32, i32, i32
  }
  func.func @transform_1(%arg0: i32) -> (i32, i32, i32) {
    %c0_i32 = arith.constant 0 : i32
    %c0_i32_0 = arith.constant 0 : i32
    %c0_i32_1 = arith.constant 0 : i32
    return %c0_i32, %arg0, %c0_i32_0 : i32, i32, i32
  }
  func.func @transform_2(%arg0: i32) -> (i32, i32) {
    %c0_i32 = arith.constant 0 : i32
    %c0_i32_0 = arith.constant 0 : i32
    return %arg0, %c0_i32 : i32, i32
  }
  func.func @transform_3(%arg0: i32) -> (i32, i32) {
    %c0_i32 = arith.constant 0 : i32
    %c0_i32_0 = arith.constant 0 : i32
    %c0_i32_1 = arith.constant 0 : i32
    return %c0_i32, %c0_i32_0 : i32, i32
  }
  func.func @transform_4(%arg0: i32) -> (i32, i32) {
    %c0_i32 = arith.constant 0 : i32
    %c0_i32_0 = arith.constant 0 : i32
    %c0_i32_1 = arith.constant 0 : i32
    return %c0_i32, %c0_i32_0 : i32, i32
  }
  func.func @transform_5(%arg0: i32) -> (i32, i32) {
    %c0_i32 = arith.constant 0 : i32
    %c0_i32_0 = arith.constant 0 : i32
    %c0_i32_1 = arith.constant 0 : i32
    return %c0_i32, %c0_i32_0 : i32, i32
  }
  func.func @transform_6(%arg0: i32) -> (i32, i32) {
    %c0_i32 = arith.constant 0 : i32
    %c0_i32_0 = arith.constant 0 : i32
    return %arg0, %c0_i32 : i32, i32
  }
  func.func @transform_7(%arg0: i32) -> (i32, i32) {
    %c0_i32 = arith.constant 0 : i32
    %c0_i32_0 = arith.constant 0 : i32
    return %arg0, %c0_i32 : i32, i32
  }
}

module attributes {stable_mosaic.version = 14 : i64} {
  func.func @body(%arg0: i32, %arg1: memref<2x320x128xf32, #tpu.memory_space<vmem>>, %arg2: memref<2x320x128xf32, #tpu.memory_space<vmem>>, %arg3: memref<1280x32xf32, #tpu.memory_space<vmem>>, %arg4: memref<40x32xf32, #tpu.memory_space<vmem>>, %arg5: memref<1x40xf32, #tpu.memory_space<vmem>>, %arg6: memref<1280x40xf32, #tpu.memory_space<vmem>>) attributes {dimension_semantics = [#tpu.dimension_semantics<arbitrary>], iteration_bounds = array<i64: 8>, scalar_prefetch = 0 : i64, scratch_operands = 0 : i64, tpu.core_type = #tpu.core_type<tc>, window_params = [{transform_indices = @transform_0, window_bounds = array<i64: 2, 320, 128>}, {transform_indices = @transform_1, window_bounds = array<i64: 2, 320, 128>}, {transform_indices = @transform_2, window_bounds = array<i64: 1280, 32>}, {pipeline_mode = #tpu.pipeline_mode<synchronous>, transform_indices = @transform_3, window_bounds = array<i64: 40, 32>}, {pipeline_mode = #tpu.pipeline_mode<synchronous>, transform_indices = @transform_4, window_bounds = array<i64: 1, 40>}, {transform_indices = @transform_5, window_bounds = array<i64: 1280, 40>}]} {
    %get3A = arith.constant 0 : index
    %get3A_0 = arith.constant 0 : index
    %get3A_1 = arith.constant 0 : index
    %get3A_2 = vector.load %arg1[%get3A, %get3A_0, %get3A_1] : memref<2x320x128xf32, #tpu.memory_space<vmem>>, vector<2x320x128xf32>
    %get3A_3 = arith.constant 0 : index
    %get3A_4 = arith.constant 0 : index
    %get3A_5 = arith.constant 0 : index
    %get3A_6 = vector.load %arg2[%get3A_3, %get3A_4, %get3A_5] : memref<2x320x128xf32, #tpu.memory_space<vmem>>, vector<2x320x128xf32>
    %get3A_7 = arith.constant 0 : index
    %get3A_8 = arith.constant 0 : index
    %get3A_9 = vector.load %arg3[%get3A_7, %get3A_8] : memref<1280x32xf32, #tpu.memory_space<vmem>>, vector<1280x32xf32>
    %slice3A = vector.extract_strided_slice %get3A_2 {offsets = [0, 0, 0], sizes = [1, 320, 128], strides = [1, 1, 1]} : vector<2x320x128xf32> to vector<1x320x128xf32>
    %squeeze3A = vector.shape_cast %slice3A : vector<1x320x128xf32> to vector<320x128xf32>
    %slice3A_10 = vector.extract_strided_slice %get3A_2 {offsets = [1, 0, 0], sizes = [1, 320, 128], strides = [1, 1, 1]} : vector<2x320x128xf32> to vector<1x320x128xf32>
    %squeeze3A_11 = vector.shape_cast %slice3A_10 : vector<1x320x128xf32> to vector<320x128xf32>
    %add3A = arith.addf %squeeze3A, %squeeze3A_11 : vector<320x128xf32>
    %slice3A_12 = vector.extract_strided_slice %get3A_6 {offsets = [0, 0, 0], sizes = [1, 320, 128], strides = [1, 1, 1]} : vector<2x320x128xf32> to vector<1x320x128xf32>
    %squeeze3A_13 = vector.shape_cast %slice3A_12 : vector<1x320x128xf32> to vector<320x128xf32>
    %slice3A_14 = vector.extract_strided_slice %get3A_6 {offsets = [1, 0, 0], sizes = [1, 320, 128], strides = [1, 1, 1]} : vector<2x320x128xf32> to vector<1x320x128xf32>
    %squeeze3A_15 = vector.shape_cast %slice3A_14 : vector<1x320x128xf32> to vector<320x128xf32>
    %add3A_16 = arith.addf %squeeze3A_13, %squeeze3A_15 : vector<320x128xf32>
    %max3A = arith.constant 1.000000e+00 : f32
    %max3A_17 = vector.broadcast %max3A : f32 to vector<320x128xf32>
    %max3A_18 = arith.maximumf %add3A_16, %max3A_17 : vector<320x128xf32>
    %div3A = arith.divf %add3A, %max3A_18 : vector<320x128xf32>
    %slice3A_19 = vector.extract_strided_slice %div3A {offsets = [0, 0], sizes = [320, 32], strides = [1, 1]} : vector<320x128xf32> to vector<320x32xf32>
    %slice3A_20 = vector.extract_strided_slice %div3A {offsets = [0, 32], sizes = [320, 32], strides = [1, 1]} : vector<320x128xf32> to vector<320x32xf32>
    %slice3A_21 = vector.extract_strided_slice %div3A {offsets = [0, 64], sizes = [320, 32], strides = [1, 1]} : vector<320x128xf32> to vector<320x32xf32>
    %slice3A_22 = vector.extract_strided_slice %div3A {offsets = [0, 96], sizes = [320, 32], strides = [1, 1]} : vector<320x128xf32> to vector<320x32xf32>
    %stack3A = vector.shape_cast %slice3A_19 : vector<320x32xf32> to vector<320x1x32xf32>
    %stack3A_23 = vector.shape_cast %slice3A_20 : vector<320x32xf32> to vector<320x1x32xf32>
    %stack3A_24 = vector.shape_cast %slice3A_21 : vector<320x32xf32> to vector<320x1x32xf32>
    %stack3A_25 = vector.shape_cast %slice3A_22 : vector<320x32xf32> to vector<320x1x32xf32>
    %stack3A_26 = tpu.concatenate %stack3A, %stack3A_23, %stack3A_24, %stack3A_25 in 1 : vector<320x1x32xf32>, vector<320x1x32xf32>, vector<320x1x32xf32>, vector<320x1x32xf32> -> vector<320x4x32xf32>
    %reshape3A = vector.shape_cast %stack3A_26 : vector<320x4x32xf32> to vector<1280x32xf32>
    %add3A_27 = arith.addf %reshape3A, %get3A_9 : vector<1280x32xf32>
    %mul3A = arith.mulf %add3A_27, %add3A_27 : vector<1280x32xf32>
    %reduce_sum3A = arith.constant dense<0.000000e+00> : vector<1280xf32>
    %reduce_sum3A_28 = vector.multi_reduction <add>, %mul3A, %reduce_sum3A [1] : vector<1280x32xf32> to vector<1280xf32>
    %broadcast_in_dim3A = vector.shape_cast %reduce_sum3A_28 : vector<1280xf32> to vector<1280x1xf32>
    %sqrt3A = math.sqrt %broadcast_in_dim3A : vector<1280x1xf32>
    %max3A_29 = arith.constant 9.99999996E-13 : f32
    %max3A_30 = vector.broadcast %max3A_29 : f32 to vector<1280x1xf32>
    %max3A_31 = arith.maximumf %sqrt3A, %max3A_30 : vector<1280x1xf32>
    %div3A_32 = vector.broadcast %max3A_31 : vector<1280x1xf32> to vector<1280x32xf32>
    %div3A_33 = arith.divf %add3A_27, %div3A_32 : vector<1280x32xf32>
    %get3A_34 = arith.constant 0 : index
    %get3A_35 = arith.constant 0 : index
    %get3A_36 = vector.load %arg4[%get3A_34, %get3A_35] : memref<40x32xf32, #tpu.memory_space<vmem>>, vector<40x32xf32>
    %dot_general3A = arith.constant dense<0.000000e+00> : vector<1280x40xf32>
    %dot_general3A_37 = tpu.matmul %div3A_33, %get3A_36, %dot_general3A {dimension_numbers = #tpu.dot_dimension_numbers<[1], [1], [0], [0], [0, 0, 1, 0], [], []>, transpose_lhs_hint = false} : vector<1280x32xf32>, vector<40x32xf32>, vector<1280x40xf32> -> vector<1280x40xf32>
    %get3A_38 = arith.constant 0 : index
    %get3A_39 = arith.constant 0 : index
    %get3A_40 = vector.load %arg5[%get3A_38, %get3A_39] : memref<1x40xf32, #tpu.memory_space<vmem>>, vector<1x40xf32>
    %add3A_41 = vector.broadcast %get3A_40 : vector<1x40xf32> to vector<1280x40xf32>
    %add3A_42 = arith.addf %dot_general3A_37, %add3A_41 : vector<1280x40xf32>
    %reduce_max3A = arith.constant dense<0xFF800000> : vector<1280xf32>
    %reduce_max3A_43 = vector.multi_reduction <maximumf>, %add3A_42, %reduce_max3A [1] : vector<1280x40xf32> to vector<1280xf32>
    %broadcast_in_dim3A_44 = vector.shape_cast %reduce_max3A_43 : vector<1280xf32> to vector<1280x1xf32>
    %sub3A = vector.broadcast %broadcast_in_dim3A_44 : vector<1280x1xf32> to vector<1280x40xf32>
    %sub3A_45 = arith.subf %add3A_42, %sub3A : vector<1280x40xf32>
    %exp3A = math.exp %sub3A_45 : vector<1280x40xf32>
    %reduce_sum3A_46 = arith.constant dense<0.000000e+00> : vector<1280xf32>
    %reduce_sum3A_47 = vector.multi_reduction <add>, %exp3A, %reduce_sum3A_46 [1] : vector<1280x40xf32> to vector<1280xf32>
    %broadcast_in_dim3A_48 = vector.shape_cast %reduce_sum3A_47 : vector<1280xf32> to vector<1280x1xf32>
    %div3A_49 = vector.broadcast %broadcast_in_dim3A_48 : vector<1280x1xf32> to vector<1280x40xf32>
    %div3A_50 = arith.divf %exp3A, %div3A_49 : vector<1280x40xf32>
    %swap3A = arith.constant 0 : index
    %swap3A_51 = arith.constant 0 : index
    %swap3A_52 = vector.load %arg6[%swap3A, %swap3A_51] : memref<1280x40xf32, #tpu.memory_space<vmem>>, vector<1280x40xf32>
    tpu.vector_store %arg6[%swap3A, %swap3A_51], %div3A_50 {strides = array<i32>} : memref<1280x40xf32, #tpu.memory_space<vmem>>, vector<1280x40xf32>,
    return
  }
  func.func @transform_0(%arg0: i32) -> (i32, i32, i32) {
    %c0_i32 = arith.constant 0 : i32
    %c0_i32_0 = arith.constant 0 : i32
    %c0_i32_1 = arith.constant 0 : i32
    return %c0_i32, %arg0, %c0_i32_0 : i32, i32, i32
  }
  func.func @transform_1(%arg0: i32) -> (i32, i32, i32) {
    %c0_i32 = arith.constant 0 : i32
    %c0_i32_0 = arith.constant 0 : i32
    %c0_i32_1 = arith.constant 0 : i32
    return %c0_i32, %arg0, %c0_i32_0 : i32, i32, i32
  }
  func.func @transform_2(%arg0: i32) -> (i32, i32) {
    %c0_i32 = arith.constant 0 : i32
    %c0_i32_0 = arith.constant 0 : i32
    return %arg0, %c0_i32 : i32, i32
  }
  func.func @transform_3(%arg0: i32) -> (i32, i32) {
    %c0_i32 = arith.constant 0 : i32
    %c0_i32_0 = arith.constant 0 : i32
    %c0_i32_1 = arith.constant 0 : i32
    return %c0_i32, %c0_i32_0 : i32, i32
  }
  func.func @transform_4(%arg0: i32) -> (i32, i32) {
    %c0_i32 = arith.constant 0 : i32
    %c0_i32_0 = arith.constant 0 : i32
    %c0_i32_1 = arith.constant 0 : i32
    return %c0_i32, %c0_i32_0 : i32, i32
  }
  func.func @transform_5(%arg0: i32) -> (i32, i32) {
    %c0_i32 = arith.constant 0 : i32
    %c0_i32_0 = arith.constant 0 : i32
    return %arg0, %c0_i32 : i32, i32
  }
}

</mosaic_0001>

<sc_bundles>
// kernel: kernel.10.cloned.1.call-start
scs
__scs_entry_jumppad:
0x0: {  	(pc) =	sbr.rel $0x88, $3  }
0x1: {  	(tag) =	ssettag $0x0;
	lr =	simm.s32 $0x1  }
0x2: {  	[smem:$0x3F97] =	sst lr;
	_ =	strace $0xD0000000  }
0x3: {  	_ = 	snop  }
0x4: {  	_ = 	snop  }
0x5: {  	_ = 	snop  }
0x6: {  	_ = 	snop  }
0x7: {  	_ = 	snop  }
__scs_overlays_trampoline_lowered:
0x8: {  	[smem:$0x3FA6] =	sst s0  }
0x9: {  	[smem:$0x3FA7] =	sst s1  }
0xa: {  	[smem:$0x3FA8] =	sst s2  }
0xb: {  	[smem:$0x3FA9] =	sst s3  }
0xc: {  	[smem:$0x3FAA] =	sst s4  }
0xd: {  	[smem:$0x3FAB] =	sst s5  }
0xe: {  	[smem:$0x3FAC] =	sst s6  }
0xf: {  	[smem:$0x3FAD] =	sst s7  }
0x10: {  	[smem:$0x3FAE] =	sst s8  }
0x11: {  	[smem:$0x3FAF] =	sst s9;
	s0 =	simm.s32 @!p0 $0x0  }
0x12: {  	s1 =	sld [smem:$0x3F95];
	s0 =	simm.s32 @p0 $0x1  }
0x13: {  	[smem:$0x3FB0] =	sst s0;
	s0 =	simm.s32 @!p1 $0x0  }
0x14: {  	s2 =	sld [smem:$0x3F94];
	s0 =	simm.s32 @p1 $0x1  }
0x15: {  	[smem:$0x3FB1] =	sst s0;
	s0 =	simm.s32 @!p2 $0x0  }
0x16: {  	s3 =	sld [smem:$0x3FDB];
	s0 =	simm.s32 @p2 $0x1  }
0x17: {  	s4 =	simm.s32 $0x1BF5;
	[smem:$0x3FB3] =	sst s0  }
0x18: {  	s0 =	sld [smem:$0x3F96];
	_ =	swait.ge [sflag:s4], $0x0  }
0x19: {  	s7 =	sld [smem:$0x3F97]  }
0x1a: {  	s8 =	sadd.s32 $0xFFFFE003, lr  }
0x1b: {  	s9 =	sadd.s32 $0xFFFFFEF7, lr;
	s5 =	simm.s32 $0xFFFFFFFF;
	p2 =	slt.u32 s8, $0xFFFFF086  }
0x1c: {  	p1 =	slt.u32 s9, $0xF7A;
	s5 =	simm.s32 @!p2 $0x0  }
0x1d: {  	s5 =	simm.s32 @p1 $0x1;
	p0 =	seq.s32 s7, s2  }
0x1e: {  	s7 =	smul.u32 @!p0 $0xF7A, s2;
	p2 =	seq.s32 @!p0 s5, $0x0  }
0x1f: {  	s9 =	smul.u32 $0xF7A, s1;
	s8 =	simm.s32 @!p0 $0x1BF5;
	p2 =	por !p2, p0  }
0x20: {  	[sflag:s8] =	ssyncset.s32 @!p0 $0xFFFFF086;
	s6 =	sadd.s32 @!p0 s3, s7;
	s7 =	simm.s32 @!p0 $0x108  }
0x21: {  	s3 =	sadd.s32 s3, s9;
	s6 =	sadd.s32 @!p0 $0x88, s6;
	s7 =	simm.s32 @p2 $0x1082  }
0x22: {  	[simem:s7], [sflag:s8] =	dma.local @!p0 [hbm:s6], $0xF7A  }
0x23: {  	s9 =	sor.u32 $0xD0000000, s2;
	s6 =	simm.s32 $0x108;
	_ =	swait.ge @!p0 [sflag:s8], $0x0  }
0x24: {  	s3 =	sadd.s32 $0x88, s3;
	s6 =	simm.s32 @!p1 $0x1082;
	[sflag:s4] =	ssyncset.s32 $0xFFFFF086  }
0x25: {  	[simem:s6], [sflag:s4] =	dma.local [hbm:s3], $0xF7A  }
0x26: {  	[smem:$0x3F97] =	sst s1;
	(tag) =	ssettag s2;
	_ =	strace s9  }
0x27: {  	s1 =	sld [smem:$0x3FA7]  }
0x28: {  	s2 =	sld [smem:$0x3FA8]  }
0x29: {  	s4 =	sld [smem:$0x3FAA]  }
0x2a: {  	p0 =	seq.s32 s5, $0x0;
	s5 =	sld [smem:$0x3FAB]  }
0x2b: {  	s6 =	sld [smem:$0x3FAC]  }
0x2c: {  	s7 =	sld [smem:$0x3FAD]  }
0x2d: {  	s3 =	simm.s32 $0x108;
	s8 =	sld [smem:$0x3FAE]  }
0x2e: {  	s3 =	simm.s32 @!p0 $0x1082;
	s9 =	sld [smem:$0x3FAF]  }
0x2f: {  	lr =	sadd.s32 s0, s3;
	s0 =	sld [smem:$0x3FA6]  }
0x30: {  	s3 =	sld [smem:$0x3FA9]  }
0x31: {  	[smem:$0x3FB2] =	sst s10  }
0x32: {  	s10 =	sld [smem:$0x3FB0];
	_ =	sdelay $0x3  }
0x33: {  	p0 =	seq.s32 s10, $0x1;
	s10 =	sld [smem:$0x3FB2];
	_ =	sdelay $0x3  }
0x34: {  	[smem:$0x3FB2] =	sst s10  }
0x35: {  	s10 =	sld [smem:$0x3FB1];
	_ =	sdelay $0x3  }
0x36: {  	p1 =	seq.s32 s10, $0x1;
	s10 =	sld [smem:$0x3FB2];
	_ =	sdelay $0x3  }
0x37: {  	[smem:$0x3FB2] =	sst s10  }
0x38: {  	s10 =	sld [smem:$0x3FB3]  }
0x39: {  	_ = 	snop;
	(pc) =	sbr.ind lr, $3  }
0x3a: {  	_ = 	snop  }
0x3b: {  	_ = 	snop  }
0x3c: {  	p2 =	seq.s32 s10, $0x1;
	s10 =	sld [smem:$0x3FB2]  }
0x3d: {  	_ =	shalt  }
0x3e: {  	_ =	shalt  }
0x3f: {  	_ =	shalt  }
0x40: {  	_ =	shalt  }
0x41: {  	_ =	shalt  }
0x42: {  	_ =	shalt  }
0x43: {  	_ =	shalt  }
0x44: {  	_ =	shalt  }
0x45: {  	_ =	shalt  }
0x46: {  	_ =	shalt  }
0x47: {  	_ =	shalt  }
0x48: {  	_ =	shalt  }
0x49: {  	_ =	shalt  }
0x4a: {  	_ =	shalt  }
0x4b: {  	_ =	shalt  }
0x4c: {  	_ =	shalt  }
0x4d: {  	_ =	shalt  }
0x4e: {  	_ =	shalt  }
0x4f: {  	_ =	shalt  }
0x50: {  	_ =	shalt  }
0x51: {  	_ =	shalt  }
0x52: {  	_ =	shalt  }
0x53: {  	_ =	shalt  }
0x54: {  	_ =	shalt  }
0x55: {  	_ =	shalt  }
0x56: {  	_ =	shalt  }
0x57: {  	_ =	shalt  }
0x58: {  	_ =	shalt  }
0x59: {  	_ =	shalt  }
0x5a: {  	_ =	shalt  }
0x5b: {  	_ =	shalt  }
0x5c: {  	_ =	shalt  }
0x5d: {  	_ =	shalt  }
0x5e: {  	_ =	shalt  }
0x5f: {  	_ =	shalt  }
0x60: {  	_ =	shalt  }
0x61: {  	_ =	shalt  }
0x62: {  	_ =	shalt  }
0x63: {  	_ =	shalt  }
0x64: {  	_ =	shalt  }
0x65: {  	_ =	shalt  }
0x66: {  	_ =	shalt  }
0x67: {  	_ =	shalt  }
0x68: {  	_ =	shalt  }
0x69: {  	_ =	shalt  }
0x6a: {  	_ =	shalt  }
0x6b: {  	_ =	shalt  }
0x6c: {  	_ =	shalt  }
0x6d: {  	_ =	shalt  }
0x6e: {  	_ =	shalt  }
0x6f: {  	_ =	shalt  }
0x70: {  	_ =	shalt  }
0x71: {  	_ =	shalt  }
0x72: {  	_ =	shalt  }
0x73: {  	_ =	shalt  }
0x74: {  	_ =	shalt  }
0x75: {  	_ =	shalt  }
0x76: {  	_ =	shalt  }
0x77: {  	_ =	shalt  }
0x78: {  	_ =	shalt  }
0x79: {  	_ =	shalt  }
0x7a: {  	_ =	shalt  }
0x7b: {  	_ =	shalt  }
0x7c: {  	_ =	shalt  }
0x7d: {  	_ =	shalt  }
0x7e: {  	_ =	shalt  }
0x7f: {  	_ =	shalt  }
0x80: {  	_ =	shalt  }
0x81: {  	_ =	shalt  }
0x82: {  	_ =	shalt  }
0x83: {  	_ =	shalt  }
0x84: {  	_ =	shalt  }
0x85: {  	_ =	shalt  }
0x86: {  	_ =	shalt  }
0x87: {  	_ =	shalt  }
.Lfunc_end0:
.L_simem_size_0:
called_computation.1_lowered:
.L_overlay_start_0:
0x88: {  	s2 =	sld [smem:$0x3FD9]  }
0x89: {  	s3 =	sld [smem:$0x3FFE];
	_ =	sdelay $0x1  }
0x8a: {  	s1 =	srdreg.scid  }
0x8b: {  	s0 =	sand.u32 $0x1, s1  }
0x8c: {  	s17 =	sshll.u32 s0, $0xA;
	s2 =	sadd.s32 s3, s2  }
0x8d: {  	s2 =	sadd.s32 s2, s17  }
0x8e: {  	[smem:$0x3FBE] =	sst s2  }
0x8f: {  	_ = 	snop  }
0x90: {  	s2 =	sld [smem:$0x3FD0];
	(tm) =	ssettm $0x1  }
0x91: {  	s18 =	sld [smem:$0x3FFB];
	_ =	sdelay $0x3  }
0x92: {  	_ =	strace s18  }
0x93: {  	s3 =	sld [smem:$0x3FFC];
	_ =	sdelay $0x3  }
0x94: {  	_ =	strace s3  }
0x95: {  	s3 =	sld [smem:$0x3FFD];
	_ =	sdelay $0x3  }
0x96: {  	_ =	strace s3  }
0x97: {  	_ =	strace $0x8FFFFFFF  }
0x98: {  	s19 =	sld [smem:$0x3FDB];
	_ =	sdelay $0x1  }
0x99: {  	s4 =	simm.s32 $_scs_section_size  }
0x9a: {  	s5 =	simm.s32 $_size__tile_overlayer_lowered;
	s6 =	simm.s32 $_tile_overlayer_lowered  }
0x9b: {  	s22 =	simm.s32 $0x1BFF;
	s21 =	sshll.u32 s6, $0x1;
	s3 =	sadd.s32 s4, s19  }
0x9c: {  	s7 =	simm.s32 $0x0;
	s20 =	sshll.u32 s5, $0x1;
	s5 =	sadd.s32 s21, s3  }
0x9d: {  	[timem:s7], [sflag:s22] =	dma.local [hbm:s5], s20  }
0x9e: {  	_ =	swait.ge [sflag:s22], s20  }
0x9f: {  	s4 =	ssub.s32 $0x0, s20;
	[sflag:s22] =	ssyncset.done $0x0  }
0xa0: {  	[sflag:s22] =	ssyncadd.s32 s4;
	_ =	sdelay $0x1  }
0xa1: {  	s23 =	simm.s32 $0x1B8B  }
0xa2: {  	_ =	swait.ge [sflag:s23], $0x1  }
0xa3: {  	[sflag:s23] =	ssyncset.done $0x0  }
0xa4: {  	s25 =	simm.s32 $0x1B8E;
	s24 =	sld [smem:$0x3FFE];
	[sflag:s23] =	ssyncadd.s32 $0xFFFFFFFF  }
0xa5: {  	s26 =	simm.s32 $execute0_lowered;
	[smem:$0x3FD2] =	sst s25  }
0xa6: {  	s5 =	sshll.u32 s26, $0x1;
	_ =	strace $0x80000049;
	[dreg:$0x1] =	wrdreg $0xFFFFFFFF  }
0xa7: {  	s28 =	simm.s32 $_size_execute0_lowered;
	s3 =	sadd.s32 s3, s5;
	[dreg:$0x0] =	wrdreg $0x0  }
0xa8: {  	s5 =	sshll.u32 s28, $0x1;
	[dreg:$0x2] =	wrdreg s3  }
0xa9: {  	[dreg:$0x3] =	wrdreg s5  }
0xaa: {  	[dreg:$0x4] =	wrdreg $0xC0  }
0xab: {  	_ =	task [dreg:s7], $0x5FFFF  }
0xac: {  	[dreg:$0x1] =	wrdreg $0xFFFFFFFF  }
0xad: {  	[dreg:$0x0] =	wrdreg $0x60  }
0xae: {  	[dreg:$0x2] =	wrdreg s2  }
0xaf: {  	[dreg:$0x3] =	wrdreg s24  }
0xb0: {  	[dreg:$0x4] =	wrdreg $0xCD000  }
0xb1: {  	[dreg:$0x5] =	wrdreg $0x9  }
0xb2: {  	_ =	task.clear_ibuf [dreg:s7], $0x6FFFF;
	_ =	strace $0x90000049  }
0xb3: {  	s29 =	simm.s32 $0x9;
	_ =	strace $0x8000004B  }
0xb4: {  	_ =	swait.ge [sflag:s29], $0x1  }
0xb5: {  	[sflag:s29] =	ssyncadd.s32 $0xFFFFFFFF  }
0xb6: {  	_ =	strace $0x9000004B  }
0xb7: {  	_ =	sfence  }
0xb8: {  	s30 =	sld [smem:$0x0];
	_ =	sdelay $0x2  }
0xb9: {  	s31 =	sshll.u32 s1, $0xD;
	s1 =	sshrl.u32 s1, $0x2  }
0xba: {  	s3 =	sand.u32 $0x4000, s31;
	s1 =	sadd.s32 s1, s30  }
0xbb: {  	s0 =	sor.u32 s3, s0;
	s1 =	sshll.u32 s1, $0x11  }
0xbc: {  	s0 =	sor.u32 s1, s0  }
0xbd: {  	s0 =	sadd.s32 $0x8F2B, s0  }
0xbe: {  	[sflag:s0] =	ssyncadd.remote.s32 $0x1  }
0xbf: {  	_ =	sfence.sel $0xFFFF  }
0xc0: {  	[dreg:$0x0] =	wrdreg $0xFFFFFFFF;
	(pc) =	sbr.abs _section_cstart, $3  }
0xc1: {  	[dreg:$0x1] =	wrdreg $0xFFFFFFFF  }
0xc2: {  	_ =	task.clear_ibuf [dreg:s7], $0x2FFFF;
	_ =	strace $0x9FFFFFFF  }
0xc3: {  	(tm) =	ssettm $0x7FFFFFFF  }
tec
execute0_lowered:
.L_overlay_start_1:
0x0: {  	(tag) =	ssettag $0x1  }
0x1: {  	s0 =	srdreg.scid;
	s1 =	rddreg [dreg:$0x0]  }
0x2: {  	s11 =	stileid.u32;
	s3 =	rddreg [dreg:$0x1];
	s22 =	simm.s32 $0x0  }
0x3: {  	s12 =	simm.s32 $0x11;
	s14 =	simm.s32 $0x7D;
	s15 =	simm.s32 $0x5000  }
0x4: {  	s16 =	simm.s32 $0x5FA0;
	s17 =	simm.s32 $0x6F40;
	s18 =	simm.s32 $0x7EE0  }
0x5: {  	s19 =	simm.s32 $0x8E80;
	s20 =	simm.s32 $0x9E20;
	s21 =	simm.s32 $0xADC0  }
0x6: {  	s28 =	simm.s32 $0x5;
	s29 =	simm.s32 $0x6;
	s30 =	simm.s32 $0x7  }
0x7: {  	s31 =	simm.s32 $0x8;
	s0 =	sand.u32 $0x1, s0;
	s2 =	sshll.u32 s11, $0x1  }
0x8: {  	s6 =	smul.u32 $0x5000, s11;
	[smem:$0x7FF] =	sst s22;
	s26 =	sshll.u32 s11, $0x6  }
0x9: {  	s22 =	simm.s32 $0xBD60;
	s11 =	simm.s32 $0xB;
	s4 =	sor.u32 s0, s2  }
0xa: {  	s2 =	rddreg [dreg:$0x2];
	s7 =	smul.u32 $0x50000, s0;
	_ =	strace $0x8000004A  }
0xb: {  	s0 =	ssub.s32 $0x2, s0;
	s5 =	smul.u32 $0x500, s4;
	s4 =	sadd.s32 $0xCC00, s3  }
0xc: {  	s9 =	sshrl.u32 s6, $0x3;
	s10 =	sshrl.u32 s0, $0x1;
	s24 =	sadd.s32 s6, s2  }
0xd: {  	s7 =	sadd.s32 s6, s7;
	s9 =	sadd.s32 s9, s3;
	s0 =	ssub.s32 s0, s10  }
0xe: {  	s10 =	sor.u32 $0x1C11, s26;
	s13 =	sshrl.u32 s24, $0x3;
	s24 =	simm.s32 $0x2  }
0xf: {  	s26 =	simm.s32 $0x4;
	s6 =	simm.s32 $0xE;
	s8 =	sadd.s32 s5, s3  }
0x10: {  	s7 =	sshrl.u32 s7, $0x3;
	s1 =	sadd.s32 s1, s5;
	[dreg:$0x9] =	wrdreg s10  }
0x11: {  	s25 =	sadd.s32 $0x34C00, s9;
	s0 =	smax.u32 s0, $0x1;
	[dreg:$0xa] =	wrdreg s13  }
0x12: {  	s5 =	simm.s32 $0xD;
	s9 =	simm.s32 $0x0;
	[dreg:$0x4] =	wrdreg s1  }
0x13: {  	s3 =	sadd.s32 s7, s3;
	s23 =	sadd.s32 $0x2C00, s8;
	[dreg:$0x6] =	wrdreg s25  }
0x14: {  	[dreg:$0x8] =	wrdreg s0;
	s25 =	simm.s32 $0x3;
	s1 =	simm.s32 $0x9  }
0x15: {  	s0 =	simm.s32 $0xA;
	s7 =	simm.s32 $0xF;
	[dreg:$0xb] =	wrdreg s9  }
0x16: {  	s8 =	simm.s32 $0x10;
	[dreg:$0x5] =	wrdreg s23;
	s3 =	sadd.s32 $0x3EE00, s3  }
0x17: {  	s23 =	simm.s32 $0x1;
	[dreg:$0x7] =	wrdreg s3;
	s3 =	simm.s32 $0xC  }
.LBB2_1:
0x18: {  	s9 =	simm.s32 $0x0;
	s10 =	rddreg [dreg:$0x4]  }
0x19: {  	[tilespmem:s9], [sflag:$0x11] =	stream.linear.gather [hbm4b:s10+s9], $0x2800, $0x38;
	[tilespmem:$0x11D00] =	vst v63  }
0x1a: {  	_ =	swait.ge [sflag:s12], $0x2800  }
0x1b: {  	[sflag:s12] =	ssyncset.done $0x0  }
0x1c: {  	s13 =	simm.s32 $0x2800;
	s10 =	rddreg [dreg:$0x5];
	[sflag:s12] =	ssyncadd.s32 $0xFFFFD800  }
0x1d: {  	[tilespmem:s13], [sflag:$0x11] =	stream.linear.gather [hbm4b:s10+s9], $0x2800, $0x38;
	[tilespmem:$0x11D00] =	vst v63  }
0x1e: {  	_ =	swait.ge [sflag:s12], $0x2800  }
0x1f: {  	s9 =	rddreg [dreg:$0x6]  }
0x20: {  	[sflag:s12] =	ssyncset.done $0x0;
	s10 =	rddreg [dreg:$0x9]  }
0x21: {  	s13 =	rddreg [dreg:$0xa];
	[sflag:s12] =	ssyncadd.s32 $0xFFFFD800  }
0x22: {  	[spmem:s13], [sflag:s10] =	dma.local [hbm:s9], $0xA00  }
0x23: {  	_ =	swait.ge [sflag:s12], $0xA00  }
0x24: {  	[sflag:s12] =	ssyncset.done $0x0  }
0x25: {  	[sflag:s12] =	ssyncadd.s32 $0xFFFFF600  }
0x26: {  	s13 =	simm.s32 $0x0;
	[bflag:$0x0] =	sbarrier.arrive $0xFFFF  }
0x27: {  	[tilespmem:s15], [sflag:$0x1] =	stream.indirect.gather [hbm4b:s4+s14], $0x20, s13, s14, $0xb8;
	[tilespmem:$0x11D00] =	vst v63  }
0x28: {  	s10 =	simm.s32 $0x80  }
0x29: {  	[tilespmem:s16], [sflag:$0x2] =	stream.indirect.gather [hbm4b:s4+s14], $0x20, s10, s14, $0xb8;
	[tilespmem:$0x11D00] =	vst v63  }
0x2a: {  	s12 =	simm.s32 $0x100  }
0x2b: {  	[tilespmem:s17], [sflag:$0x3] =	stream.indirect.gather [hbm4b:s4+s14], $0x20, s12, s14, $0xb8;
	[tilespmem:$0x11D00] =	vst v63  }
0x2c: {  	s13 =	simm.s32 $0x180  }
0x2d: {  	[tilespmem:s18], [sflag:$0x4] =	stream.indirect.gather [hbm4b:s4+s14], $0x20, s13, s14, $0xb8;
	[tilespmem:$0x11D00] =	vst v63  }
0x2e: {  	s10 =	simm.s32 $0x200  }
0x2f: {  	[tilespmem:s19], [sflag:$0x5] =	stream.indirect.gather [hbm4b:s4+s14], $0x20, s10, s14, $0xb8;
	[tilespmem:$0x11D00] =	vst v63  }
0x30: {  	s12 =	simm.s32 $0x280  }
0x31: {  	[tilespmem:s20], [sflag:$0x6] =	stream.indirect.gather [hbm4b:s4+s14], $0x20, s12, s14, $0xb8;
	[tilespmem:$0x11D00] =	vst v63  }
0x32: {  	s13 =	simm.s32 $0x300  }
0x33: {  	[tilespmem:s21], [sflag:$0x7] =	stream.indirect.gather [hbm4b:s4+s14], $0x20, s13, s14, $0xb8;
	[tilespmem:$0x11D00] =	vst v63  }
0x34: {  	s10 =	simm.s32 $0x380  }
0x35: {  	[tilespmem:s22], [sflag:$0x8] =	stream.indirect.gather [hbm4b:s4+s14], $0x20, s10, s14, $0xb8;
	[tilespmem:$0x11D00] =	vst v63  }
0x36: {  	_ =	swait.ge [sflag:s23], $0xFA0  }
0x37: {  	[sflag:s23] =	ssyncset.done $0x0  }
0x38: {  	s12 =	simm.s32 $0x2800;
	[sflag:s23] =	ssyncadd.s32 $0xFFFFF060  }
0x39: {  	[spmem:s2] =	stream.indirect.scatter.add.f32 [tilespmem:s15], [sflag:$0x9], $0x20, s12, s14, $0xb8;
	[tilespmem:$0x11D00] =	vst v63  }
0x3a: {  	_ =	swait.ge [sflag:s24], $0xFA0  }
0x3b: {  	[sflag:s24] =	ssyncset.done $0x0  }
0x3c: {  	s13 =	simm.s32 $0x2880;
	[sflag:s24] =	ssyncadd.s32 $0xFFFFF060  }
0x3d: {  	[spmem:s2] =	stream.indirect.scatter.add.f32 [tilespmem:s16], [sflag:$0xA], $0x20, s13, s14, $0xb8;
	[tilespmem:$0x11D00] =	vst v63  }
0x3e: {  	_ =	swait.ge [sflag:s25], $0xFA0  }
0x3f: {  	[sflag:s25] =	ssyncset.done $0x0  }
0x40: {  	s10 =	simm.s32 $0x2900;
	[sflag:s25] =	ssyncadd.s32 $0xFFFFF060  }
0x41: {  	[spmem:s2] =	stream.indirect.scatter.add.f32 [tilespmem:s17], [sflag:$0xB], $0x20, s10, s14, $0xb8;
	[tilespmem:$0x11D00] =	vst v63  }
0x42: {  	_ =	swait.ge [sflag:s26], $0xFA0  }
0x43: {  	[sflag:s26] =	ssyncset.done $0x0  }
0x44: {  	s12 =	simm.s32 $0x2980;
	[sflag:s26] =	ssyncadd.s32 $0xFFFFF060  }
0x45: {  	[spmem:s2] =	stream.indirect.scatter.add.f32 [tilespmem:s18], [sflag:$0xC], $0x20, s12, s14, $0xb8;
	[tilespmem:$0x11D00] =	vst v63  }
0x46: {  	_ =	swait.ge [sflag:s28], $0xFA0  }
0x47: {  	[sflag:s28] =	ssyncset.done $0x0  }
0x48: {  	s13 =	simm.s32 $0x2A00;
	[sflag:s28] =	ssyncadd.s32 $0xFFFFF060  }
0x49: {  	[spmem:s2] =	stream.indirect.scatter.add.f32 [tilespmem:s19], [sflag:$0xD], $0x20, s13, s14, $0xb8;
	[tilespmem:$0x11D00] =	vst v63  }
0x4a: {  	_ =	swait.ge [sflag:s29], $0xFA0  }
0x4b: {  	[sflag:s29] =	ssyncset.done $0x0  }
0x4c: {  	s10 =	simm.s32 $0x2A80;
	[sflag:s29] =	ssyncadd.s32 $0xFFFFF060  }
0x4d: {  	[spmem:s2] =	stream.indirect.scatter.add.f32 [tilespmem:s20], [sflag:$0xE], $0x20, s10, s14, $0xb8;
	[tilespmem:$0x11D00] =	vst v63  }
0x4e: {  	_ =	swait.ge [sflag:s30], $0xFA0  }
0x4f: {  	[sflag:s30] =	ssyncset.done $0x0  }
0x50: {  	s12 =	simm.s32 $0x2B00;
	[sflag:s30] =	ssyncadd.s32 $0xFFFFF060  }
0x51: {  	[spmem:s2] =	stream.indirect.scatter.add.f32 [tilespmem:s21], [sflag:$0xF], $0x20, s12, s14, $0xb8;
	[tilespmem:$0x11D00] =	vst v63  }
0x52: {  	_ =	swait.ge [sflag:s31], $0xFA0  }
0x53: {  	[sflag:s31] =	ssyncset.done $0x0  }
0x54: {  	s13 =	simm.s32 $0x2B80;
	[sflag:s31] =	ssyncadd.s32 $0xFFFFF060  }
0x55: {  	[spmem:s2] =	stream.indirect.scatter.add.f32 [tilespmem:s22], [sflag:$0x10], $0x20, s13, s14, $0xb8;
	[tilespmem:$0x11D00] =	vst v63  }
0x56: {  	_ =	swait.ge [sflag:s1], $0xFA0  }
0x57: {  	[sflag:s1] =	ssyncset.done $0x0  }
0x58: {  	[sflag:s1] =	ssyncadd.s32 $0xFFFFF060  }
0x59: {  	_ =	swait.ge [sflag:s0], $0xFA0  }
0x5a: {  	[sflag:s0] =	ssyncset.done $0x0  }
0x5b: {  	[sflag:s0] =	ssyncadd.s32 $0xFFFFF060  }
0x5c: {  	_ =	swait.ge [sflag:s11], $0xFA0  }
0x5d: {  	[sflag:s11] =	ssyncset.done $0x0  }
0x5e: {  	[sflag:s11] =	ssyncadd.s32 $0xFFFFF060  }
0x5f: {  	_ =	swait.ge [sflag:s3], $0xFA0  }
0x60: {  	[sflag:s3] =	ssyncset.done $0x0  }
0x61: {  	[sflag:s3] =	ssyncadd.s32 $0xFFFFF060  }
0x62: {  	_ =	swait.ge [sflag:s5], $0xFA0  }
0x63: {  	[sflag:s5] =	ssyncset.done $0x0  }
0x64: {  	[sflag:s5] =	ssyncadd.s32 $0xFFFFF060  }
0x65: {  	_ =	swait.ge [sflag:s6], $0xFA0  }
0x66: {  	[sflag:s6] =	ssyncset.done $0x0  }
0x67: {  	[sflag:s6] =	ssyncadd.s32 $0xFFFFF060  }
0x68: {  	_ =	swait.ge [sflag:s7], $0xFA0  }
0x69: {  	[sflag:s7] =	ssyncset.done $0x0  }
0x6a: {  	[sflag:s7] =	ssyncadd.s32 $0xFFFFF060  }
0x6b: {  	_ =	swait.ge [sflag:s8], $0xFA0  }
0x6c: {  	s12 =	simm.s32 $0x1000;
	s13 =	simm.s32 $0x2000;
	[sflag:s8] =	ssyncset.done $0x0  }
.LBB2_2:
0x6d: {  	s10 =	sshra.s32 s12, $0x2  }
0x6e: {  	[sflag:s8] =	ssyncadd.s32 $0xFFFFF060;
	s12 =	smov.u32 s13;
	s9 =	sadd.s32 $0x1000, s13  }
0x6f: {  	[tilespmem:s15], [sflag:$0x1] =	stream.indirect.gather [hbm4b:s4+s14], $0x20, s10, s14, $0xb8;
	[tilespmem:$0x11D00] =	vst v63  }
0x70: {  	p0 =	sne.s32 s13, $0x9000;
	s13 =	sadd.s32 $0x80, s10  }
0x71: {  	[tilespmem:s16], [sflag:$0x2] =	stream.indirect.gather [hbm4b:s4+s14], $0x20, s13, s14, $0xb8;
	[tilespmem:$0x11D00] =	vst v63  }
0x72: {  	s13 =	sadd.s32 $0x100, s10  }
0x73: {  	[tilespmem:s17], [sflag:$0x3] =	stream.indirect.gather [hbm4b:s4+s14], $0x20, s13, s14, $0xb8;
	[tilespmem:$0x11D00] =	vst v63  }
0x74: {  	s13 =	sadd.s32 $0x180, s10  }
0x75: {  	[tilespmem:s18], [sflag:$0x4] =	stream.indirect.gather [hbm4b:s4+s14], $0x20, s13, s14, $0xb8;
	[tilespmem:$0x11D00] =	vst v63  }
0x76: {  	s13 =	sadd.s32 $0x200, s10  }
0x77: {  	[tilespmem:s19], [sflag:$0x5] =	stream.indirect.gather [hbm4b:s4+s14], $0x20, s13, s14, $0xb8;
	[tilespmem:$0x11D00] =	vst v63  }
0x78: {  	s13 =	sadd.s32 $0x280, s10  }
0x79: {  	[tilespmem:s20], [sflag:$0x6] =	stream.indirect.gather [hbm4b:s4+s14], $0x20, s13, s14, $0xb8;
	[tilespmem:$0x11D00] =	vst v63  }
0x7a: {  	s13 =	sadd.s32 $0x300, s10  }
0x7b: {  	[tilespmem:s21], [sflag:$0x7] =	stream.indirect.gather [hbm4b:s4+s14], $0x20, s13, s14, $0xb8;
	[tilespmem:$0x11D00] =	vst v63  }
0x7c: {  	s13 =	sadd.s32 $0x380, s10  }
0x7d: {  	[tilespmem:s22], [sflag:$0x8] =	stream.indirect.gather [hbm4b:s4+s14], $0x20, s13, s14, $0xb8;
	[tilespmem:$0x11D00] =	vst v63  }
0x7e: {  	_ =	swait.ge [sflag:s23], $0xFA0  }
0x7f: {  	[sflag:s23] =	ssyncset.done $0x0  }
0x80: {  	s13 =	sadd.s32 $0x2800, s10;
	[sflag:s23] =	ssyncadd.s32 $0xFFFFF060  }
0x81: {  	[spmem:s2] =	stream.indirect.scatter.add.f32 [tilespmem:s15], [sflag:$0x9], $0x20, s13, s14, $0xb8;
	[tilespmem:$0x11D00] =	vst v63  }
0x82: {  	_ =	swait.ge [sflag:s24], $0xFA0  }
0x83: {  	[sflag:s24] =	ssyncset.done $0x0  }
0x84: {  	s13 =	sadd.s32 $0x2880, s10;
	[sflag:s24] =	ssyncadd.s32 $0xFFFFF060  }
0x85: {  	[spmem:s2] =	stream.indirect.scatter.add.f32 [tilespmem:s16], [sflag:$0xA], $0x20, s13, s14, $0xb8;
	[tilespmem:$0x11D00] =	vst v63  }
0x86: {  	_ =	swait.ge [sflag:s25], $0xFA0  }
0x87: {  	[sflag:s25] =	ssyncset.done $0x0  }
0x88: {  	s13 =	sadd.s32 $0x2900, s10;
	[sflag:s25] =	ssyncadd.s32 $0xFFFFF060  }
0x89: {  	[spmem:s2] =	stream.indirect.scatter.add.f32 [tilespmem:s17], [sflag:$0xB], $0x20, s13, s14, $0xb8;
	[tilespmem:$0x11D00] =	vst v63  }
0x8a: {  	_ =	swait.ge [sflag:s26], $0xFA0  }
0x8b: {  	[sflag:s26] =	ssyncset.done $0x0  }
0x8c: {  	s13 =	sadd.s32 $0x2980, s10;
	[sflag:s26] =	ssyncadd.s32 $0xFFFFF060  }
0x8d: {  	[spmem:s2] =	stream.indirect.scatter.add.f32 [tilespmem:s18], [sflag:$0xC], $0x20, s13, s14, $0xb8;
	[tilespmem:$0x11D00] =	vst v63  }
0x8e: {  	_ =	swait.ge [sflag:s28], $0xFA0  }
0x8f: {  	[sflag:s28] =	ssyncset.done $0x0  }
0x90: {  	s13 =	sadd.s32 $0x2A00, s10;
	[sflag:s28] =	ssyncadd.s32 $0xFFFFF060  }
0x91: {  	[spmem:s2] =	stream.indirect.scatter.add.f32 [tilespmem:s19], [sflag:$0xD], $0x20, s13, s14, $0xb8;
	[tilespmem:$0x11D00] =	vst v63  }
0x92: {  	_ =	swait.ge [sflag:s29], $0xFA0  }
0x93: {  	[sflag:s29] =	ssyncset.done $0x0  }
0x94: {  	s13 =	sadd.s32 $0x2A80, s10;
	[sflag:s29] =	ssyncadd.s32 $0xFFFFF060  }
0x95: {  	[spmem:s2] =	stream.indirect.scatter.add.f32 [tilespmem:s20], [sflag:$0xE], $0x20, s13, s14, $0xb8;
	[tilespmem:$0x11D00] =	vst v63  }
0x96: {  	_ =	swait.ge [sflag:s30], $0xFA0  }
0x97: {  	[sflag:s30] =	ssyncset.done $0x0  }
0x98: {  	s13 =	sadd.s32 $0x2B00, s10;
	[sflag:s30] =	ssyncadd.s32 $0xFFFFF060  }
0x99: {  	[spmem:s2] =	stream.indirect.scatter.add.f32 [tilespmem:s21], [sflag:$0xF], $0x20, s13, s14, $0xb8;
	[tilespmem:$0x11D00] =	vst v63  }
0x9a: {  	_ =	swait.ge [sflag:s31], $0xFA0  }
0x9b: {  	[sflag:s31] =	ssyncset.done $0x0  }
0x9c: {  	s10 =	sadd.s32 $0x2B80, s10;
	[sflag:s31] =	ssyncadd.s32 $0xFFFFF060  }
0x9d: {  	[spmem:s2] =	stream.indirect.scatter.add.f32 [tilespmem:s22], [sflag:$0x10], $0x20, s10, s14, $0xb8;
	[tilespmem:$0x11D00] =	vst v63  }
0x9e: {  	_ =	swait.ge [sflag:s1], $0xFA0  }
0x9f: {  	[sflag:s1] =	ssyncset.done $0x0  }
0xa0: {  	[sflag:s1] =	ssyncadd.s32 $0xFFFFF060  }
0xa1: {  	_ =	swait.ge [sflag:s0], $0xFA0  }
0xa2: {  	[sflag:s0] =	ssyncset.done $0x0  }
0xa3: {  	[sflag:s0] =	ssyncadd.s32 $0xFFFFF060  }
0xa4: {  	_ =	swait.ge [sflag:s11], $0xFA0  }
0xa5: {  	[sflag:s11] =	ssyncset.done $0x0  }
0xa6: {  	[sflag:s11] =	ssyncadd.s32 $0xFFFFF060  }
0xa7: {  	_ =	swait.ge [sflag:s3], $0xFA0  }
0xa8: {  	[sflag:s3] =	ssyncset.done $0x0  }
0xa9: {  	[sflag:s3] =	ssyncadd.s32 $0xFFFFF060  }
0xaa: {  	_ =	swait.ge [sflag:s5], $0xFA0  }
0xab: {  	[sflag:s5] =	ssyncset.done $0x0  }
0xac: {  	[sflag:s5] =	ssyncadd.s32 $0xFFFFF060  }
0xad: {  	_ =	swait.ge [sflag:s6], $0xFA0  }
0xae: {  	[sflag:s6] =	ssyncset.done $0x0  }
0xaf: {  	[sflag:s6] =	ssyncadd.s32 $0xFFFFF060  }
.Ltmp0:
0xb0: {  	_ =	swait.ge [sflag:s7], $0xFA0;
	(pc) =	sbr.rel @p0 .LBB2_2-.Ltmp0, $4  }
0xb1: {  	[sflag:s7] =	ssyncset.done $0x0  }
0xb2: {  	[sflag:s7] =	ssyncadd.s32 $0xFFFFF060  }
0xb3: {  	_ =	swait.ge [sflag:s8], $0xFA0  }
0xb4: {  	s13 =	smov.u32 s9;
	[sflag:s8] =	ssyncset.done $0x0  }
0xb5: {  	s9 =	sshra.s32 s12, $0x2;
	[sflag:s8] =	ssyncadd.s32 $0xFFFFF060  }
0xb6: {  	[tilespmem:s15], [sflag:$0x1] =	stream.indirect.gather [hbm4b:s4+s14], $0x20, s9, s14, $0xb8;
	[tilespmem:$0x11D00] =	vst v63  }
0xb7: {  	s10 =	sadd.s32 $0x80, s9  }
0xb8: {  	[tilespmem:s16], [sflag:$0x2] =	stream.indirect.gather [hbm4b:s4+s14], $0x20, s10, s14, $0xb8;
	[tilespmem:$0x11D00] =	vst v63  }
0xb9: {  	s13 =	sadd.s32 $0x100, s9  }
0xba: {  	[tilespmem:s17], [sflag:$0x3] =	stream.indirect.gather [hbm4b:s4+s14], $0x20, s13, s14, $0xb8;
	[tilespmem:$0x11D00] =	vst v63  }
0xbb: {  	s12 =	sadd.s32 $0x180, s9  }
0xbc: {  	[tilespmem:s18], [sflag:$0x4] =	stream.indirect.gather [hbm4b:s4+s14], $0x20, s12, s14, $0xb8;
	[tilespmem:$0x11D00] =	vst v63  }
0xbd: {  	s13 =	sadd.s32 $0x200, s9  }
0xbe: {  	[tilespmem:s19], [sflag:$0x5] =	stream.indirect.gather [hbm4b:s4+s14], $0x20, s13, s14, $0xb8;
	[tilespmem:$0x11D00] =	vst v63  }
0xbf: {  	s12 =	sadd.s32 $0x280, s9  }
0xc0: {  	[tilespmem:s20], [sflag:$0x6] =	stream.indirect.gather [hbm4b:s4+s14], $0x20, s12, s14, $0xb8;
	[tilespmem:$0x11D00] =	vst v63  }
0xc1: {  	s13 =	sadd.s32 $0x300, s9  }
0xc2: {  	[tilespmem:s21], [sflag:$0x7] =	stream.indirect.gather [hbm4b:s4+s14], $0x20, s13, s14, $0xb8;
	[tilespmem:$0x11D00] =	vst v63  }
0xc3: {  	s12 =	sadd.s32 $0x380, s9  }
0xc4: {  	[tilespmem:s22], [sflag:$0x8] =	stream.indirect.gather [hbm4b:s4+s14], $0x20, s12, s14, $0xb8;
	[tilespmem:$0x11D00] =	vst v63  }
0xc5: {  	_ =	swait.ge [sflag:s23], $0xFA0  }
0xc6: {  	[sflag:s23] =	ssyncset.done $0x0  }
0xc7: {  	s13 =	sadd.s32 $0x2800, s9;
	[sflag:s23] =	ssyncadd.s32 $0xFFFFF060  }
0xc8: {  	[spmem:s2] =	stream.indirect.scatter.add.f32 [tilespmem:s15], [sflag:$0x9], $0x20, s13, s14, $0xb8;
	[tilespmem:$0x11D00] =	vst v63  }
0xc9: {  	_ =	swait.ge [sflag:s24], $0xFA0  }
0xca: {  	[sflag:s24] =	ssyncset.done $0x0  }
0xcb: {  	s12 =	sadd.s32 $0x2880, s9;
	[sflag:s24] =	ssyncadd.s32 $0xFFFFF060  }
0xcc: {  	[spmem:s2] =	stream.indirect.scatter.add.f32 [tilespmem:s16], [sflag:$0xA], $0x20, s12, s14, $0xb8;
	[tilespmem:$0x11D00] =	vst v63  }
0xcd: {  	_ =	swait.ge [sflag:s25], $0xFA0  }
0xce: {  	[sflag:s25] =	ssyncset.done $0x0  }
0xcf: {  	s13 =	sadd.s32 $0x2900, s9;
	[sflag:s25] =	ssyncadd.s32 $0xFFFFF060  }
0xd0: {  	[spmem:s2] =	stream.indirect.scatter.add.f32 [tilespmem:s17], [sflag:$0xB], $0x20, s13, s14, $0xb8;
	[tilespmem:$0x11D00] =	vst v63  }
0xd1: {  	_ =	swait.ge [sflag:s26], $0xFA0  }
0xd2: {  	[sflag:s26] =	ssyncset.done $0x0  }
0xd3: {  	s12 =	sadd.s32 $0x2980, s9;
	[sflag:s26] =	ssyncadd.s32 $0xFFFFF060  }
0xd4: {  	[spmem:s2] =	stream.indirect.scatter.add.f32 [tilespmem:s18], [sflag:$0xC], $0x20, s12, s14, $0xb8;
	[tilespmem:$0x11D00] =	vst v63  }
0xd5: {  	_ =	swait.ge [sflag:s28], $0xFA0  }
0xd6: {  	[sflag:s28] =	ssyncset.done $0x0  }
0xd7: {  	s13 =	sadd.s32 $0x2A00, s9;
	[sflag:s28] =	ssyncadd.s32 $0xFFFFF060  }
0xd8: {  	[spmem:s2] =	stream.indirect.scatter.add.f32 [tilespmem:s19], [sflag:$0xD], $0x20, s13, s14, $0xb8;
	[tilespmem:$0x11D00] =	vst v63  }
0xd9: {  	_ =	swait.ge [sflag:s29], $0xFA0  }
0xda: {  	[sflag:s29] =	ssyncset.done $0x0  }
0xdb: {  	s12 =	sadd.s32 $0x2A80, s9;
	[sflag:s29] =	ssyncadd.s32 $0xFFFFF060  }
0xdc: {  	[spmem:s2] =	stream.indirect.scatter.add.f32 [tilespmem:s20], [sflag:$0xE], $0x20, s12, s14, $0xb8;
	[tilespmem:$0x11D00] =	vst v63  }
0xdd: {  	_ =	swait.ge [sflag:s30], $0xFA0  }
0xde: {  	[sflag:s30] =	ssyncset.done $0x0  }
0xdf: {  	s13 =	sadd.s32 $0x2B00, s9;
	[sflag:s30] =	ssyncadd.s32 $0xFFFFF060  }
0xe0: {  	[spmem:s2] =	stream.indirect.scatter.add.f32 [tilespmem:s21], [sflag:$0xF], $0x20, s13, s14, $0xb8;
	[tilespmem:$0x11D00] =	vst v63  }
0xe1: {  	_ =	swait.ge [sflag:s31], $0xFA0  }
0xe2: {  	[sflag:s31] =	ssyncset.done $0x0  }
0xe3: {  	s9 =	sadd.s32 $0x2B80, s9;
	[sflag:s31] =	ssyncadd.s32 $0xFFFFF060  }
0xe4: {  	[spmem:s2] =	stream.indirect.scatter.add.f32 [tilespmem:s22], [sflag:$0x10], $0x20, s9, s14, $0xb8;
	[tilespmem:$0x11D00] =	vst v63  }
0xe5: {  	_ =	swait.ge [sflag:s1], $0xFA0  }
0xe6: {  	[sflag:s1] =	ssyncset.done $0x0  }
0xe7: {  	[sflag:s1] =	ssyncadd.s32 $0xFFFFF060  }
0xe8: {  	_ =	swait.ge [sflag:s0], $0xFA0  }
0xe9: {  	[sflag:s0] =	ssyncset.done $0x0  }
0xea: {  	[sflag:s0] =	ssyncadd.s32 $0xFFFFF060  }
0xeb: {  	_ =	swait.ge [sflag:s11], $0xFA0  }
0xec: {  	[sflag:s11] =	ssyncset.done $0x0  }
0xed: {  	[sflag:s11] =	ssyncadd.s32 $0xFFFFF060  }
0xee: {  	_ =	swait.ge [sflag:s3], $0xFA0  }
0xef: {  	[sflag:s3] =	ssyncset.done $0x0  }
0xf0: {  	[sflag:s3] =	ssyncadd.s32 $0xFFFFF060  }
0xf1: {  	_ =	swait.ge [sflag:s5], $0xFA0  }
0xf2: {  	[sflag:s5] =	ssyncset.done $0x0  }
0xf3: {  	[sflag:s5] =	ssyncadd.s32 $0xFFFFF060  }
0xf4: {  	_ =	swait.ge [sflag:s6], $0xFA0  }
0xf5: {  	[sflag:s6] =	ssyncset.done $0x0  }
0xf6: {  	[sflag:s6] =	ssyncadd.s32 $0xFFFFF060  }
0xf7: {  	_ =	swait.ge [sflag:s7], $0xFA0  }
0xf8: {  	[sflag:s7] =	ssyncset.done $0x0  }
0xf9: {  	[sflag:s7] =	ssyncadd.s32 $0xFFFFF060  }
0xfa: {  	_ =	swait.ge [sflag:s8], $0xFA0  }
0xfb: {  	[sflag:s8] =	ssyncset.done $0x0  }
0xfc: {  	[sflag:s8] =	ssyncadd.s32 $0xFFFFF060  }
0xfd: {  	[bflag:$0x0] =	sbarrier.arrive $0xFFFF  }
0xfe: {  	s12 =	rddreg [dreg:$0x7]  }
0xff: {  	s10 =	rddreg [dreg:$0x9]  }
0x100: {  	s13 =	rddreg [dreg:$0xa]  }
0x101: {  	[hbm:s12], [sflag:s10] =	dma.local [spmem:s13], $0xA00  }
0x102: {  	s12 =	simm.s32 $0x11  }
0x103: {  	_ =	swait.ge [sflag:s12], $0xA00  }
0x104: {  	s13 =	rddreg [dreg:$0xb]  }
0x105: {  	s10 =	rddreg [dreg:$0x8];
	s13 =	sadd.s32 $0x1, s13  }
0x106: {  	p0 =	sne.s32 s13, s10  }
.Ltmp1:
0x107: {  	_ = 	snop;
	(pc) =	sbr.rel @p0 .LBB2_1-.Ltmp1, $3  }
0x108: {  	_ =	sdelay $0x1  }
0x109: {  	[sflag:s12] =	ssyncset.done $0x0  }
0x10a: {  	[sflag:s12] =	ssyncadd.s32 $0xFFFFF600;
	[dreg:$0xb] =	wrdreg s13  }
0x10b: {  	_ =	sfence.sel $0x180000  }
0x10c: {  	[bflag:$0x0] =	sbarrier.arrive $0xFFFF  }
0x10d: {  	_ =	strace $0x9000004A  }
0x10e: {  	s0 =	stileid.u32;
	[bflag:$0x2] =	sbarrier.arrive $0xFFFF  }
0x10f: {  	p0 =	sne.s32 s0, $0x0;
	s0 =	rddreg [dreg:$0x3]  }
0x110: {  	s0 =	sadd.s32 @!p0 $0x100000, s0  }
0x111: {  	[sflag:s0] =	ssyncadd.tile.s32 @!p0 $0x1;
	_ =	shalt  }
.Lfunc_end2:
_tile_overlayer_lowered:
.L_overlay_start_2:
0x112: {  	(tag) =	ssettag $0x2  }
0x113: {  	s0 =	rddreg [dreg:$0x0];
	s2 =	stileid.u32  }
0x114: {  	s1 =	rddreg [dreg:$0x1];
	p0 =	sne.s32 s2, $0x0  }
0x115: {  	s3 =	rddreg [dreg:$0x2];
	[bflag:$0x3] =	sbarrier.arrive $0xFFFF;
	s2 =	simm.s32 @!p0 $0x1C11  }
0x116: {  	[timem:s3], [sflag:s2] =	dma.local @!p0 [hbm:s0], s1  }
0x117: {  	s0 =	simm.s32 @!p0 $0x11  }
0x118: {  	_ =	swait.ge @!p0 [sflag:s0], s1  }
0x119: {  	s1 =	ssub.s32 @!p0 $0x0, s1;
	[sflag:s0] =	ssyncset.done @!p0 $0x0  }
0x11a: {  	[sflag:s0] =	ssyncadd.s32 @!p0 s1  }
0x11b: {  	[bflag:$0x3] =	sbarrier.arrive $0xFFFF  }
0x11c: {  	_ =	shalt  }

// kernel: kernel.7.cloned.1.call-start
scs
__scs_entry_jumppad:
0x0: {  	(pc) =	sbr.rel $0x88, $3  }
0x1: {  	(tag) =	ssettag $0x0;
	lr =	simm.s32 $0x1  }
0x2: {  	[smem:$0x3F97] =	sst lr;
	_ =	strace $0xD0000000  }
0x3: {  	_ = 	snop  }
0x4: {  	_ = 	snop  }
0x5: {  	_ = 	snop  }
0x6: {  	_ = 	snop  }
0x7: {  	_ = 	snop  }
__scs_overlays_trampoline_lowered:
0x8: {  	[smem:$0x3FA6] =	sst s0  }
0x9: {  	[smem:$0x3FA7] =	sst s1  }
0xa: {  	[smem:$0x3FA8] =	sst s2  }
0xb: {  	[smem:$0x3FA9] =	sst s3  }
0xc: {  	[smem:$0x3FAA] =	sst s4  }
0xd: {  	[smem:$0x3FAB] =	sst s5  }
0xe: {  	[smem:$0x3FAC] =	sst s6  }
0xf: {  	[smem:$0x3FAD] =	sst s7  }
0x10: {  	[smem:$0x3FAE] =	sst s8  }
0x11: {  	[smem:$0x3FAF] =	sst s9;
	s0 =	simm.s32 @!p0 $0x0  }
0x12: {  	s1 =	sld [smem:$0x3F95];
	s0 =	simm.s32 @p0 $0x1  }
0x13: {  	[smem:$0x3FB0] =	sst s0;
	s0 =	simm.s32 @!p1 $0x0  }
0x14: {  	s2 =	sld [smem:$0x3F94];
	s0 =	simm.s32 @p1 $0x1  }
0x15: {  	[smem:$0x3FB1] =	sst s0;
	s0 =	simm.s32 @!p2 $0x0  }
0x16: {  	s3 =	sld [smem:$0x3FDB];
	s0 =	simm.s32 @p2 $0x1  }
0x17: {  	s4 =	simm.s32 $0x1BF5;
	[smem:$0x3FB3] =	sst s0  }
0x18: {  	s0 =	sld [smem:$0x3F96];
	_ =	swait.ge [sflag:s4], $0x0  }
0x19: {  	s7 =	sld [smem:$0x3F97]  }
0x1a: {  	s8 =	sadd.s32 $0xFFFFE003, lr  }
0x1b: {  	s9 =	sadd.s32 $0xFFFFFEF7, lr;
	s5 =	simm.s32 $0xFFFFFFFF;
	p2 =	slt.u32 s8, $0xFFFFF086  }
0x1c: {  	p1 =	slt.u32 s9, $0xF7A;
	s5 =	simm.s32 @!p2 $0x0  }
0x1d: {  	s5 =	simm.s32 @p1 $0x1;
	p0 =	seq.s32 s7, s2  }
0x1e: {  	s7 =	smul.u32 @!p0 $0xF7A, s2;
	p2 =	seq.s32 @!p0 s5, $0x0  }
0x1f: {  	s9 =	smul.u32 $0xF7A, s1;
	s8 =	simm.s32 @!p0 $0x1BF5;
	p2 =	por !p2, p0  }
0x20: {  	[sflag:s8] =	ssyncset.s32 @!p0 $0xFFFFF086;
	s6 =	sadd.s32 @!p0 s3, s7;
	s7 =	simm.s32 @!p0 $0x108  }
0x21: {  	s3 =	sadd.s32 s3, s9;
	s6 =	sadd.s32 @!p0 $0x88, s6;
	s7 =	simm.s32 @p2 $0x1082  }
0x22: {  	[simem:s7], [sflag:s8] =	dma.local @!p0 [hbm:s6], $0xF7A  }
0x23: {  	s9 =	sor.u32 $0xD0000000, s2;
	s6 =	simm.s32 $0x108;
	_ =	swait.ge @!p0 [sflag:s8], $0x0  }
0x24: {  	s3 =	sadd.s32 $0x88, s3;
	s6 =	simm.s32 @!p1 $0x1082;
	[sflag:s4] =	ssyncset.s32 $0xFFFFF086  }
0x25: {  	[simem:s6], [sflag:s4] =	dma.local [hbm:s3], $0xF7A  }
0x26: {  	[smem:$0x3F97] =	sst s1;
	(tag) =	ssettag s2;
	_ =	strace s9  }
0x27: {  	s1 =	sld [smem:$0x3FA7]  }
0x28: {  	s2 =	sld [smem:$0x3FA8]  }
0x29: {  	s4 =	sld [smem:$0x3FAA]  }
0x2a: {  	p0 =	seq.s32 s5, $0x0;
	s5 =	sld [smem:$0x3FAB]  }
0x2b: {  	s6 =	sld [smem:$0x3FAC]  }
0x2c: {  	s7 =	sld [smem:$0x3FAD]  }
0x2d: {  	s3 =	simm.s32 $0x108;
	s8 =	sld [smem:$0x3FAE]  }
0x2e: {  	s3 =	simm.s32 @!p0 $0x1082;
	s9 =	sld [smem:$0x3FAF]  }
0x2f: {  	lr =	sadd.s32 s0, s3;
	s0 =	sld [smem:$0x3FA6]  }
0x30: {  	s3 =	sld [smem:$0x3FA9]  }
0x31: {  	[smem:$0x3FB2] =	sst s10  }
0x32: {  	s10 =	sld [smem:$0x3FB0];
	_ =	sdelay $0x3  }
0x33: {  	p0 =	seq.s32 s10, $0x1;
	s10 =	sld [smem:$0x3FB2];
	_ =	sdelay $0x3  }
0x34: {  	[smem:$0x3FB2] =	sst s10  }
0x35: {  	s10 =	sld [smem:$0x3FB1];
	_ =	sdelay $0x3  }
0x36: {  	p1 =	seq.s32 s10, $0x1;
	s10 =	sld [smem:$0x3FB2];
	_ =	sdelay $0x3  }
0x37: {  	[smem:$0x3FB2] =	sst s10  }
0x38: {  	s10 =	sld [smem:$0x3FB3]  }
0x39: {  	_ = 	snop;
	(pc) =	sbr.ind lr, $3  }
0x3a: {  	_ = 	snop  }
0x3b: {  	_ = 	snop  }
0x3c: {  	p2 =	seq.s32 s10, $0x1;
	s10 =	sld [smem:$0x3FB2]  }
0x3d: {  	_ =	shalt  }
0x3e: {  	_ =	shalt  }
0x3f: {  	_ =	shalt  }
0x40: {  	_ =	shalt  }
0x41: {  	_ =	shalt  }
0x42: {  	_ =	shalt  }
0x43: {  	_ =	shalt  }
0x44: {  	_ =	shalt  }
0x45: {  	_ =	shalt  }
0x46: {  	_ =	shalt  }
0x47: {  	_ =	shalt  }
0x48: {  	_ =	shalt  }
0x49: {  	_ =	shalt  }
0x4a: {  	_ =	shalt  }
0x4b: {  	_ =	shalt  }
0x4c: {  	_ =	shalt  }
0x4d: {  	_ =	shalt  }
0x4e: {  	_ =	shalt  }
0x4f: {  	_ =	shalt  }
0x50: {  	_ =	shalt  }
0x51: {  	_ =	shalt  }
0x52: {  	_ =	shalt  }
0x53: {  	_ =	shalt  }
0x54: {  	_ =	shalt  }
0x55: {  	_ =	shalt  }
0x56: {  	_ =	shalt  }
0x57: {  	_ =	shalt  }
0x58: {  	_ =	shalt  }
0x59: {  	_ =	shalt  }
0x5a: {  	_ =	shalt  }
0x5b: {  	_ =	shalt  }
0x5c: {  	_ =	shalt  }
0x5d: {  	_ =	shalt  }
0x5e: {  	_ =	shalt  }
0x5f: {  	_ =	shalt  }
0x60: {  	_ =	shalt  }
0x61: {  	_ =	shalt  }
0x62: {  	_ =	shalt  }
0x63: {  	_ =	shalt  }
0x64: {  	_ =	shalt  }
0x65: {  	_ =	shalt  }
0x66: {  	_ =	shalt  }
0x67: {  	_ =	shalt  }
0x68: {  	_ =	shalt  }
0x69: {  	_ =	shalt  }
0x6a: {  	_ =	shalt  }
0x6b: {  	_ =	shalt  }
0x6c: {  	_ =	shalt  }
0x6d: {  	_ =	shalt  }
0x6e: {  	_ =	shalt  }
0x6f: {  	_ =	shalt  }
0x70: {  	_ =	shalt  }
0x71: {  	_ =	shalt  }
0x72: {  	_ =	shalt  }
0x73: {  	_ =	shalt  }
0x74: {  	_ =	shalt  }
0x75: {  	_ =	shalt  }
0x76: {  	_ =	shalt  }
0x77: {  	_ =	shalt  }
0x78: {  	_ =	shalt  }
0x79: {  	_ =	shalt  }
0x7a: {  	_ =	shalt  }
0x7b: {  	_ =	shalt  }
0x7c: {  	_ =	shalt  }
0x7d: {  	_ =	shalt  }
0x7e: {  	_ =	shalt  }
0x7f: {  	_ =	shalt  }
0x80: {  	_ =	shalt  }
0x81: {  	_ =	shalt  }
0x82: {  	_ =	shalt  }
0x83: {  	_ =	shalt  }
0x84: {  	_ =	shalt  }
0x85: {  	_ =	shalt  }
0x86: {  	_ =	shalt  }
0x87: {  	_ =	shalt  }
.Lfunc_end0:
.L_simem_size_0:
called_computation_lowered:
.L_overlay_start_0:
0x88: {  	s2 =	sld [smem:$0x3FD9]  }
0x89: {  	s3 =	sld [smem:$0x3FFE];
	_ =	sdelay $0x1  }
0x8a: {  	s1 =	srdreg.scid  }
0x8b: {  	s0 =	sand.u32 $0x1, s1  }
0x8c: {  	s17 =	sshll.u32 s0, $0xA;
	s2 =	sadd.s32 s3, s2  }
0x8d: {  	s2 =	sadd.s32 s2, s17  }
0x8e: {  	[smem:$0x3FBE] =	sst s2  }
0x8f: {  	_ = 	snop  }
0x90: {  	s2 =	sld [smem:$0x3FD0];
	(tm) =	ssettm $0x1  }
0x91: {  	s18 =	sld [smem:$0x3FFB];
	_ =	sdelay $0x3  }
0x92: {  	_ =	strace s18  }
0x93: {  	s3 =	sld [smem:$0x3FFC];
	_ =	sdelay $0x3  }
0x94: {  	_ =	strace s3  }
0x95: {  	s3 =	sld [smem:$0x3FFD];
	_ =	sdelay $0x3  }
0x96: {  	_ =	strace s3  }
0x97: {  	_ =	strace $0x8FFFFFFF  }
0x98: {  	s19 =	sld [smem:$0x3FDB];
	_ =	sdelay $0x1  }
0x99: {  	s4 =	simm.s32 $_scs_section_size  }
0x9a: {  	s5 =	simm.s32 $_size__tile_overlayer_lowered;
	s6 =	simm.s32 $_tile_overlayer_lowered  }
0x9b: {  	s22 =	simm.s32 $0x1BFF;
	s21 =	sshll.u32 s6, $0x1;
	s3 =	sadd.s32 s4, s19  }
0x9c: {  	s7 =	simm.s32 $0x0;
	s20 =	sshll.u32 s5, $0x1;
	s5 =	sadd.s32 s21, s3  }
0x9d: {  	[timem:s7], [sflag:s22] =	dma.local [hbm:s5], s20  }
0x9e: {  	_ =	swait.ge [sflag:s22], s20  }
0x9f: {  	s4 =	ssub.s32 $0x0, s20;
	[sflag:s22] =	ssyncset.done $0x0  }
0xa0: {  	[sflag:s22] =	ssyncadd.s32 s4;
	_ =	sdelay $0x1  }
0xa1: {  	s23 =	simm.s32 $0x1B8B  }
0xa2: {  	_ =	swait.ge [sflag:s23], $0x1  }
0xa3: {  	[sflag:s23] =	ssyncset.done $0x0  }
0xa4: {  	s25 =	simm.s32 $0x1B8E;
	s24 =	sld [smem:$0x3FFE];
	[sflag:s23] =	ssyncadd.s32 $0xFFFFFFFF  }
0xa5: {  	s26 =	simm.s32 $execute0_lowered;
	[smem:$0x3FD2] =	sst s25  }
0xa6: {  	s5 =	sshll.u32 s26, $0x1;
	_ =	strace $0x80000046;
	[dreg:$0x1] =	wrdreg $0xFFFFFFFF  }
0xa7: {  	s28 =	simm.s32 $_size_execute0_lowered;
	s3 =	sadd.s32 s3, s5;
	[dreg:$0x0] =	wrdreg $0x0  }
0xa8: {  	s5 =	sshll.u32 s28, $0x1;
	[dreg:$0x2] =	wrdreg s3  }
0xa9: {  	[dreg:$0x3] =	wrdreg s5  }
0xaa: {  	[dreg:$0x4] =	wrdreg $0xC0  }
0xab: {  	_ =	task [dreg:s7], $0x5FFFF  }
0xac: {  	[dreg:$0x1] =	wrdreg $0xFFFFFFFF  }
0xad: {  	[dreg:$0x0] =	wrdreg $0x60  }
0xae: {  	[dreg:$0x2] =	wrdreg s2  }
0xaf: {  	[dreg:$0x3] =	wrdreg s24  }
0xb0: {  	[dreg:$0x4] =	wrdreg $0xCD000  }
0xb1: {  	[dreg:$0x5] =	wrdreg $0x12CA00  }
0xb2: {  	[dreg:$0x6] =	wrdreg $0x9  }
0xb3: {  	_ =	task.clear_ibuf [dreg:s7], $0x7FFFF;
	_ =	strace $0x90000046  }
0xb4: {  	s29 =	simm.s32 $0x9;
	_ =	strace $0x80000048  }
0xb5: {  	_ =	swait.ge [sflag:s29], $0x1  }
0xb6: {  	[sflag:s29] =	ssyncadd.s32 $0xFFFFFFFF  }
0xb7: {  	_ =	strace $0x90000048  }
0xb8: {  	_ =	sfence  }
0xb9: {  	s30 =	sld [smem:$0x0];
	_ =	sdelay $0x2  }
0xba: {  	s31 =	sshll.u32 s1, $0xD;
	s1 =	sshrl.u32 s1, $0x2  }
0xbb: {  	s3 =	sand.u32 $0x4000, s31;
	s1 =	sadd.s32 s1, s30  }
0xbc: {  	s0 =	sor.u32 s3, s0;
	s1 =	sshll.u32 s1, $0x11  }
0xbd: {  	s0 =	sor.u32 s1, s0  }
0xbe: {  	s0 =	sadd.s32 $0x8F2B, s0  }
0xbf: {  	[sflag:s0] =	ssyncadd.remote.s32 $0x1  }
0xc0: {  	_ =	sfence.sel $0xFFFF  }
0xc1: {  	[dreg:$0x0] =	wrdreg $0xFFFFFFFF;
	(pc) =	sbr.abs _section_cstart, $3  }
0xc2: {  	[dreg:$0x1] =	wrdreg $0xFFFFFFFF  }
0xc3: {  	_ =	task.clear_ibuf [dreg:s7], $0x2FFFF;
	_ =	strace $0x9FFFFFFF  }
0xc4: {  	(tm) =	ssettm $0x7FFFFFFF  }
0xc5: {  	_ =	shalt  }
tec
execute0_lowered:
.L_overlay_start_1:
0x0: {  	(tag) =	ssettag $0x1  }
0x1: {  	s0 =	rddreg [dreg:$0x0]  }
0x2: {  	s1 =	srdreg.scid;
	s4 =	rddreg [dreg:$0x1]  }
0x3: {  	s11 =	stileid.u32;
	s2 =	rddreg [dreg:$0x2]  }
0x4: {  	s20 =	simm.s32 $0x0;
	s17 =	simm.s32 $0x11D00;
	s19 =	simm.s32 $0x7D  }
0x5: {  	s31 =	simm.s32 $0x3;
	s14 =	simm.s32 $0x6;
	s16 =	simm.s32 $0xF  }
0x6: {  	s18 =	simm.s32 $0x10;
	s29 =	simm.s32 $0xADC0;
	s30 =	simm.s32 $0xBD60  }
0x7: {  	s1 =	sand.u32 $0x1, s1;
	s3 =	sshll.u32 s11, $0x1;
	s7 =	smul.u32 $0x5000, s11  }
0x8: {  	[smem:$0x7FF] =	sst s20;
	s12 =	sadd.s32 $0x3EC00, s4;
	s28 =	sshll.u32 s11, $0x6  }
0x9: {  	s11 =	simm.s32 $0xB;
	s5 =	sor.u32 s1, s3;
	s3 =	rddreg [dreg:$0x3]  }
0xa: {  	s8 =	smul.u32 $0x50000, s1;
	_ =	strace $0x80000047;
	s1 =	ssub.s32 $0x2, s1  }
0xb: {  	[dreg:$0x5] =	wrdreg s12;
	s15 =	sor.u32 $0x1C11, s28;
	s12 =	simm.s32 $0xC  }
0xc: {  	s6 =	smul.u32 $0x500, s5;
	s5 =	sadd.s32 $0xCC00, s4;
	s10 =	sshrl.u32 s7, $0x3  }
0xd: {  	s21 =	sshrl.u32 s1, $0x1;
	s23 =	sadd.s32 s7, s2;
	s25 =	sadd.s32 s7, s3  }
0xe: {  	[dreg:$0xc] =	wrdreg s15;
	s8 =	sadd.s32 s7, s8;
	s10 =	sadd.s32 s10, s4  }
0xf: {  	s1 =	ssub.s32 s1, s21;
	s21 =	simm.s32 $0x11;
	s20 =	sshrl.u32 s23, $0x3  }
0x10: {  	s23 =	sshrl.u32 s25, $0x3;
	s7 =	simm.s32 $0x8;
	s9 =	sadd.s32 s6, s4  }
0x11: {  	s8 =	sshrl.u32 s8, $0x3;
	s0 =	sadd.s32 s0, s6;
	[dreg:$0xd] =	wrdreg s20  }
0x12: {  	s24 =	sadd.s32 $0x34C00, s10;
	s1 =	smax.u32 s1, $0x1;
	[dreg:$0xe] =	wrdreg s23  }
0x13: {  	s6 =	simm.s32 $0x7;
	s10 =	simm.s32 $0xA;
	[dreg:$0x6] =	wrdreg s0  }
0x14: {  	s4 =	sadd.s32 s8, s4;
	s22 =	sadd.s32 $0x2C00, s9;
	[dreg:$0x8] =	wrdreg s24  }
0x15: {  	[dreg:$0xb] =	wrdreg s1;
	s1 =	simm.s32 $0x4;
	s0 =	simm.s32 $0x5  }
0x16: {  	s8 =	simm.s32 $0x9;
	[dreg:$0x7] =	wrdreg s22;
	s26 =	sadd.s32 $0x3EE00, s4  }
0x17: {  	s9 =	simm.s32 $0xE;
	s4 =	sadd.s32 $0x52E00, s4;
	[dreg:$0x9] =	wrdreg s26  }
0x18: {  	s22 =	simm.s32 $0x0;
	[dreg:$0xa] =	wrdreg s4;
	s4 =	simm.s32 $0xD  }
.LBB2_1:
0x19: {  	[dreg:$0xf] =	wrdreg s22  }
0x1a: {  	s24 =	simm.s32 $0x0;
	s13 =	rddreg [dreg:$0x6]  }
0x1b: {  	[tilespmem:s24], [sflag:$0x11] =	stream.linear.gather [hbm4b:s13+s24], $0x2800, $0x38;
	[tilespmem:$0x17CA0] =	vst v63  }
0x1c: {  	_ =	swait.ge [sflag:s21], $0x2800  }
0x1d: {  	[sflag:s21] =	ssyncset.done $0x0  }
0x1e: {  	s26 =	simm.s32 $0x2800;
	s25 =	rddreg [dreg:$0x7];
	[sflag:s21] =	ssyncadd.s32 $0xFFFFD800  }
0x1f: {  	[tilespmem:s26], [sflag:$0x11] =	stream.linear.gather [hbm4b:s25+s24], $0x2800, $0x38;
	[tilespmem:$0x17CA0] =	vst v63  }
0x20: {  	_ =	swait.ge [sflag:s21], $0x2800  }
0x21: {  	s22 =	smov.u32 s15;
	[sflag:s21] =	ssyncset.done $0x0  }
0x22: {  	s13 =	smov.u32 s20;
	s28 =	rddreg [dreg:$0x8];
	[sflag:s21] =	ssyncadd.s32 $0xFFFFD800  }
0x23: {  	[spmem:s13], [sflag:s22] =	dma.local [hbm:s28], $0xA00  }
0x24: {  	_ =	swait.ge [sflag:s21], $0xA00  }
0x25: {  	[sflag:s21] =	ssyncset.done $0x0  }
0x26: {  	s13 =	rddreg [dreg:$0x5];
	[sflag:s21] =	ssyncadd.s32 $0xFFFFF600  }
0x27: {  	[tilespmem:s17], [sflag:$0x11] =	stream.linear.gather [hbm4b:s13+s24], $0xFA0, $0x38;
	[tilespmem:$0x17CA0] =	vst v63  }
0x28: {  	_ =	swait.ge [sflag:s21], $0xFA0  }
0x29: {  	[sflag:s21] =	ssyncset.done $0x0  }
0x2a: {  	[sflag:s21] =	ssyncadd.s32 $0xFFFFF060  }
0x2b: {  	[spmem:s23], [sflag:s22] =	dma.local [hbm:s28], $0xA00  }
0x2c: {  	_ =	swait.ge [sflag:s21], $0xA00  }
0x2d: {  	[sflag:s21] =	ssyncset.done $0x0  }
0x2e: {  	[sflag:s21] =	ssyncadd.s32 $0xFFFFF600  }
0x2f: {  	s15 =	simm.s32 $0x5000;
	s20 =	simm.s32 $0x0;
	[bflag:$0x0] =	sbarrier.arrive $0xFFFF  }
0x30: {  	[tilespmem:s15], [sflag:$0x1] =	stream.indirect.gather [hbm4b:s5+s19], $0x20, s20, s19, $0xb8;
	[tilespmem:$0x17CA0] =	vst v63  }
0x31: {  	s21 =	simm.s32 $0x80;
	s20 =	simm.s32 $0x5FA0  }
0x32: {  	[tilespmem:s20], [sflag:$0x2] =	stream.indirect.gather [hbm4b:s5+s19], $0x20, s21, s19, $0xb8;
	[tilespmem:$0x17CA0] =	vst v63  }
0x33: {  	s22 =	simm.s32 $0x100;
	s21 =	simm.s32 $0x6F40  }
0x34: {  	[tilespmem:s21], [sflag:$0x3] =	stream.indirect.gather [hbm4b:s5+s19], $0x20, s22, s19, $0xb8;
	[tilespmem:$0x17CA0] =	vst v63  }
0x35: {  	s23 =	simm.s32 $0x180;
	s22 =	simm.s32 $0x7EE0  }
0x36: {  	[tilespmem:s22], [sflag:$0x4] =	stream.indirect.gather [hbm4b:s5+s19], $0x20, s23, s19, $0xb8;
	[tilespmem:$0x17CA0] =	vst v63  }
0x37: {  	s24 =	simm.s32 $0x200;
	s23 =	simm.s32 $0x8E80  }
0x38: {  	[tilespmem:s23], [sflag:$0x5] =	stream.indirect.gather [hbm4b:s5+s19], $0x20, s24, s19, $0xb8;
	[tilespmem:$0x17CA0] =	vst v63  }
0x39: {  	s25 =	simm.s32 $0x280;
	s24 =	simm.s32 $0x9E20  }
0x3a: {  	[tilespmem:s24], [sflag:$0x6] =	stream.indirect.gather [hbm4b:s5+s19], $0x20, s25, s19, $0xb8;
	[tilespmem:$0x17CA0] =	vst v63  }
0x3b: {  	s26 =	simm.s32 $0x300;
	s25 =	simm.s32 $0xADC0  }
0x3c: {  	[tilespmem:s25], [sflag:$0x7] =	stream.indirect.gather [hbm4b:s5+s19], $0x20, s26, s19, $0xb8;
	[tilespmem:$0x17CA0] =	vst v63  }
0x3d: {  	s28 =	simm.s32 $0x380;
	s26 =	simm.s32 $0xBD60  }
0x3e: {  	[tilespmem:s26], [sflag:$0x8] =	stream.indirect.gather [hbm4b:s5+s19], $0x20, s28, s19, $0xb8;
	[tilespmem:$0x17CA0] =	vst v63  }
0x3f: {  	s28 =	simm.s32 $0x1  }
0x40: {  	_ =	swait.ge [sflag:s28], $0xFA0  }
0x41: {  	[sflag:s28] =	ssyncset.done $0x0  }
0x42: {  	[sflag:s28] =	ssyncadd.s32 $0xFFFFF060;
	s28 =	simm.s32 $0x2800  }
0x43: {  	[spmem:s2] =	stream.indirect.scatter.add.f32 [tilespmem:s15], [sflag:$0x9], $0x20, s28, s19, $0xb8;
	[tilespmem:$0x17CA0] =	vst v63  }
0x44: {  	_ = 	snop  }
0x45: {  	[spmem:s3] =	stream.indirect.scatter.add.f32 [tilespmem:s17], [sflag:$0x9], $0x20, s28, s19, $0xb8;
	[tilespmem:$0x17CA0] =	vst v63  }
0x46: {  	s28 =	simm.s32 $0x2  }
0x47: {  	_ =	swait.ge [sflag:s28], $0xFA0  }
0x48: {  	[sflag:s28] =	ssyncset.done $0x0  }
0x49: {  	s15 =	simm.s32 $0x2880;
	[sflag:s28] =	ssyncadd.s32 $0xFFFFF060  }
0x4a: {  	[spmem:s2] =	stream.indirect.scatter.add.f32 [tilespmem:s20], [sflag:$0xA], $0x20, s15, s19, $0xb8;
	[tilespmem:$0x17CA0] =	vst v63  }
0x4b: {  	_ = 	snop  }
0x4c: {  	[spmem:s3] =	stream.indirect.scatter.add.f32 [tilespmem:s17], [sflag:$0xA], $0x20, s15, s19, $0xb8;
	[tilespmem:$0x17CA0] =	vst v63  }
0x4d: {  	_ =	swait.ge [sflag:s31], $0xFA0  }
0x4e: {  	[sflag:s31] =	ssyncset.done $0x0  }
0x4f: {  	s20 =	simm.s32 $0x2900;
	[sflag:s31] =	ssyncadd.s32 $0xFFFFF060  }
0x50: {  	[spmem:s2] =	stream.indirect.scatter.add.f32 [tilespmem:s21], [sflag:$0xB], $0x20, s20, s19, $0xb8;
	[tilespmem:$0x17CA0] =	vst v63  }
0x51: {  	_ = 	snop  }
0x52: {  	[spmem:s3] =	stream.indirect.scatter.add.f32 [tilespmem:s17], [sflag:$0xB], $0x20, s20, s19, $0xb8;
	[tilespmem:$0x17CA0] =	vst v63  }
0x53: {  	_ =	swait.ge [sflag:s1], $0xFA0  }
0x54: {  	[sflag:s1] =	ssyncset.done $0x0  }
0x55: {  	s21 =	simm.s32 $0x2980;
	[sflag:s1] =	ssyncadd.s32 $0xFFFFF060  }
0x56: {  	[spmem:s2] =	stream.indirect.scatter.add.f32 [tilespmem:s22], [sflag:$0xC], $0x20, s21, s19, $0xb8;
	[tilespmem:$0x17CA0] =	vst v63  }
0x57: {  	_ = 	snop  }
0x58: {  	[spmem:s3] =	stream.indirect.scatter.add.f32 [tilespmem:s17], [sflag:$0xC], $0x20, s21, s19, $0xb8;
	[tilespmem:$0x17CA0] =	vst v63  }
0x59: {  	_ =	swait.ge [sflag:s0], $0xFA0  }
0x5a: {  	[sflag:s0] =	ssyncset.done $0x0  }
0x5b: {  	s22 =	simm.s32 $0x2A00;
	[sflag:s0] =	ssyncadd.s32 $0xFFFFF060  }
0x5c: {  	[spmem:s2] =	stream.indirect.scatter.add.f32 [tilespmem:s23], [sflag:$0xD], $0x20, s22, s19, $0xb8;
	[tilespmem:$0x17CA0] =	vst v63  }
0x5d: {  	_ = 	snop  }
0x5e: {  	[spmem:s3] =	stream.indirect.scatter.add.f32 [tilespmem:s17], [sflag:$0xD], $0x20, s22, s19, $0xb8;
	[tilespmem:$0x17CA0] =	vst v63  }
0x5f: {  	_ =	swait.ge [sflag:s14], $0xFA0  }
0x60: {  	[sflag:s14] =	ssyncset.done $0x0  }
0x61: {  	s23 =	simm.s32 $0x2A80;
	[sflag:s14] =	ssyncadd.s32 $0xFFFFF060  }
0x62: {  	[spmem:s2] =	stream.indirect.scatter.add.f32 [tilespmem:s24], [sflag:$0xE], $0x20, s23, s19, $0xb8;
	[tilespmem:$0x17CA0] =	vst v63  }
0x63: {  	_ = 	snop  }
0x64: {  	[spmem:s3] =	stream.indirect.scatter.add.f32 [tilespmem:s17], [sflag:$0xE], $0x20, s23, s19, $0xb8;
	[tilespmem:$0x17CA0] =	vst v63  }
0x65: {  	_ =	swait.ge [sflag:s6], $0xFA0  }
0x66: {  	[sflag:s6] =	ssyncset.done $0x0  }
0x67: {  	s24 =	simm.s32 $0x2B00;
	[sflag:s6] =	ssyncadd.s32 $0xFFFFF060  }
0x68: {  	[spmem:s2] =	stream.indirect.scatter.add.f32 [tilespmem:s25], [sflag:$0xF], $0x20, s24, s19, $0xb8;
	[tilespmem:$0x17CA0] =	vst v63  }
0x69: {  	_ = 	snop  }
0x6a: {  	[spmem:s3] =	stream.indirect.scatter.add.f32 [tilespmem:s17], [sflag:$0xF], $0x20, s24, s19, $0xb8;
	[tilespmem:$0x17CA0] =	vst v63  }
0x6b: {  	_ =	swait.ge [sflag:s7], $0xFA0  }
0x6c: {  	[sflag:s7] =	ssyncset.done $0x0  }
0x6d: {  	s28 =	simm.s32 $0x2B80;
	[sflag:s7] =	ssyncadd.s32 $0xFFFFF060  }
0x6e: {  	[spmem:s2] =	stream.indirect.scatter.add.f32 [tilespmem:s26], [sflag:$0x10], $0x20, s28, s19, $0xb8;
	[tilespmem:$0x17CA0] =	vst v63  }
0x6f: {  	_ = 	snop  }
0x70: {  	[spmem:s3] =	stream.indirect.scatter.add.f32 [tilespmem:s17], [sflag:$0x10], $0x20, s28, s19, $0xb8;
	[tilespmem:$0x17CA0] =	vst v63  }
0x71: {  	_ =	swait.ge [sflag:s8], $0xFA0  }
0x72: {  	[sflag:s8] =	ssyncset.done $0x0  }
0x73: {  	[sflag:s8] =	ssyncadd.s32 $0xFFFFF060  }
0x74: {  	_ =	swait.ge [sflag:s8], $0xFA0  }
0x75: {  	[sflag:s8] =	ssyncset.done $0x0  }
0x76: {  	[sflag:s8] =	ssyncadd.s32 $0xFFFFF060  }
0x77: {  	_ =	swait.ge [sflag:s10], $0xFA0  }
0x78: {  	[sflag:s10] =	ssyncset.done $0x0  }
0x79: {  	[sflag:s10] =	ssyncadd.s32 $0xFFFFF060  }
0x7a: {  	_ =	swait.ge [sflag:s10], $0xFA0  }
0x7b: {  	[sflag:s10] =	ssyncset.done $0x0  }
0x7c: {  	[sflag:s10] =	ssyncadd.s32 $0xFFFFF060  }
0x7d: {  	_ =	swait.ge [sflag:s11], $0xFA0  }
0x7e: {  	[sflag:s11] =	ssyncset.done $0x0  }
0x7f: {  	[sflag:s11] =	ssyncadd.s32 $0xFFFFF060  }
0x80: {  	_ =	swait.ge [sflag:s11], $0xFA0  }
0x81: {  	[sflag:s11] =	ssyncset.done $0x0  }
0x82: {  	[sflag:s11] =	ssyncadd.s32 $0xFFFFF060  }
0x83: {  	_ =	swait.ge [sflag:s12], $0xFA0  }
0x84: {  	[sflag:s12] =	ssyncset.done $0x0  }
0x85: {  	[sflag:s12] =	ssyncadd.s32 $0xFFFFF060  }
0x86: {  	_ =	swait.ge [sflag:s12], $0xFA0  }
0x87: {  	[sflag:s12] =	ssyncset.done $0x0  }
0x88: {  	[sflag:s12] =	ssyncadd.s32 $0xFFFFF060  }
0x89: {  	_ =	swait.ge [sflag:s4], $0xFA0  }
0x8a: {  	[sflag:s4] =	ssyncset.done $0x0  }
0x8b: {  	[sflag:s4] =	ssyncadd.s32 $0xFFFFF060  }
0x8c: {  	_ =	swait.ge [sflag:s4], $0xFA0  }
0x8d: {  	[sflag:s4] =	ssyncset.done $0x0  }
0x8e: {  	[sflag:s4] =	ssyncadd.s32 $0xFFFFF060  }
0x8f: {  	_ =	swait.ge [sflag:s9], $0xFA0  }
0x90: {  	[sflag:s9] =	ssyncset.done $0x0  }
0x91: {  	[sflag:s9] =	ssyncadd.s32 $0xFFFFF060  }
0x92: {  	_ =	swait.ge [sflag:s9], $0xFA0  }
0x93: {  	[sflag:s9] =	ssyncset.done $0x0  }
0x94: {  	[sflag:s9] =	ssyncadd.s32 $0xFFFFF060  }
0x95: {  	_ =	swait.ge [sflag:s16], $0xFA0  }
0x96: {  	[sflag:s16] =	ssyncset.done $0x0  }
0x97: {  	[sflag:s16] =	ssyncadd.s32 $0xFFFFF060  }
0x98: {  	_ =	swait.ge [sflag:s16], $0xFA0  }
0x99: {  	[sflag:s16] =	ssyncset.done $0x0  }
0x9a: {  	[sflag:s16] =	ssyncadd.s32 $0xFFFFF060  }
0x9b: {  	_ =	swait.ge [sflag:s18], $0xFA0  }
0x9c: {  	[sflag:s18] =	ssyncset.done $0x0  }
0x9d: {  	[sflag:s18] =	ssyncadd.s32 $0xFFFFF060  }
0x9e: {  	_ =	swait.ge [sflag:s18], $0xFA0  }
0x9f: {  	s13 =	simm.s32 $0x2000;
	s15 =	simm.s32 $0x1000;
	[sflag:s18] =	ssyncset.done $0x0  }
.LBB2_2:
0xa0: {  	s20 =	sshra.s32 s15, $0x2;
	[sflag:s18] =	ssyncadd.s32 $0xFFFFF060  }
0xa1: {  	s15 =	smov.u32 s13;
	s21 =	sadd.s32 $0x1000, s13;
	s22 =	simm.s32 $0x5000  }
0xa2: {  	[tilespmem:s22], [sflag:$0x1] =	stream.indirect.gather [hbm4b:s5+s19], $0x20, s20, s19, $0xb8;
	[tilespmem:$0x17CA0] =	vst v63  }
0xa3: {  	p0 =	sne.s32 s13, $0x9000;
	s23 =	simm.s32 $0x5FA0;
	s13 =	sadd.s32 $0x80, s20  }
0xa4: {  	[tilespmem:s23], [sflag:$0x2] =	stream.indirect.gather [hbm4b:s5+s19], $0x20, s13, s19, $0xb8;
	[tilespmem:$0x17CA0] =	vst v63  }
0xa5: {  	s24 =	simm.s32 $0x6F40;
	s13 =	sadd.s32 $0x100, s20  }
0xa6: {  	[tilespmem:s24], [sflag:$0x3] =	stream.indirect.gather [hbm4b:s5+s19], $0x20, s13, s19, $0xb8;
	[tilespmem:$0x17CA0] =	vst v63  }
0xa7: {  	s25 =	simm.s32 $0x7EE0;
	s13 =	sadd.s32 $0x180, s20  }
0xa8: {  	[tilespmem:s25], [sflag:$0x4] =	stream.indirect.gather [hbm4b:s5+s19], $0x20, s13, s19, $0xb8;
	[tilespmem:$0x17CA0] =	vst v63  }
0xa9: {  	s26 =	simm.s32 $0x8E80;
	s13 =	sadd.s32 $0x200, s20  }
0xaa: {  	[tilespmem:s26], [sflag:$0x5] =	stream.indirect.gather [hbm4b:s5+s19], $0x20, s13, s19, $0xb8;
	[tilespmem:$0x17CA0] =	vst v63  }
0xab: {  	s28 =	simm.s32 $0x9E20;
	s13 =	sadd.s32 $0x280, s20  }
0xac: {  	[tilespmem:s28], [sflag:$0x6] =	stream.indirect.gather [hbm4b:s5+s19], $0x20, s13, s19, $0xb8;
	[tilespmem:$0x17CA0] =	vst v63  }
0xad: {  	s13 =	sadd.s32 $0x300, s20  }
0xae: {  	[tilespmem:s29], [sflag:$0x7] =	stream.indirect.gather [hbm4b:s5+s19], $0x20, s13, s19, $0xb8;
	[tilespmem:$0x17CA0] =	vst v63  }
0xaf: {  	s13 =	sadd.s32 $0x380, s20  }
0xb0: {  	[tilespmem:s30], [sflag:$0x8] =	stream.indirect.gather [hbm4b:s5+s19], $0x20, s13, s19, $0xb8;
	[tilespmem:$0x17CA0] =	vst v63  }
0xb1: {  	s13 =	simm.s32 $0x1  }
0xb2: {  	_ =	swait.ge [sflag:s13], $0xFA0  }
0xb3: {  	[sflag:s13] =	ssyncset.done $0x0  }
0xb4: {  	[sflag:s13] =	ssyncadd.s32 $0xFFFFF060;
	s13 =	sadd.s32 $0x2800, s20  }
0xb5: {  	[spmem:s2] =	stream.indirect.scatter.add.f32 [tilespmem:s22], [sflag:$0x9], $0x20, s13, s19, $0xb8;
	[tilespmem:$0x17CA0] =	vst v63  }
0xb6: {  	_ = 	snop  }
0xb7: {  	[spmem:s3] =	stream.indirect.scatter.add.f32 [tilespmem:s17], [sflag:$0x9], $0x20, s13, s19, $0xb8;
	[tilespmem:$0x17CA0] =	vst v63  }
0xb8: {  	s13 =	simm.s32 $0x2  }
0xb9: {  	_ =	swait.ge [sflag:s13], $0xFA0  }
0xba: {  	[sflag:s13] =	ssyncset.done $0x0  }
0xbb: {  	[sflag:s13] =	ssyncadd.s32 $0xFFFFF060;
	s13 =	sadd.s32 $0x2880, s20  }
0xbc: {  	[spmem:s2] =	stream.indirect.scatter.add.f32 [tilespmem:s23], [sflag:$0xA], $0x20, s13, s19, $0xb8;
	[tilespmem:$0x17CA0] =	vst v63  }
0xbd: {  	_ = 	snop  }
0xbe: {  	[spmem:s3] =	stream.indirect.scatter.add.f32 [tilespmem:s17], [sflag:$0xA], $0x20, s13, s19, $0xb8;
	[tilespmem:$0x17CA0] =	vst v63  }
0xbf: {  	_ =	swait.ge [sflag:s31], $0xFA0  }
0xc0: {  	[sflag:s31] =	ssyncset.done $0x0  }
0xc1: {  	s13 =	sadd.s32 $0x2900, s20;
	[sflag:s31] =	ssyncadd.s32 $0xFFFFF060  }
0xc2: {  	[spmem:s2] =	stream.indirect.scatter.add.f32 [tilespmem:s24], [sflag:$0xB], $0x20, s13, s19, $0xb8;
	[tilespmem:$0x17CA0] =	vst v63  }
0xc3: {  	_ = 	snop  }
0xc4: {  	[spmem:s3] =	stream.indirect.scatter.add.f32 [tilespmem:s17], [sflag:$0xB], $0x20, s13, s19, $0xb8;
	[tilespmem:$0x17CA0] =	vst v63  }
0xc5: {  	_ =	swait.ge [sflag:s1], $0xFA0  }
0xc6: {  	[sflag:s1] =	ssyncset.done $0x0  }
0xc7: {  	s13 =	sadd.s32 $0x2980, s20;
	[sflag:s1] =	ssyncadd.s32 $0xFFFFF060  }
0xc8: {  	[spmem:s2] =	stream.indirect.scatter.add.f32 [tilespmem:s25], [sflag:$0xC], $0x20, s13, s19, $0xb8;
	[tilespmem:$0x17CA0] =	vst v63  }
0xc9: {  	_ = 	snop  }
0xca: {  	[spmem:s3] =	stream.indirect.scatter.add.f32 [tilespmem:s17], [sflag:$0xC], $0x20, s13, s19, $0xb8;
	[tilespmem:$0x17CA0] =	vst v63  }
0xcb: {  	_ =	swait.ge [sflag:s0], $0xFA0  }
0xcc: {  	[sflag:s0] =	ssyncset.done $0x0  }
0xcd: {  	s13 =	sadd.s32 $0x2A00, s20;
	[sflag:s0] =	ssyncadd.s32 $0xFFFFF060  }
0xce: {  	[spmem:s2] =	stream.indirect.scatter.add.f32 [tilespmem:s26], [sflag:$0xD], $0x20, s13, s19, $0xb8;
	[tilespmem:$0x17CA0] =	vst v63  }
0xcf: {  	_ = 	snop  }
0xd0: {  	[spmem:s3] =	stream.indirect.scatter.add.f32 [tilespmem:s17], [sflag:$0xD], $0x20, s13, s19, $0xb8;
	[tilespmem:$0x17CA0] =	vst v63  }
0xd1: {  	_ =	swait.ge [sflag:s14], $0xFA0  }
0xd2: {  	[sflag:s14] =	ssyncset.done $0x0  }
0xd3: {  	s13 =	sadd.s32 $0x2A80, s20;
	[sflag:s14] =	ssyncadd.s32 $0xFFFFF060  }
0xd4: {  	[spmem:s2] =	stream.indirect.scatter.add.f32 [tilespmem:s28], [sflag:$0xE], $0x20, s13, s19, $0xb8;
	[tilespmem:$0x17CA0] =	vst v63  }
0xd5: {  	_ = 	snop  }
0xd6: {  	[spmem:s3] =	stream.indirect.scatter.add.f32 [tilespmem:s17], [sflag:$0xE], $0x20, s13, s19, $0xb8;
	[tilespmem:$0x17CA0] =	vst v63  }
0xd7: {  	_ =	swait.ge [sflag:s6], $0xFA0  }
0xd8: {  	[sflag:s6] =	ssyncset.done $0x0  }
0xd9: {  	s13 =	sadd.s32 $0x2B00, s20;
	[sflag:s6] =	ssyncadd.s32 $0xFFFFF060  }
0xda: {  	[spmem:s2] =	stream.indirect.scatter.add.f32 [tilespmem:s29], [sflag:$0xF], $0x20, s13, s19, $0xb8;
	[tilespmem:$0x17CA0] =	vst v63  }
0xdb: {  	_ = 	snop  }
0xdc: {  	[spmem:s3] =	stream.indirect.scatter.add.f32 [tilespmem:s17], [sflag:$0xF], $0x20, s13, s19, $0xb8;
	[tilespmem:$0x17CA0] =	vst v63  }
0xdd: {  	_ =	swait.ge [sflag:s7], $0xFA0  }
0xde: {  	[sflag:s7] =	ssyncset.done $0x0  }
0xdf: {  	s13 =	sadd.s32 $0x2B80, s20;
	[sflag:s7] =	ssyncadd.s32 $0xFFFFF060  }
0xe0: {  	[spmem:s2] =	stream.indirect.scatter.add.f32 [tilespmem:s30], [sflag:$0x10], $0x20, s13, s19, $0xb8;
	[tilespmem:$0x17CA0] =	vst v63  }
0xe1: {  	_ = 	snop  }
0xe2: {  	[spmem:s3] =	stream.indirect.scatter.add.f32 [tilespmem:s17], [sflag:$0x10], $0x20, s13, s19, $0xb8;
	[tilespmem:$0x17CA0] =	vst v63  }
0xe3: {  	_ =	swait.ge [sflag:s8], $0xFA0  }
0xe4: {  	[sflag:s8] =	ssyncset.done $0x0  }
0xe5: {  	[sflag:s8] =	ssyncadd.s32 $0xFFFFF060  }
0xe6: {  	_ =	swait.ge [sflag:s8], $0xFA0  }
0xe7: {  	[sflag:s8] =	ssyncset.done $0x0  }
0xe8: {  	[sflag:s8] =	ssyncadd.s32 $0xFFFFF060  }
0xe9: {  	_ =	swait.ge [sflag:s10], $0xFA0  }
0xea: {  	[sflag:s10] =	ssyncset.done $0x0  }
0xeb: {  	[sflag:s10] =	ssyncadd.s32 $0xFFFFF060  }
0xec: {  	_ =	swait.ge [sflag:s10], $0xFA0  }
0xed: {  	[sflag:s10] =	ssyncset.done $0x0  }
0xee: {  	[sflag:s10] =	ssyncadd.s32 $0xFFFFF060  }
0xef: {  	_ =	swait.ge [sflag:s11], $0xFA0  }
0xf0: {  	[sflag:s11] =	ssyncset.done $0x0  }
0xf1: {  	[sflag:s11] =	ssyncadd.s32 $0xFFFFF060  }
0xf2: {  	_ =	swait.ge [sflag:s11], $0xFA0  }
0xf3: {  	[sflag:s11] =	ssyncset.done $0x0  }
0xf4: {  	[sflag:s11] =	ssyncadd.s32 $0xFFFFF060  }
0xf5: {  	_ =	swait.ge [sflag:s12], $0xFA0  }
0xf6: {  	[sflag:s12] =	ssyncset.done $0x0  }
0xf7: {  	[sflag:s12] =	ssyncadd.s32 $0xFFFFF060  }
0xf8: {  	_ =	swait.ge [sflag:s12], $0xFA0  }
0xf9: {  	[sflag:s12] =	ssyncset.done $0x0  }
0xfa: {  	[sflag:s12] =	ssyncadd.s32 $0xFFFFF060  }
0xfb: {  	_ =	swait.ge [sflag:s4], $0xFA0  }
0xfc: {  	[sflag:s4] =	ssyncset.done $0x0  }
0xfd: {  	[sflag:s4] =	ssyncadd.s32 $0xFFFFF060  }
0xfe: {  	_ =	swait.ge [sflag:s4], $0xFA0  }
0xff: {  	[sflag:s4] =	ssyncset.done $0x0  }
0x100: {  	[sflag:s4] =	ssyncadd.s32 $0xFFFFF060  }
0x101: {  	_ =	swait.ge [sflag:s9], $0xFA0  }
0x102: {  	[sflag:s9] =	ssyncset.done $0x0  }
0x103: {  	[sflag:s9] =	ssyncadd.s32 $0xFFFFF060  }
0x104: {  	_ =	swait.ge [sflag:s9], $0xFA0  }
0x105: {  	[sflag:s9] =	ssyncset.done $0x0  }
0x106: {  	[sflag:s9] =	ssyncadd.s32 $0xFFFFF060  }
0x107: {  	_ =	swait.ge [sflag:s16], $0xFA0  }
0x108: {  	[sflag:s16] =	ssyncset.done $0x0  }
0x109: {  	[sflag:s16] =	ssyncadd.s32 $0xFFFFF060  }
0x10a: {  	_ =	swait.ge [sflag:s16], $0xFA0  }
0x10b: {  	[sflag:s16] =	ssyncset.done $0x0  }
0x10c: {  	[sflag:s16] =	ssyncadd.s32 $0xFFFFF060  }
.Ltmp0:
0x10d: {  	_ =	swait.ge [sflag:s18], $0xFA0;
	(pc) =	sbr.rel @p0 .LBB2_2-.Ltmp0, $4  }
0x10e: {  	[sflag:s18] =	ssyncset.done $0x0  }
0x10f: {  	[sflag:s18] =	ssyncadd.s32 $0xFFFFF060  }
0x110: {  	_ =	swait.ge [sflag:s18], $0xFA0  }
0x111: {  	s13 =	smov.u32 s21;
	[sflag:s18] =	ssyncset.done $0x0  }
0x112: {  	s13 =	sshra.s32 s15, $0x2;
	[sflag:s18] =	ssyncadd.s32 $0xFFFFF060;
	s20 =	simm.s32 $0x5000  }
0x113: {  	[tilespmem:s20], [sflag:$0x1] =	stream.indirect.gather [hbm4b:s5+s19], $0x20, s13, s19, $0xb8;
	[tilespmem:$0x17CA0] =	vst v63  }
0x114: {  	s21 =	simm.s32 $0x5FA0;
	s15 =	sadd.s32 $0x80, s13  }
0x115: {  	[tilespmem:s21], [sflag:$0x2] =	stream.indirect.gather [hbm4b:s5+s19], $0x20, s15, s19, $0xb8;
	[tilespmem:$0x17CA0] =	vst v63  }
0x116: {  	s22 =	simm.s32 $0x6F40;
	s23 =	sadd.s32 $0x100, s13  }
0x117: {  	[tilespmem:s22], [sflag:$0x3] =	stream.indirect.gather [hbm4b:s5+s19], $0x20, s23, s19, $0xb8;
	[tilespmem:$0x17CA0] =	vst v63  }
0x118: {  	s24 =	sadd.s32 $0x180, s13;
	s23 =	simm.s32 $0x7EE0  }
0x119: {  	[tilespmem:s23], [sflag:$0x4] =	stream.indirect.gather [hbm4b:s5+s19], $0x20, s24, s19, $0xb8;
	[tilespmem:$0x17CA0] =	vst v63  }
0x11a: {  	s25 =	sadd.s32 $0x200, s13;
	s24 =	simm.s32 $0x8E80  }
0x11b: {  	[tilespmem:s24], [sflag:$0x5] =	stream.indirect.gather [hbm4b:s5+s19], $0x20, s25, s19, $0xb8;
	[tilespmem:$0x17CA0] =	vst v63  }
0x11c: {  	s26 =	sadd.s32 $0x280, s13;
	s25 =	simm.s32 $0x9E20  }
0x11d: {  	[tilespmem:s25], [sflag:$0x6] =	stream.indirect.gather [hbm4b:s5+s19], $0x20, s26, s19, $0xb8;
	[tilespmem:$0x17CA0] =	vst v63  }
0x11e: {  	s28 =	sadd.s32 $0x300, s13;
	s26 =	simm.s32 $0xADC0  }
0x11f: {  	[tilespmem:s26], [sflag:$0x7] =	stream.indirect.gather [hbm4b:s5+s19], $0x20, s28, s19, $0xb8;
	[tilespmem:$0x17CA0] =	vst v63  }
0x120: {  	s15 =	sadd.s32 $0x380, s13;
	s28 =	simm.s32 $0xBD60  }
0x121: {  	[tilespmem:s28], [sflag:$0x8] =	stream.indirect.gather [hbm4b:s5+s19], $0x20, s15, s19, $0xb8;
	[tilespmem:$0x17CA0] =	vst v63  }
0x122: {  	s15 =	simm.s32 $0x1  }
0x123: {  	_ =	swait.ge [sflag:s15], $0xFA0  }
0x124: {  	[sflag:s15] =	ssyncset.done $0x0  }
0x125: {  	[sflag:s15] =	ssyncadd.s32 $0xFFFFF060;
	s15 =	sadd.s32 $0x2800, s13  }
0x126: {  	[spmem:s2] =	stream.indirect.scatter.add.f32 [tilespmem:s20], [sflag:$0x9], $0x20, s15, s19, $0xb8;
	[tilespmem:$0x17CA0] =	vst v63  }
0x127: {  	s20 =	simm.s32 $0x2  }
0x128: {  	[spmem:s3] =	stream.indirect.scatter.add.f32 [tilespmem:s17], [sflag:$0x9], $0x20, s15, s19, $0xb8;
	[tilespmem:$0x17CA0] =	vst v63  }
0x129: {  	_ =	swait.ge [sflag:s20], $0xFA0  }
0x12a: {  	[sflag:s20] =	ssyncset.done $0x0  }
0x12b: {  	[sflag:s20] =	ssyncadd.s32 $0xFFFFF060;
	s20 =	sadd.s32 $0x2880, s13  }
0x12c: {  	[spmem:s2] =	stream.indirect.scatter.add.f32 [tilespmem:s21], [sflag:$0xA], $0x20, s20, s19, $0xb8;
	[tilespmem:$0x17CA0] =	vst v63  }
0x12d: {  	_ = 	snop  }
0x12e: {  	[spmem:s3] =	stream.indirect.scatter.add.f32 [tilespmem:s17], [sflag:$0xA], $0x20, s20, s19, $0xb8;
	[tilespmem:$0x17CA0] =	vst v63  }
0x12f: {  	_ =	swait.ge [sflag:s31], $0xFA0  }
0x130: {  	[sflag:s31] =	ssyncset.done $0x0  }
0x131: {  	s21 =	sadd.s32 $0x2900, s13;
	[sflag:s31] =	ssyncadd.s32 $0xFFFFF060  }
0x132: {  	[spmem:s2] =	stream.indirect.scatter.add.f32 [tilespmem:s22], [sflag:$0xB], $0x20, s21, s19, $0xb8;
	[tilespmem:$0x17CA0] =	vst v63  }
0x133: {  	_ = 	snop  }
0x134: {  	[spmem:s3] =	stream.indirect.scatter.add.f32 [tilespmem:s17], [sflag:$0xB], $0x20, s21, s19, $0xb8;
	[tilespmem:$0x17CA0] =	vst v63  }
0x135: {  	_ =	swait.ge [sflag:s1], $0xFA0  }
0x136: {  	[sflag:s1] =	ssyncset.done $0x0  }
0x137: {  	s20 =	sadd.s32 $0x2980, s13;
	[sflag:s1] =	ssyncadd.s32 $0xFFFFF060  }
0x138: {  	[spmem:s2] =	stream.indirect.scatter.add.f32 [tilespmem:s23], [sflag:$0xC], $0x20, s20, s19, $0xb8;
	[tilespmem:$0x17CA0] =	vst v63  }
0x139: {  	_ = 	snop  }
0x13a: {  	[spmem:s3] =	stream.indirect.scatter.add.f32 [tilespmem:s17], [sflag:$0xC], $0x20, s20, s19, $0xb8;
	[tilespmem:$0x17CA0] =	vst v63  }
0x13b: {  	_ =	swait.ge [sflag:s0], $0xFA0  }
0x13c: {  	[sflag:s0] =	ssyncset.done $0x0  }
0x13d: {  	s21 =	sadd.s32 $0x2A00, s13;
	[sflag:s0] =	ssyncadd.s32 $0xFFFFF060  }
0x13e: {  	[spmem:s2] =	stream.indirect.scatter.add.f32 [tilespmem:s24], [sflag:$0xD], $0x20, s21, s19, $0xb8;
	[tilespmem:$0x17CA0] =	vst v63  }
0x13f: {  	_ = 	snop  }
0x140: {  	[spmem:s3] =	stream.indirect.scatter.add.f32 [tilespmem:s17], [sflag:$0xD], $0x20, s21, s19, $0xb8;
	[tilespmem:$0x17CA0] =	vst v63  }
0x141: {  	_ =	swait.ge [sflag:s14], $0xFA0  }
0x142: {  	[sflag:s14] =	ssyncset.done $0x0  }
0x143: {  	s22 =	sadd.s32 $0x2A80, s13;
	[sflag:s14] =	ssyncadd.s32 $0xFFFFF060  }
0x144: {  	[spmem:s2] =	stream.indirect.scatter.add.f32 [tilespmem:s25], [sflag:$0xE], $0x20, s22, s19, $0xb8;
	[tilespmem:$0x17CA0] =	vst v63  }
0x145: {  	_ = 	snop  }
0x146: {  	[spmem:s3] =	stream.indirect.scatter.add.f32 [tilespmem:s17], [sflag:$0xE], $0x20, s22, s19, $0xb8;
	[tilespmem:$0x17CA0] =	vst v63  }
0x147: {  	_ =	swait.ge [sflag:s6], $0xFA0  }
0x148: {  	[sflag:s6] =	ssyncset.done $0x0  }
0x149: {  	s23 =	sadd.s32 $0x2B00, s13;
	[sflag:s6] =	ssyncadd.s32 $0xFFFFF060  }
0x14a: {  	[spmem:s2] =	stream.indirect.scatter.add.f32 [tilespmem:s26], [sflag:$0xF], $0x20, s23, s19, $0xb8;
	[tilespmem:$0x17CA0] =	vst v63  }
0x14b: {  	_ = 	snop  }
0x14c: {  	[spmem:s3] =	stream.indirect.scatter.add.f32 [tilespmem:s17], [sflag:$0xF], $0x20, s23, s19, $0xb8;
	[tilespmem:$0x17CA0] =	vst v63  }
0x14d: {  	_ =	swait.ge [sflag:s7], $0xFA0  }
0x14e: {  	[sflag:s7] =	ssyncset.done $0x0  }
0x14f: {  	s13 =	sadd.s32 $0x2B80, s13;
	[sflag:s7] =	ssyncadd.s32 $0xFFFFF060  }
0x150: {  	[spmem:s2] =	stream.indirect.scatter.add.f32 [tilespmem:s28], [sflag:$0x10], $0x20, s13, s19, $0xb8;
	[tilespmem:$0x17CA0] =	vst v63  }
0x151: {  	_ = 	snop  }
0x152: {  	[spmem:s3] =	stream.indirect.scatter.add.f32 [tilespmem:s17], [sflag:$0x10], $0x20, s13, s19, $0xb8;
	[tilespmem:$0x17CA0] =	vst v63  }
0x153: {  	_ =	swait.ge [sflag:s8], $0xFA0  }
0x154: {  	[sflag:s8] =	ssyncset.done $0x0  }
0x155: {  	[sflag:s8] =	ssyncadd.s32 $0xFFFFF060  }
0x156: {  	_ =	swait.ge [sflag:s8], $0xFA0  }
0x157: {  	[sflag:s8] =	ssyncset.done $0x0  }
0x158: {  	[sflag:s8] =	ssyncadd.s32 $0xFFFFF060  }
0x159: {  	_ =	swait.ge [sflag:s10], $0xFA0  }
0x15a: {  	[sflag:s10] =	ssyncset.done $0x0  }
0x15b: {  	[sflag:s10] =	ssyncadd.s32 $0xFFFFF060  }
0x15c: {  	_ =	swait.ge [sflag:s10], $0xFA0  }
0x15d: {  	[sflag:s10] =	ssyncset.done $0x0  }
0x15e: {  	[sflag:s10] =	ssyncadd.s32 $0xFFFFF060  }
0x15f: {  	_ =	swait.ge [sflag:s11], $0xFA0  }
0x160: {  	[sflag:s11] =	ssyncset.done $0x0  }
0x161: {  	[sflag:s11] =	ssyncadd.s32 $0xFFFFF060  }
0x162: {  	_ =	swait.ge [sflag:s11], $0xFA0  }
0x163: {  	[sflag:s11] =	ssyncset.done $0x0  }
0x164: {  	[sflag:s11] =	ssyncadd.s32 $0xFFFFF060  }
0x165: {  	_ =	swait.ge [sflag:s12], $0xFA0  }
0x166: {  	[sflag:s12] =	ssyncset.done $0x0  }
0x167: {  	[sflag:s12] =	ssyncadd.s32 $0xFFFFF060  }
0x168: {  	_ =	swait.ge [sflag:s12], $0xFA0  }
0x169: {  	[sflag:s12] =	ssyncset.done $0x0  }
0x16a: {  	[sflag:s12] =	ssyncadd.s32 $0xFFFFF060  }
0x16b: {  	_ =	swait.ge [sflag:s4], $0xFA0  }
0x16c: {  	[sflag:s4] =	ssyncset.done $0x0  }
0x16d: {  	[sflag:s4] =	ssyncadd.s32 $0xFFFFF060  }
0x16e: {  	_ =	swait.ge [sflag:s4], $0xFA0  }
0x16f: {  	[sflag:s4] =	ssyncset.done $0x0  }
0x170: {  	[sflag:s4] =	ssyncadd.s32 $0xFFFFF060  }
0x171: {  	_ =	swait.ge [sflag:s9], $0xFA0  }
0x172: {  	[sflag:s9] =	ssyncset.done $0x0  }
0x173: {  	[sflag:s9] =	ssyncadd.s32 $0xFFFFF060  }
0x174: {  	_ =	swait.ge [sflag:s9], $0xFA0  }
0x175: {  	[sflag:s9] =	ssyncset.done $0x0  }
0x176: {  	[sflag:s9] =	ssyncadd.s32 $0xFFFFF060  }
0x177: {  	_ =	swait.ge [sflag:s16], $0xFA0  }
0x178: {  	[sflag:s16] =	ssyncset.done $0x0  }
0x179: {  	[sflag:s16] =	ssyncadd.s32 $0xFFFFF060  }
0x17a: {  	_ =	swait.ge [sflag:s16], $0xFA0  }
0x17b: {  	[sflag:s16] =	ssyncset.done $0x0  }
0x17c: {  	[sflag:s16] =	ssyncadd.s32 $0xFFFFF060  }
0x17d: {  	_ =	swait.ge [sflag:s18], $0xFA0  }
0x17e: {  	[sflag:s18] =	ssyncset.done $0x0  }
0x17f: {  	[sflag:s18] =	ssyncadd.s32 $0xFFFFF060  }
0x180: {  	_ =	swait.ge [sflag:s18], $0xFA0  }
0x181: {  	[sflag:s18] =	ssyncset.done $0x0  }
0x182: {  	[sflag:s18] =	ssyncadd.s32 $0xFFFFF060  }
0x183: {  	[bflag:$0x0] =	sbarrier.arrive $0xFFFF  }
0x184: {  	s24 =	rddreg [dreg:$0x9]  }
0x185: {  	s15 =	rddreg [dreg:$0xc]  }
0x186: {  	s21 =	simm.s32 $0x11;
	s20 =	rddreg [dreg:$0xd]  }
0x187: {  	[hbm:s24], [sflag:s15] =	dma.local [spmem:s20], $0xA00  }
0x188: {  	_ =	swait.ge [sflag:s21], $0xA00  }
0x189: {  	[sflag:s21] =	ssyncset.done $0x0;
	s25 =	rddreg [dreg:$0xa]  }
0x18a: {  	s23 =	rddreg [dreg:$0xe];
	[sflag:s21] =	ssyncadd.s32 $0xFFFFF600  }
0x18b: {  	[hbm:s25], [sflag:s15] =	dma.local [spmem:s23], $0xA00  }
0x18c: {  	_ =	swait.ge [sflag:s21], $0xA00  }
0x18d: {  	s26 =	rddreg [dreg:$0xf]  }
0x18e: {  	s28 =	rddreg [dreg:$0xb];
	s22 =	sadd.s32 $0x1, s26  }
0x18f: {  	p0 =	sne.s32 s22, s28  }
.Ltmp1:
0x190: {  	_ = 	snop;
	(pc) =	sbr.rel @p0 .LBB2_1-.Ltmp1, $3  }
0x191: {  	_ =	sdelay $0x1  }
0x192: {  	[sflag:s21] =	ssyncset.done $0x0  }
0x193: {  	[sflag:s21] =	ssyncadd.s32 $0xFFFFF600  }
0x194: {  	_ =	sfence.sel $0x180000  }
0x195: {  	[bflag:$0x0] =	sbarrier.arrive $0xFFFF  }
0x196: {  	_ =	strace $0x90000047  }
0x197: {  	s0 =	stileid.u32;
	[bflag:$0x2] =	sbarrier.arrive $0xFFFF  }
0x198: {  	p0 =	sne.s32 s0, $0x0;
	s0 =	rddreg [dreg:$0x4]  }
0x199: {  	s0 =	sadd.s32 @!p0 $0x100000, s0  }
0x19a: {  	[sflag:s0] =	ssyncadd.tile.s32 @!p0 $0x1;
	_ =	shalt  }
.Lfunc_end2:
_tile_overlayer_lowered:
.L_overlay_start_2:
0x19b: {  	(tag) =	ssettag $0x2  }
0x19c: {  	s0 =	rddreg [dreg:$0x0];
	s2 =	stileid.u32  }
0x19d: {  	s1 =	rddreg [dreg:$0x1];
	p0 =	sne.s32 s2, $0x0  }
0x19e: {  	s3 =	rddreg [dreg:$0x2];
	[bflag:$0x3] =	sbarrier.arrive $0xFFFF;
	s2 =	simm.s32 @!p0 $0x1C11  }
0x19f: {  	[timem:s3], [sflag:s2] =	dma.local @!p0 [hbm:s0], s1  }
0x1a0: {  	s0 =	simm.s32 @!p0 $0x11  }
0x1a1: {  	_ =	swait.ge @!p0 [sflag:s0], s1  }
0x1a2: {  	s1 =	ssub.s32 @!p0 $0x0, s1;
	[sflag:s0] =	ssyncset.done @!p0 $0x0  }
0x1a3: {  	[sflag:s0] =	ssyncadd.s32 @!p0 s1  }
0x1a4: {  	[bflag:$0x3] =	sbarrier.arrive $0xFFFF  }
0x1a5: {  	_ =	shalt  }

</sc_bundles>
